<compile_context>
chip_gen: v7x
topology: tpu7x:2x2x1
jax: 0.10.2.dev20260603
libtpu: 0.0.44.dev20260713+nightly
codegen_flags: <defaults>
</compile_context>

<pallas_src>
import functools

import jax
import jax.numpy as jnp
from jax import lax
from jax.experimental import pallas as pl
from jax.experimental.pallas import tpu as pltpu
from jax.experimental.pallas import tpu_sc as plsc

_LANES = 128
_KB = 16
_CH = 2048
_NC = 2
_NS = 16
_D = 8
_PK = _LANES // _D


def _sc_aggregate(table, src_flat, dst_flat, zeros, n_acc):
  e_pad = src_flat.shape[0]
  edges_per_tile = e_pad // (_NC * _NS)
  zr = n_acc // _NS
  mesh = plsc.VectorSubcoreMesh(core_axis_name="c", subcore_axis_name="s")

  n_chunks = edges_per_tile // _CH

  @functools.partial(
      pl.kernel, mesh=mesh,
      compiler_params=pltpu.CompilerParams(use_tc_tiling_on_sc=False),
      out_type=jax.ShapeDtypeStruct((_NC, n_acc, _D), jnp.float32),
      scratch_types=[
          pltpu.VMEM((2, _CH), jnp.int32),
          pltpu.VMEM((2, _CH), jnp.int32),
          pltpu.VMEM((2, _CH, _D), jnp.float32),
          pltpu.VMEM_SHARED((n_acc, _D), jnp.float32),
          pltpu.SemaphoreType.DMA,
          pltpu.SemaphoreType.DMA,
      ],
  )
  def agg(table_hbm, src_hbm, dst_hbm, z_hbm, out_hbm, srcv, dstv, rowsv,
          acc, sem_g, sem_i):
    cid = lax.axis_index("c")
    sid = lax.axis_index("s")
    wid = sid * _NC + cid
    tile_slice = pl.ds(sid * zr, zr)
    pltpu.sync_copy(z_hbm.at[tile_slice], acc.at[tile_slice])
    plsc.subcore_barrier()
    base = wid * edges_per_tile
    last = n_chunks - 1

    def off(q):
      return base + jnp.minimum(q, last) * _CH

    def issue_idx(q, b):
      pltpu.async_copy(src_hbm.at[pl.ds(off(q), _CH)], srcv.at[b], sem_i)
      pltpu.async_copy(dst_hbm.at[pl.ds(off(q), _CH)], dstv.at[b], sem_i)

    def wait_idx(b):
      pltpu.make_async_copy(src_hbm.at[pl.ds(base, _CH)], srcv.at[b],
                            sem_i).wait()
      pltpu.make_async_copy(dst_hbm.at[pl.ds(base, _CH)], dstv.at[b],
                            sem_i).wait()

    def fire_gathers(b):
      pltpu.async_copy(table_hbm.at[srcv.at[b]], rowsv.at[b], sem_g)

    def wait_gathers(b):
      pltpu.make_async_copy(table_hbm.at[srcv.at[b]], rowsv.at[b],
                            sem_g).wait()

    def scatters(b):
      pltpu.sync_copy(rowsv.at[b], acc.at[dstv.at[b]], add=True)

    pltpu.sync_copy(src_hbm.at[pl.ds(base, _CH)], srcv.at[0])
    pltpu.sync_copy(dst_hbm.at[pl.ds(base, _CH)], dstv.at[0])
    fire_gathers(0)
    issue_idx(1, 1)

    @pl.loop(0, n_chunks, step=2)
    def _(qq):
      for ph in (0, 1):
        q = qq + ph
        wait_gathers(ph)
        wait_idx(1 - ph)
        fire_gathers(1 - ph)
        scatters(ph)
        issue_idx(q + 2, ph)

    wait_gathers(0)
    wait_idx(1)

    plsc.subcore_barrier()
    pltpu.sync_copy(acc.at[tile_slice], out_hbm.at[cid, tile_slice])

  return agg(table, src_flat, dst_flat, zeros)


def _blockdiag(w):
  din, dout = w.shape
  w8 = jnp.zeros((_D, _D), jnp.float32).at[:din, :dout].set(w)
  return jnp.kron(jnp.eye(_PK, dtype=jnp.float32), w8)


def _brow(b):
  b8 = jnp.zeros((_D,), jnp.float32).at[:b.shape[0]].set(b)
  return jnp.tile(b8, _PK).reshape(1, _LANES)


def _dot(a, b):
  return jax.lax.dot_general(a, b, (((1,), (0,)), ((), ())),
                             precision=jax.lax.Precision.HIGHEST)


def _combine1(p, xa_p, wl_blk, wr_blk, b_row, sel_deg):
  r = xa_p.shape[0]

  def body(pr, xar, wlr, wrr, br, selr, h_ref, dinv_ref):
    s = pr[0] + pr[1]
    dinv = 1.0 / jnp.maximum(_dot(s, selr[...]), 1.0)
    z = _dot(s * dinv, wlr[...]) + br[...] + _dot(xar[...], wrr[...])
    h_ref[...] = jnp.maximum(z, 0.0)
    dinv_ref[...] = dinv

  return pl.pallas_call(
      body,
      out_shape=[jax.ShapeDtypeStruct((r, _LANES), jnp.float32),
                 jax.ShapeDtypeStruct((r, _LANES), jnp.float32)],
  )(p, xa_p, wl_blk, wr_blk, b_row, sel_deg)


def _combine_mid(p, dinv_p, h_prev_p, wl_blk, wr_blk, b_row):
  r = h_prev_p.shape[0]

  def body(pr, dvr, hr, wlr, wrr, br, h_ref):
    mean = (pr[0] + pr[1]) * dvr[...]
    z = _dot(mean, wlr[...]) + br[...] + _dot(hr[...], wrr[...])
    h_ref[...] = jnp.maximum(z, 0.0)

  return pl.pallas_call(
      body,
      out_shape=jax.ShapeDtypeStruct((r, _LANES), jnp.float32),
  )(p, dinv_p, h_prev_p, wl_blk, wr_blk, b_row)


def _combine_last(p, dinv_p, h_prev_p, wl_blk, wr_blk, b_row, wc_blk, bc_row):
  r = h_prev_p.shape[0]

  def body(pr, dvr, hr, wlr, wrr, br, wcr, bcr, out_ref, h_ref):
    mean = (pr[0] + pr[1]) * dvr[...]
    z = _dot(mean, wlr[...]) + br[...] + _dot(hr[...], wrr[...])
    h = jnp.maximum(z, 0.0)
    h_ref[...] = h
    out_ref[...] = _dot(h, wcr[...]) + bcr[...]

  return pl.pallas_call(
      body,
      out_shape=[jax.ShapeDtypeStruct((r, _LANES), jnp.float32),
                 jax.ShapeDtypeStruct((r, _LANES), jnp.float32)],
  )(p, dinv_p, h_prev_p, wl_blk, wr_blk, b_row, wc_blk, bc_row)


def kernel(x, edge_index, w1l, b1, w1r, w2l, b2, w2r, w3l, b3, w3r, wc, bc):
  n = x.shape[0]
  e = edge_index.shape[1]

  group = _NC * _NS * _KB * _LANES * 2
  e_pad = ((e + group - 1) // group) * group
  n_acc = ((n + _LANES) // _LANES) * _LANES
  r = n_acc // _PK

  src = edge_index[0]
  dst = edge_index[1]
  npad = e_pad - e
  if npad:
    src = jnp.concatenate([src, jnp.zeros((npad,), jnp.int32)])
    pad_dst = n + (jnp.arange(npad, dtype=jnp.int32) % (n_acc - n))
    dst = jnp.concatenate([dst, pad_dst])


  xa = jnp.concatenate(
      [x, jnp.ones((n, 1), jnp.float32), jnp.zeros((n, _D - 2), jnp.float32)],
      axis=1)
  xa = jnp.concatenate([xa, jnp.zeros((n_acc - n, _D), jnp.float32)], axis=0)
  z8 = jnp.zeros((n_acc, _D), jnp.float32)

  sel8 = jnp.zeros((_D, _D), jnp.float32).at[1, :].set(1.0)
  sel_deg = jnp.kron(jnp.eye(_PK, dtype=jnp.float32), sel8)
  wl1, wr1, wl2, wr2, wl3, wr3, wcb = (
      _blockdiag(w) for w in (w1l, w1r, w2l, w2r, w3l, w3r, wc))
  br1, br2, br3, bcr = (_brow(b) for b in (b1, b2, b3, bc))

  xp = xa.reshape(r, _LANES)
  p = _sc_aggregate(xa, src, dst, z8, n_acc)
  h1p, dinvp = _combine1(p.reshape(_NC, r, _LANES), xp, wl1, wr1, br1, sel_deg)
  p = _sc_aggregate(h1p.reshape(n_acc, _D), src, dst, z8, n_acc)
  h2p = _combine_mid(p.reshape(_NC, r, _LANES), dinvp, h1p, wl2, wr2, br2)
  p = _sc_aggregate(h2p.reshape(n_acc, _D), src, dst, z8, n_acc)
  outp, h3p = _combine_last(p.reshape(_NC, r, _LANES), dinvp, h2p,
                            wl3, wr3, br3, wcb, bcr)
  out = outp.reshape(n_acc, _D)[:n, :2]
  h3 = h3p.reshape(n_acc, _D)[:n, :2]
  return (out, h3)

# --- scband reference (transcript-rebuilt; emitter-appended) ---
"""Pipeline reference for scband-gcn-33234456937224 (READ-ONLY COPY).

The authoritative reference and input builder live on the scoring server;
editing this copy changes nothing except your own understanding.
"""

import jax, jax.numpy as jnp
import numpy as np

N = 100000
E = 6400000


def _glorot(key, shape):
    fan_in, fan_out = shape[0], shape[1]
    lim = float(np.sqrt(6.0 / (fan_in + fan_out)))
    return jax.random.uniform(key, shape, jnp.float32, -lim, lim)


def setup_inputs(seed: int = 0) -> dict:
    key = jax.random.key(seed)
    ks = jax.random.split(key, 14)
    x = jax.random.normal(ks[0], (N, 1), jnp.float32)
    edge_index = jax.random.randint(ks[1], (2, E), 0, N, dtype=jnp.int32)
    # SAGEConv(1,4): lin_l (neighbor agg, with bias), lin_r (root, no bias)
    w1l = _glorot(ks[2], (1, 4)); b1 = jnp.zeros((4,), jnp.float32); w1r = _glorot(ks[3], (1, 4))
    # SAGEConv(4,4)
    w2l = _glorot(ks[4], (4, 4)); b2 = jnp.zeros((4,), jnp.float32); w2r = _glorot(ks[5], (4, 4))
    # SAGEConv(4,2)
    w3l = _glorot(ks[6], (4, 2)); b3 = jnp.zeros((2,), jnp.float32); w3r = _glorot(ks[7], (4, 2))
    # classifier Linear(2, 2)
    wc = _glorot(ks[8], (2, 2)); bc = jnp.zeros((2,), jnp.float32)
    return {"x": x, "edge_index": edge_index,
            "w1l": w1l, "b1": b1, "w1r": w1r,
            "w2l": w2l, "b2": b2, "w2r": w2r,
            "w3l": w3l, "b3": b3, "w3r": w3r,
            "wc": wc, "bc": bc}


def _sage_conv(x, edge_index, wl, bl, wr):
    # PyG SAGEConv with mean aggregation:
    #   out = lin_l(mean_{j in N(i)} x_j) + lin_r(x_i)
    src = edge_index[0]
    dst = edge_index[1]
    msg = jnp.take(x, src, axis=0)                      # gather [E, d]
    agg = jax.ops.segment_sum(msg, dst, num_segments=N)  # scatter-add [N, d]
    ones = jnp.ones((edge_index.shape[1], 1), x.dtype)
    deg = jax.ops.segment_sum(ones, dst, num_segments=N)
    mean = agg / jnp.clip(deg, 1.0, None)
    return mean @ wl + bl + x @ wr


def reference(x, edge_index, w1l, b1, w1r, w2l, b2, w2r, w3l, b3, w3r, wc, bc):
    h = _sage_conv(x, edge_index, w1l, b1, w1r)
    h = jax.nn.relu(h)
    h = _sage_conv(h, edge_index, w2l, b2, w2r)
    h = jax.nn.relu(h)
    h = _sage_conv(h, edge_index, w3l, b3, w3r)
    h = jax.nn.relu(h)
    out = h @ wc + bc
    return (out, h)

if __name__ == "__main__":
    import jax
    _d = setup_inputs()
    print(jax.jit(kernel)(*tuple(_d.values())))

</pallas_src>

<mosaic_0001>
#map = affine_map<(d0, d1) -> (0, 0)>
#map1 = affine_map<(d0, d1) -> (0)>
#map2 = affine_map<(d0, d1) -> (0, 0, 0)>
module attributes {stable_mosaic.version = 14 : i64} {
  func.func @agg(%arg0: i32, %arg1: i32, %arg2: memref<100096x8xf32, #tpu.memory_space<hbm>>, %arg3: memref<6422528xi32, #tpu.memory_space<hbm>>, %arg4: memref<6422528xi32, #tpu.memory_space<hbm>>, %arg5: memref<100096x8xf32, #tpu.memory_space<hbm>>, %arg6: memref<2x100096x8xf32, #tpu.memory_space<hbm>>, %arg7: memref<2x2048xi32, #tpu.memory_space<vmem>>, %arg8: memref<2x2048xi32, #tpu.memory_space<vmem>>, %arg9: memref<2x2048x8xf32, #tpu.memory_space<vmem>>, %arg10: memref<100096x8xf32, #tpu.memory_space<vmem_shared>>, %arg11: memref<!tpu.dma_semaphore, #tpu.memory_space<semaphore_mem>>, %arg12: memref<!tpu.dma_semaphore, #tpu.memory_space<semaphore_mem>>) attributes {dimension_semantics = [#tpu.dimension_semantics<core_parallel>, #tpu.dimension_semantics<subcore_parallel>], iteration_bounds = array<i64: 2, 16>, scalar_prefetch = 0 : i64, scratch_operands = 6 : i64, tpu.core_type = #tpu.core_type<sc_vector_subcore>, window_params = [{transform_indices = #map}, {transform_indices = #map1}, {transform_indices = #map1}, {transform_indices = #map}, {transform_indices = #map2}]} {
    %mul3A = arith.constant 2 : i32
    %mul3A_0 = arith.muli %arg1, %mul3A : i32
    %add3A = arith.addi %mul3A_0, %arg0 : i32
    %mul3A_1 = arith.constant 6256 : i32
    %mul3A_2 = arith.muli %arg1, %mul3A_1 : i32
    "tpu.region"() ({
      %run_scoped3A_80 = tpu.sem_alloc : memref<!tpu.dma_semaphore, #tpu.memory_space<semaphore_mem>>
      %dma_start3A_81 = arith.constant 0 : i32
      %dma_start3A_82 = tpu.memref_slice %arg10[%mul3A_2, %dma_start3A_81] : memref<100096x8xf32, #tpu.memory_space<vmem_shared>> -> memref<6256x8xf32, #tpu.memory_space<vmem_shared>>
      %dma_start3A_83 = arith.constant 0 : i32
      %dma_start3A_84 = tpu.memref_slice %arg5[%mul3A_2, %dma_start3A_83] : memref<100096x8xf32, #tpu.memory_space<hbm>> -> memref<6256x8xf32, #tpu.memory_space<hbm>>
      tpu.enqueue_dma source(%dma_start3A_84 : memref<6256x8xf32, #tpu.memory_space<hbm>>) target(%dma_start3A_82 : memref<6256x8xf32, #tpu.memory_space<vmem_shared>>) target_semaphore(%run_scoped3A_80 : memref<!tpu.dma_semaphore, #tpu.memory_space<semaphore_mem>>)
      %dma_wait3A_85 = arith.constant 0 : i32
      %dma_wait3A_86 = tpu.memref_slice %arg10[%mul3A_2, %dma_wait3A_85] : memref<100096x8xf32, #tpu.memory_space<vmem_shared>> -> memref<6256x8xf32, #tpu.memory_space<vmem_shared>>
      %dma_wait3A_87 = arith.constant 0 : i32
      %dma_wait3A_88 = tpu.memref_slice %arg5[%mul3A_2, %dma_wait3A_87] : memref<100096x8xf32, #tpu.memory_space<hbm>> -> memref<6256x8xf32, #tpu.memory_space<hbm>>
      tpu.wait_dma2 semaphore(%run_scoped3A_80 : memref<!tpu.dma_semaphore, #tpu.memory_space<semaphore_mem>>) src(%dma_wait3A_88 : memref<6256x8xf32, #tpu.memory_space<hbm>>) dst(%dma_wait3A_86 : memref<6256x8xf32, #tpu.memory_space<vmem_shared>>)
      tpu.yield
    }) : () -> ()
    %barrier3A = arith.constant 0 : index
    tpu.barrier barrier_id(%barrier3A)
    %mul3A_3 = arith.constant 200704 : i32
    %mul3A_4 = arith.muli %add3A, %mul3A_3 : i32
    %run_scoped3A = arith.constant 0 : i32
    "tpu.region"() ({
      %run_scoped3A_80 = tpu.sem_alloc : memref<!tpu.dma_semaphore, #tpu.memory_space<semaphore_mem>>
      %dma_start3A_81 = arith.constant 0 : i32
      %dma_start3A_82 = tpu.memref_slice %arg7[%run_scoped3A, %dma_start3A_81] : memref<2x2048xi32, #tpu.memory_space<vmem>> -> memref<1x2048xi32, #tpu.memory_space<vmem>>
      %dma_start3A_83 = tpu.memref_squeeze %dma_start3A_82 : memref<1x2048xi32, #tpu.memory_space<vmem>> -> memref<2048xi32, #tpu.memory_space<vmem>>
      %dma_start3A_84 = tpu.memref_slice %arg3[%mul3A_4] : memref<6422528xi32, #tpu.memory_space<hbm>> -> memref<2048xi32, #tpu.memory_space<hbm>>
      %dma_start3A_85 = arith.constant 0 : i32
      %dma_start3A_86 = tpu.memref_slice %arg7[%run_scoped3A, %dma_start3A_85] : memref<2x2048xi32, #tpu.memory_space<vmem>> -> memref<1x2048xi32, #tpu.memory_space<vmem>>
      %dma_start3A_87 = tpu.memref_squeeze %dma_start3A_86 : memref<1x2048xi32, #tpu.memory_space<vmem>> -> memref<2048xi32, #tpu.memory_space<vmem>>
      %dma_start3A_88 = tpu.memref_slice %arg3[%mul3A_4] : memref<6422528xi32, #tpu.memory_space<hbm>> -> memref<2048xi32, #tpu.memory_space<hbm>>
      tpu.enqueue_dma source(%dma_start3A_88 : memref<2048xi32, #tpu.memory_space<hbm>>) target(%dma_start3A_87 : memref<2048xi32, #tpu.memory_space<vmem>>) target_semaphore(%run_scoped3A_80 : memref<!tpu.dma_semaphore, #tpu.memory_space<semaphore_mem>>)
      %dma_wait3A_89 = arith.constant 0 : i32
      %dma_wait3A_90 = tpu.memref_slice %arg7[%run_scoped3A, %dma_wait3A_89] : memref<2x2048xi32, #tpu.memory_space<vmem>> -> memref<1x2048xi32, #tpu.memory_space<vmem>>
      %dma_wait3A_91 = tpu.memref_squeeze %dma_wait3A_90 : memref<1x2048xi32, #tpu.memory_space<vmem>> -> memref<2048xi32, #tpu.memory_space<vmem>>
      %dma_wait3A_92 = tpu.memref_slice %arg3[%mul3A_4] : memref<6422528xi32, #tpu.memory_space<hbm>> -> memref<2048xi32, #tpu.memory_space<hbm>>
      %dma_wait3A_93 = arith.constant 0 : i32
      %dma_wait3A_94 = tpu.memref_slice %arg7[%run_scoped3A, %dma_wait3A_93] : memref<2x2048xi32, #tpu.memory_space<vmem>> -> memref<1x2048xi32, #tpu.memory_space<vmem>>
      %dma_wait3A_95 = tpu.memref_squeeze %dma_wait3A_94 : memref<1x2048xi32, #tpu.memory_space<vmem>> -> memref<2048xi32, #tpu.memory_space<vmem>>
      %dma_wait3A_96 = tpu.memref_slice %arg3[%mul3A_4] : memref<6422528xi32, #tpu.memory_space<hbm>> -> memref<2048xi32, #tpu.memory_space<hbm>>
      tpu.wait_dma2 semaphore(%run_scoped3A_80 : memref<!tpu.dma_semaphore, #tpu.memory_space<semaphore_mem>>) src(%dma_wait3A_96 : memref<2048xi32, #tpu.memory_space<hbm>>) dst(%dma_wait3A_95 : memref<2048xi32, #tpu.memory_space<vmem>>)
      tpu.yield
    }) : () -> ()
    %run_scoped3A_5 = arith.constant 0 : i32
    "tpu.region"() ({
      %run_scoped3A_80 = tpu.sem_alloc : memref<!tpu.dma_semaphore, #tpu.memory_space<semaphore_mem>>
      %dma_start3A_81 = arith.constant 0 : i32
      %dma_start3A_82 = tpu.memref_slice %arg8[%run_scoped3A_5, %dma_start3A_81] : memref<2x2048xi32, #tpu.memory_space<vmem>> -> memref<1x2048xi32, #tpu.memory_space<vmem>>
      %dma_start3A_83 = tpu.memref_squeeze %dma_start3A_82 : memref<1x2048xi32, #tpu.memory_space<vmem>> -> memref<2048xi32, #tpu.memory_space<vmem>>
      %dma_start3A_84 = tpu.memref_slice %arg4[%mul3A_4] : memref<6422528xi32, #tpu.memory_space<hbm>> -> memref<2048xi32, #tpu.memory_space<hbm>>
      %dma_start3A_85 = arith.constant 0 : i32
      %dma_start3A_86 = tpu.memref_slice %arg8[%run_scoped3A_5, %dma_start3A_85] : memref<2x2048xi32, #tpu.memory_space<vmem>> -> memref<1x2048xi32, #tpu.memory_space<vmem>>
      %dma_start3A_87 = tpu.memref_squeeze %dma_start3A_86 : memref<1x2048xi32, #tpu.memory_space<vmem>> -> memref<2048xi32, #tpu.memory_space<vmem>>
      %dma_start3A_88 = tpu.memref_slice %arg4[%mul3A_4] : memref<6422528xi32, #tpu.memory_space<hbm>> -> memref<2048xi32, #tpu.memory_space<hbm>>
      tpu.enqueue_dma source(%dma_start3A_88 : memref<2048xi32, #tpu.memory_space<hbm>>) target(%dma_start3A_87 : memref<2048xi32, #tpu.memory_space<vmem>>) target_semaphore(%run_scoped3A_80 : memref<!tpu.dma_semaphore, #tpu.memory_space<semaphore_mem>>)
      %dma_wait3A_89 = arith.constant 0 : i32
      %dma_wait3A_90 = tpu.memref_slice %arg8[%run_scoped3A_5, %dma_wait3A_89] : memref<2x2048xi32, #tpu.memory_space<vmem>> -> memref<1x2048xi32, #tpu.memory_space<vmem>>
      %dma_wait3A_91 = tpu.memref_squeeze %dma_wait3A_90 : memref<1x2048xi32, #tpu.memory_space<vmem>> -> memref<2048xi32, #tpu.memory_space<vmem>>
      %dma_wait3A_92 = tpu.memref_slice %arg4[%mul3A_4] : memref<6422528xi32, #tpu.memory_space<hbm>> -> memref<2048xi32, #tpu.memory_space<hbm>>
      %dma_wait3A_93 = arith.constant 0 : i32
      %dma_wait3A_94 = tpu.memref_slice %arg8[%run_scoped3A_5, %dma_wait3A_93] : memref<2x2048xi32, #tpu.memory_space<vmem>> -> memref<1x2048xi32, #tpu.memory_space<vmem>>
      %dma_wait3A_95 = tpu.memref_squeeze %dma_wait3A_94 : memref<1x2048xi32, #tpu.memory_space<vmem>> -> memref<2048xi32, #tpu.memory_space<vmem>>
      %dma_wait3A_96 = tpu.memref_slice %arg4[%mul3A_4] : memref<6422528xi32, #tpu.memory_space<hbm>> -> memref<2048xi32, #tpu.memory_space<hbm>>
      tpu.wait_dma2 semaphore(%run_scoped3A_80 : memref<!tpu.dma_semaphore, #tpu.memory_space<semaphore_mem>>) src(%dma_wait3A_96 : memref<2048xi32, #tpu.memory_space<hbm>>) dst(%dma_wait3A_95 : memref<2048xi32, #tpu.memory_space<vmem>>)
      tpu.yield
    }) : () -> ()
    %dma_start3A = arith.constant 0 : i32
    %dma_start3A_6 = arith.constant 0 : i32
    %dma_start3A_7 = arith.constant 0 : i32
    %dma_start3A_8 = arith.constant 0 : i32
    %dma_start3A_9 = tpu.memref_slice %arg9[%dma_start3A_6, %dma_start3A_7, %dma_start3A_8] : memref<2x2048x8xf32, #tpu.memory_space<vmem>> -> memref<1x2048x8xf32, #tpu.memory_space<vmem>>
    %dma_start3A_10 = tpu.memref_squeeze %dma_start3A_9 : memref<1x2048x8xf32, #tpu.memory_space<vmem>> -> memref<2048x8xf32, #tpu.memory_space<vmem>>
    %dma_start3A_11 = arith.constant 0 : i32
    %dma_start3A_12 = tpu.memref_slice %arg7[%dma_start3A, %dma_start3A_11] : memref<2x2048xi32, #tpu.memory_space<vmem>> -> memref<1x2048xi32, #tpu.memory_space<vmem>>
    %dma_start3A_13 = tpu.memref_squeeze %dma_start3A_12 : memref<1x2048xi32, #tpu.memory_space<vmem>> -> memref<2048xi32, #tpu.memory_space<vmem>>
    %dma_start3A_14 = arith.constant 0 : i32
    %dma_start3A_15 = arith.constant 0 : i32
    %dma_start3A_16 = tpu.memref_slice %arg2[%dma_start3A_14, %dma_start3A_15] : memref<100096x8xf32, #tpu.memory_space<hbm>> -> memref<100096x8xf32, #tpu.memory_space<hbm>>
    tpu.enqueue_indirect_dma source(%dma_start3A_16 : memref<100096x8xf32, #tpu.memory_space<hbm>>) target(%dma_start3A_10 : memref<2048x8xf32, #tpu.memory_space<vmem>>) offsets(%dma_start3A_13 : memref<2048xi32, #tpu.memory_space<vmem>>) semaphore(%arg11 : memref<!tpu.dma_semaphore, #tpu.memory_space<semaphore_mem>>)
    %min3A = arith.constant 1 : i32
    %min3A_17 = arith.constant 97 : i32
    %min3A_18 = arith.minsi %min3A, %min3A_17 : i32
    %mul3A_19 = arith.constant 2048 : i32
    %mul3A_20 = arith.muli %min3A_18, %mul3A_19 : i32
    %add3A_21 = arith.addi %mul3A_4, %mul3A_20 : i32
    %dma_start3A_22 = arith.constant 1 : i32
    %dma_start3A_23 = arith.constant 0 : i32
    %dma_start3A_24 = tpu.memref_slice %arg7[%dma_start3A_22, %dma_start3A_23] : memref<2x2048xi32, #tpu.memory_space<vmem>> -> memref<1x2048xi32, #tpu.memory_space<vmem>>
    %dma_start3A_25 = tpu.memref_squeeze %dma_start3A_24 : memref<1x2048xi32, #tpu.memory_space<vmem>> -> memref<2048xi32, #tpu.memory_space<vmem>>
    %dma_start3A_26 = tpu.memref_slice %arg3[%add3A_21] : memref<6422528xi32, #tpu.memory_space<hbm>> -> memref<2048xi32, #tpu.memory_space<hbm>>
    %dma_start3A_27 = arith.constant 0 : i32
    %dma_start3A_28 = tpu.memref_slice %arg7[%dma_start3A_22, %dma_start3A_27] : memref<2x2048xi32, #tpu.memory_space<vmem>> -> memref<1x2048xi32, #tpu.memory_space<vmem>>
    %dma_start3A_29 = tpu.memref_squeeze %dma_start3A_28 : memref<1x2048xi32, #tpu.memory_space<vmem>> -> memref<2048xi32, #tpu.memory_space<vmem>>
    %dma_start3A_30 = tpu.memref_slice %arg3[%add3A_21] : memref<6422528xi32, #tpu.memory_space<hbm>> -> memref<2048xi32, #tpu.memory_space<hbm>>
    tpu.enqueue_dma source(%dma_start3A_30 : memref<2048xi32, #tpu.memory_space<hbm>>) target(%dma_start3A_29 : memref<2048xi32, #tpu.memory_space<vmem>>) target_semaphore(%arg12 : memref<!tpu.dma_semaphore, #tpu.memory_space<semaphore_mem>>)
    %min3A_31 = arith.constant 1 : i32
    %min3A_32 = arith.constant 97 : i32
    %min3A_33 = arith.minsi %min3A_31, %min3A_32 : i32
    %mul3A_34 = arith.constant 2048 : i32
    %mul3A_35 = arith.muli %min3A_33, %mul3A_34 : i32
    %add3A_36 = arith.addi %mul3A_4, %mul3A_35 : i32
    %dma_start3A_37 = arith.constant 1 : i32
    %dma_start3A_38 = arith.constant 0 : i32
    %dma_start3A_39 = tpu.memref_slice %arg8[%dma_start3A_37, %dma_start3A_38] : memref<2x2048xi32, #tpu.memory_space<vmem>> -> memref<1x2048xi32, #tpu.memory_space<vmem>>
    %dma_start3A_40 = tpu.memref_squeeze %dma_start3A_39 : memref<1x2048xi32, #tpu.memory_space<vmem>> -> memref<2048xi32, #tpu.memory_space<vmem>>
    %dma_start3A_41 = tpu.memref_slice %arg4[%add3A_36] : memref<6422528xi32, #tpu.memory_space<hbm>> -> memref<2048xi32, #tpu.memory_space<hbm>>
    %dma_start3A_42 = arith.constant 0 : i32
    %dma_start3A_43 = tpu.memref_slice %arg8[%dma_start3A_37, %dma_start3A_42] : memref<2x2048xi32, #tpu.memory_space<vmem>> -> memref<1x2048xi32, #tpu.memory_space<vmem>>
    %dma_start3A_44 = tpu.memref_squeeze %dma_start3A_43 : memref<1x2048xi32, #tpu.memory_space<vmem>> -> memref<2048xi32, #tpu.memory_space<vmem>>
    %dma_start3A_45 = tpu.memref_slice %arg4[%add3A_36] : memref<6422528xi32, #tpu.memory_space<hbm>> -> memref<2048xi32, #tpu.memory_space<hbm>>
    tpu.enqueue_dma source(%dma_start3A_45 : memref<2048xi32, #tpu.memory_space<hbm>>) target(%dma_start3A_44 : memref<2048xi32, #tpu.memory_space<vmem>>) target_semaphore(%arg12 : memref<!tpu.dma_semaphore, #tpu.memory_space<semaphore_mem>>)
    %scan3A = arith.constant 0 : i32
    %scan3A_46 = arith.constant 49 : i32
    %scan3A_47 = arith.addi %scan3A, %scan3A_46 : i32
    %scan3A_48 = arith.constant 1 : i32
    scf.for %scan3A_80 = %scan3A to %scan3A_47 step %scan3A_48  : i32 {
      %mul3A_81 = arith.constant 2 : i32
      %mul3A_82 = arith.muli %scan3A_80, %mul3A_81 : i32
      %add3A_83 = arith.constant 0 : i32
      %add3A_84 = arith.addi %add3A_83, %mul3A_82 : i32
      %add3A_85 = arith.constant 0 : i32
      %add3A_86 = arith.addi %add3A_84, %add3A_85 : i32
      %dma_wait3A_87 = arith.constant 0 : i32
      %dma_wait3A_88 = arith.constant 0 : i32
      %dma_wait3A_89 = arith.constant 0 : i32
      %dma_wait3A_90 = arith.constant 0 : i32
      %dma_wait3A_91 = tpu.memref_slice %arg9[%dma_wait3A_88, %dma_wait3A_89, %dma_wait3A_90] : memref<2x2048x8xf32, #tpu.memory_space<vmem>> -> memref<1x2048x8xf32, #tpu.memory_space<vmem>>
      %dma_wait3A_92 = tpu.memref_squeeze %dma_wait3A_91 : memref<1x2048x8xf32, #tpu.memory_space<vmem>> -> memref<2048x8xf32, #tpu.memory_space<vmem>>
      %dma_wait3A_93 = arith.constant 0 : i32
      %dma_wait3A_94 = tpu.memref_slice %arg7[%dma_wait3A_87, %dma_wait3A_93] : memref<2x2048xi32, #tpu.memory_space<vmem>> -> memref<1x2048xi32, #tpu.memory_space<vmem>>
      %dma_wait3A_95 = tpu.memref_squeeze %dma_wait3A_94 : memref<1x2048xi32, #tpu.memory_space<vmem>> -> memref<2048xi32, #tpu.memory_space<vmem>>
      %dma_wait3A_96 = arith.constant 0 : i32
      %dma_wait3A_97 = arith.constant 0 : i32
      %dma_wait3A_98 = tpu.memref_slice %arg2[%dma_wait3A_96, %dma_wait3A_97] : memref<100096x8xf32, #tpu.memory_space<hbm>> -> memref<100096x8xf32, #tpu.memory_space<hbm>>
      tpu.wait_indirect_dma semaphore(%arg11 : memref<!tpu.dma_semaphore, #tpu.memory_space<semaphore_mem>>) src(%dma_wait3A_98 : memref<100096x8xf32, #tpu.memory_space<hbm>>) dst(%dma_wait3A_92 : memref<2048x8xf32, #tpu.memory_space<vmem>>)
      %dma_wait3A_99 = arith.constant 1 : i32
      %dma_wait3A_100 = arith.constant 0 : i32
      %dma_wait3A_101 = tpu.memref_slice %arg7[%dma_wait3A_99, %dma_wait3A_100] : memref<2x2048xi32, #tpu.memory_space<vmem>> -> memref<1x2048xi32, #tpu.memory_space<vmem>>
      %dma_wait3A_102 = tpu.memref_squeeze %dma_wait3A_101 : memref<1x2048xi32, #tpu.memory_space<vmem>> -> memref<2048xi32, #tpu.memory_space<vmem>>
      %dma_wait3A_103 = tpu.memref_slice %arg3[%mul3A_4] : memref<6422528xi32, #tpu.memory_space<hbm>> -> memref<2048xi32, #tpu.memory_space<hbm>>
      %dma_wait3A_104 = arith.constant 0 : i32
      %dma_wait3A_105 = tpu.memref_slice %arg7[%dma_wait3A_99, %dma_wait3A_104] : memref<2x2048xi32, #tpu.memory_space<vmem>> -> memref<1x2048xi32, #tpu.memory_space<vmem>>
      %dma_wait3A_106 = tpu.memref_squeeze %dma_wait3A_105 : memref<1x2048xi32, #tpu.memory_space<vmem>> -> memref<2048xi32, #tpu.memory_space<vmem>>
      %dma_wait3A_107 = tpu.memref_slice %arg3[%mul3A_4] : memref<6422528xi32, #tpu.memory_space<hbm>> -> memref<2048xi32, #tpu.memory_space<hbm>>
      tpu.wait_dma2 semaphore(%arg12 : memref<!tpu.dma_semaphore, #tpu.memory_space<semaphore_mem>>) src(%dma_wait3A_107 : memref<2048xi32, #tpu.memory_space<hbm>>) dst(%dma_wait3A_106 : memref<2048xi32, #tpu.memory_space<vmem>>)
      %dma_wait3A_108 = arith.constant 1 : i32
      %dma_wait3A_109 = arith.constant 0 : i32
      %dma_wait3A_110 = tpu.memref_slice %arg8[%dma_wait3A_108, %dma_wait3A_109] : memref<2x2048xi32, #tpu.memory_space<vmem>> -> memref<1x2048xi32, #tpu.memory_space<vmem>>
      %dma_wait3A_111 = tpu.memref_squeeze %dma_wait3A_110 : memref<1x2048xi32, #tpu.memory_space<vmem>> -> memref<2048xi32, #tpu.memory_space<vmem>>
      %dma_wait3A_112 = tpu.memref_slice %arg4[%mul3A_4] : memref<6422528xi32, #tpu.memory_space<hbm>> -> memref<2048xi32, #tpu.memory_space<hbm>>
      %dma_wait3A_113 = arith.constant 0 : i32
      %dma_wait3A_114 = tpu.memref_slice %arg8[%dma_wait3A_108, %dma_wait3A_113] : memref<2x2048xi32, #tpu.memory_space<vmem>> -> memref<1x2048xi32, #tpu.memory_space<vmem>>
      %dma_wait3A_115 = tpu.memref_squeeze %dma_wait3A_114 : memref<1x2048xi32, #tpu.memory_space<vmem>> -> memref<2048xi32, #tpu.memory_space<vmem>>
      %dma_wait3A_116 = tpu.memref_slice %arg4[%mul3A_4] : memref<6422528xi32, #tpu.memory_space<hbm>> -> memref<2048xi32, #tpu.memory_space<hbm>>
      tpu.wait_dma2 semaphore(%arg12 : memref<!tpu.dma_semaphore, #tpu.memory_space<semaphore_mem>>) src(%dma_wait3A_116 : memref<2048xi32, #tpu.memory_space<hbm>>) dst(%dma_wait3A_115 : memref<2048xi32, #tpu.memory_space<vmem>>)
      %dma_start3A_117 = arith.constant 1 : i32
      %dma_start3A_118 = arith.constant 1 : i32
      %dma_start3A_119 = arith.constant 0 : i32
      %dma_start3A_120 = arith.constant 0 : i32
      %dma_start3A_121 = tpu.memref_slice %arg9[%dma_start3A_118, %dma_start3A_119, %dma_start3A_120] : memref<2x2048x8xf32, #tpu.memory_space<vmem>> -> memref<1x2048x8xf32, #tpu.memory_space<vmem>>
      %dma_start3A_122 = tpu.memref_squeeze %dma_start3A_121 : memref<1x2048x8xf32, #tpu.memory_space<vmem>> -> memref<2048x8xf32, #tpu.memory_space<vmem>>
      %dma_start3A_123 = arith.constant 0 : i32
      %dma_start3A_124 = tpu.memref_slice %arg7[%dma_start3A_117, %dma_start3A_123] : memref<2x2048xi32, #tpu.memory_space<vmem>> -> memref<1x2048xi32, #tpu.memory_space<vmem>>
      %dma_start3A_125 = tpu.memref_squeeze %dma_start3A_124 : memref<1x2048xi32, #tpu.memory_space<vmem>> -> memref<2048xi32, #tpu.memory_space<vmem>>
      %dma_start3A_126 = arith.constant 0 : i32
      %dma_start3A_127 = arith.constant 0 : i32
      %dma_start3A_128 = tpu.memref_slice %arg2[%dma_start3A_126, %dma_start3A_127] : memref<100096x8xf32, #tpu.memory_space<hbm>> -> memref<100096x8xf32, #tpu.memory_space<hbm>>
      tpu.enqueue_indirect_dma source(%dma_start3A_128 : memref<100096x8xf32, #tpu.memory_space<hbm>>) target(%dma_start3A_122 : memref<2048x8xf32, #tpu.memory_space<vmem>>) offsets(%dma_start3A_125 : memref<2048xi32, #tpu.memory_space<vmem>>) semaphore(%arg11 : memref<!tpu.dma_semaphore, #tpu.memory_space<semaphore_mem>>)
      %run_scoped3A_129 = arith.constant 0 : i32
      %run_scoped3A_130 = arith.constant 0 : i32
      "tpu.region"() ({
        %run_scoped3A_237 = tpu.sem_alloc : memref<!tpu.dma_semaphore, #tpu.memory_space<semaphore_mem>>
        %dma_start3A_238 = arith.constant 0 : i32
        %dma_start3A_239 = arith.constant 0 : i32
        %dma_start3A_240 = tpu.memref_slice %arg9[%run_scoped3A_129, %dma_start3A_238, %dma_start3A_239] : memref<2x2048x8xf32, #tpu.memory_space<vmem>> -> memref<1x2048x8xf32, #tpu.memory_space<vmem>>
        %dma_start3A_241 = tpu.memref_squeeze %dma_start3A_240 : memref<1x2048x8xf32, #tpu.memory_space<vmem>> -> memref<2048x8xf32, #tpu.memory_space<vmem>>
        %dma_start3A_242 = arith.constant 0 : i32
        %dma_start3A_243 = tpu.memref_slice %arg8[%run_scoped3A_130, %dma_start3A_242] : memref<2x2048xi32, #tpu.memory_space<vmem>> -> memref<1x2048xi32, #tpu.memory_space<vmem>>
        %dma_start3A_244 = tpu.memref_squeeze %dma_start3A_243 : memref<1x2048xi32, #tpu.memory_space<vmem>> -> memref<2048xi32, #tpu.memory_space<vmem>>
        %dma_start3A_245 = arith.constant 0 : i32
        %dma_start3A_246 = arith.constant 0 : i32
        %dma_start3A_247 = tpu.memref_slice %arg10[%dma_start3A_245, %dma_start3A_246] : memref<100096x8xf32, #tpu.memory_space<vmem_shared>> -> memref<100096x8xf32, #tpu.memory_space<vmem_shared>>
        tpu.enqueue_indirect_dma source(%dma_start3A_241 : memref<2048x8xf32, #tpu.memory_space<vmem>>) target(%dma_start3A_247 : memref<100096x8xf32, #tpu.memory_space<vmem_shared>>) offsets(%dma_start3A_244 : memref<2048xi32, #tpu.memory_space<vmem>>) semaphore(%run_scoped3A_237 : memref<!tpu.dma_semaphore, #tpu.memory_space<semaphore_mem>>) {add = true}
        %dma_wait3A_248 = arith.constant 0 : i32
        %dma_wait3A_249 = arith.constant 0 : i32
        %dma_wait3A_250 = tpu.memref_slice %arg9[%run_scoped3A_129, %dma_wait3A_248, %dma_wait3A_249] : memref<2x2048x8xf32, #tpu.memory_space<vmem>> -> memref<1x2048x8xf32, #tpu.memory_space<vmem>>
        %dma_wait3A_251 = tpu.memref_squeeze %dma_wait3A_250 : memref<1x2048x8xf32, #tpu.memory_space<vmem>> -> memref<2048x8xf32, #tpu.memory_space<vmem>>
        %dma_wait3A_252 = arith.constant 0 : i32
        %dma_wait3A_253 = tpu.memref_slice %arg8[%run_scoped3A_130, %dma_wait3A_252] : memref<2x2048xi32, #tpu.memory_space<vmem>> -> memref<1x2048xi32, #tpu.memory_space<vmem>>
        %dma_wait3A_254 = tpu.memref_squeeze %dma_wait3A_253 : memref<1x2048xi32, #tpu.memory_space<vmem>> -> memref<2048xi32, #tpu.memory_space<vmem>>
        %dma_wait3A_255 = arith.constant 0 : i32
        %dma_wait3A_256 = arith.constant 0 : i32
        %dma_wait3A_257 = tpu.memref_slice %arg10[%dma_wait3A_255, %dma_wait3A_256] : memref<100096x8xf32, #tpu.memory_space<vmem_shared>> -> memref<100096x8xf32, #tpu.memory_space<vmem_shared>>
        tpu.wait_indirect_dma semaphore(%run_scoped3A_237 : memref<!tpu.dma_semaphore, #tpu.memory_space<semaphore_mem>>) src(%dma_wait3A_251 : memref<2048x8xf32, #tpu.memory_space<vmem>>) dst(%dma_wait3A_257 : memref<100096x8xf32, #tpu.memory_space<vmem_shared>>)
        tpu.yield
      }) : () -> ()
      %add3A_131 = arith.constant 2 : i32
      %add3A_132 = arith.addi %add3A_86, %add3A_131 : i32
      %min3A_133 = arith.constant 97 : i32
      %min3A_134 = arith.minsi %add3A_132, %min3A_133 : i32
      %mul3A_135 = arith.constant 2048 : i32
      %mul3A_136 = arith.muli %min3A_134, %mul3A_135 : i32
      %add3A_137 = arith.addi %mul3A_4, %mul3A_136 : i32
      %dma_start3A_138 = arith.constant 0 : i32
      %dma_start3A_139 = arith.constant 0 : i32
      %dma_start3A_140 = tpu.memref_slice %arg7[%dma_start3A_138, %dma_start3A_139] : memref<2x2048xi32, #tpu.memory_space<vmem>> -> memref<1x2048xi32, #tpu.memory_space<vmem>>
      %dma_start3A_141 = tpu.memref_squeeze %dma_start3A_140 : memref<1x2048xi32, #tpu.memory_space<vmem>> -> memref<2048xi32, #tpu.memory_space<vmem>>
      %dma_start3A_142 = tpu.memref_slice %arg3[%add3A_137] : memref<6422528xi32, #tpu.memory_space<hbm>> -> memref<2048xi32, #tpu.memory_space<hbm>>
      %dma_start3A_143 = arith.constant 0 : i32
      %dma_start3A_144 = tpu.memref_slice %arg7[%dma_start3A_138, %dma_start3A_143] : memref<2x2048xi32, #tpu.memory_space<vmem>> -> memref<1x2048xi32, #tpu.memory_space<vmem>>
      %dma_start3A_145 = tpu.memref_squeeze %dma_start3A_144 : memref<1x2048xi32, #tpu.memory_space<vmem>> -> memref<2048xi32, #tpu.memory_space<vmem>>
      %dma_start3A_146 = tpu.memref_slice %arg3[%add3A_137] : memref<6422528xi32, #tpu.memory_space<hbm>> -> memref<2048xi32, #tpu.memory_space<hbm>>
      tpu.enqueue_dma source(%dma_start3A_146 : memref<2048xi32, #tpu.memory_space<hbm>>) target(%dma_start3A_145 : memref<2048xi32, #tpu.memory_space<vmem>>) target_semaphore(%arg12 : memref<!tpu.dma_semaphore, #tpu.memory_space<semaphore_mem>>)
      %min3A_147 = arith.constant 97 : i32
      %min3A_148 = arith.minsi %add3A_132, %min3A_147 : i32
      %mul3A_149 = arith.constant 2048 : i32
      %mul3A_150 = arith.muli %min3A_148, %mul3A_149 : i32
      %add3A_151 = arith.addi %mul3A_4, %mul3A_150 : i32
      %dma_start3A_152 = arith.constant 0 : i32
      %dma_start3A_153 = arith.constant 0 : i32
      %dma_start3A_154 = tpu.memref_slice %arg8[%dma_start3A_152, %dma_start3A_153] : memref<2x2048xi32, #tpu.memory_space<vmem>> -> memref<1x2048xi32, #tpu.memory_space<vmem>>
      %dma_start3A_155 = tpu.memref_squeeze %dma_start3A_154 : memref<1x2048xi32, #tpu.memory_space<vmem>> -> memref<2048xi32, #tpu.memory_space<vmem>>
      %dma_start3A_156 = tpu.memref_slice %arg4[%add3A_151] : memref<6422528xi32, #tpu.memory_space<hbm>> -> memref<2048xi32, #tpu.memory_space<hbm>>
      %dma_start3A_157 = arith.constant 0 : i32
      %dma_start3A_158 = tpu.memref_slice %arg8[%dma_start3A_152, %dma_start3A_157] : memref<2x2048xi32, #tpu.memory_space<vmem>> -> memref<1x2048xi32, #tpu.memory_space<vmem>>
      %dma_start3A_159 = tpu.memref_squeeze %dma_start3A_158 : memref<1x2048xi32, #tpu.memory_space<vmem>> -> memref<2048xi32, #tpu.memory_space<vmem>>
      %dma_start3A_160 = tpu.memref_slice %arg4[%add3A_151] : memref<6422528xi32, #tpu.memory_space<hbm>> -> memref<2048xi32, #tpu.memory_space<hbm>>
      tpu.enqueue_dma source(%dma_start3A_160 : memref<2048xi32, #tpu.memory_space<hbm>>) target(%dma_start3A_159 : memref<2048xi32, #tpu.memory_space<vmem>>) target_semaphore(%arg12 : memref<!tpu.dma_semaphore, #tpu.memory_space<semaphore_mem>>)
      %add3A_161 = arith.constant 1 : i32
      %add3A_162 = arith.addi %add3A_84, %add3A_161 : i32
      %dma_wait3A_163 = arith.constant 1 : i32
      %dma_wait3A_164 = arith.constant 1 : i32
      %dma_wait3A_165 = arith.constant 0 : i32
      %dma_wait3A_166 = arith.constant 0 : i32
      %dma_wait3A_167 = tpu.memref_slice %arg9[%dma_wait3A_164, %dma_wait3A_165, %dma_wait3A_166] : memref<2x2048x8xf32, #tpu.memory_space<vmem>> -> memref<1x2048x8xf32, #tpu.memory_space<vmem>>
      %dma_wait3A_168 = tpu.memref_squeeze %dma_wait3A_167 : memref<1x2048x8xf32, #tpu.memory_space<vmem>> -> memref<2048x8xf32, #tpu.memory_space<vmem>>
      %dma_wait3A_169 = arith.constant 0 : i32
      %dma_wait3A_170 = tpu.memref_slice %arg7[%dma_wait3A_163, %dma_wait3A_169] : memref<2x2048xi32, #tpu.memory_space<vmem>> -> memref<1x2048xi32, #tpu.memory_space<vmem>>
      %dma_wait3A_171 = tpu.memref_squeeze %dma_wait3A_170 : memref<1x2048xi32, #tpu.memory_space<vmem>> -> memref<2048xi32, #tpu.memory_space<vmem>>
      %dma_wait3A_172 = arith.constant 0 : i32
      %dma_wait3A_173 = arith.constant 0 : i32
      %dma_wait3A_174 = tpu.memref_slice %arg2[%dma_wait3A_172, %dma_wait3A_173] : memref<100096x8xf32, #tpu.memory_space<hbm>> -> memref<100096x8xf32, #tpu.memory_space<hbm>>
      tpu.wait_indirect_dma semaphore(%arg11 : memref<!tpu.dma_semaphore, #tpu.memory_space<semaphore_mem>>) src(%dma_wait3A_174 : memref<100096x8xf32, #tpu.memory_space<hbm>>) dst(%dma_wait3A_168 : memref<2048x8xf32, #tpu.memory_space<vmem>>)
      %dma_wait3A_175 = arith.constant 0 : i32
      %dma_wait3A_176 = arith.constant 0 : i32
      %dma_wait3A_177 = tpu.memref_slice %arg7[%dma_wait3A_175, %dma_wait3A_176] : memref<2x2048xi32, #tpu.memory_space<vmem>> -> memref<1x2048xi32, #tpu.memory_space<vmem>>
      %dma_wait3A_178 = tpu.memref_squeeze %dma_wait3A_177 : memref<1x2048xi32, #tpu.memory_space<vmem>> -> memref<2048xi32, #tpu.memory_space<vmem>>
      %dma_wait3A_179 = tpu.memref_slice %arg3[%mul3A_4] : memref<6422528xi32, #tpu.memory_space<hbm>> -> memref<2048xi32, #tpu.memory_space<hbm>>
      %dma_wait3A_180 = arith.constant 0 : i32
      %dma_wait3A_181 = tpu.memref_slice %arg7[%dma_wait3A_175, %dma_wait3A_180] : memref<2x2048xi32, #tpu.memory_space<vmem>> -> memref<1x2048xi32, #tpu.memory_space<vmem>>
      %dma_wait3A_182 = tpu.memref_squeeze %dma_wait3A_181 : memref<1x2048xi32, #tpu.memory_space<vmem>> -> memref<2048xi32, #tpu.memory_space<vmem>>
      %dma_wait3A_183 = tpu.memref_slice %arg3[%mul3A_4] : memref<6422528xi32, #tpu.memory_space<hbm>> -> memref<2048xi32, #tpu.memory_space<hbm>>
      tpu.wait_dma2 semaphore(%arg12 : memref<!tpu.dma_semaphore, #tpu.memory_space<semaphore_mem>>) src(%dma_wait3A_183 : memref<2048xi32, #tpu.memory_space<hbm>>) dst(%dma_wait3A_182 : memref<2048xi32, #tpu.memory_space<vmem>>)
      %dma_wait3A_184 = arith.constant 0 : i32
      %dma_wait3A_185 = arith.constant 0 : i32
      %dma_wait3A_186 = tpu.memref_slice %arg8[%dma_wait3A_184, %dma_wait3A_185] : memref<2x2048xi32, #tpu.memory_space<vmem>> -> memref<1x2048xi32, #tpu.memory_space<vmem>>
      %dma_wait3A_187 = tpu.memref_squeeze %dma_wait3A_186 : memref<1x2048xi32, #tpu.memory_space<vmem>> -> memref<2048xi32, #tpu.memory_space<vmem>>
      %dma_wait3A_188 = tpu.memref_slice %arg4[%mul3A_4] : memref<6422528xi32, #tpu.memory_space<hbm>> -> memref<2048xi32, #tpu.memory_space<hbm>>
      %dma_wait3A_189 = arith.constant 0 : i32
      %dma_wait3A_190 = tpu.memref_slice %arg8[%dma_wait3A_184, %dma_wait3A_189] : memref<2x2048xi32, #tpu.memory_space<vmem>> -> memref<1x2048xi32, #tpu.memory_space<vmem>>
      %dma_wait3A_191 = tpu.memref_squeeze %dma_wait3A_190 : memref<1x2048xi32, #tpu.memory_space<vmem>> -> memref<2048xi32, #tpu.memory_space<vmem>>
      %dma_wait3A_192 = tpu.memref_slice %arg4[%mul3A_4] : memref<6422528xi32, #tpu.memory_space<hbm>> -> memref<2048xi32, #tpu.memory_space<hbm>>
      tpu.wait_dma2 semaphore(%arg12 : memref<!tpu.dma_semaphore, #tpu.memory_space<semaphore_mem>>) src(%dma_wait3A_192 : memref<2048xi32, #tpu.memory_space<hbm>>) dst(%dma_wait3A_191 : memref<2048xi32, #tpu.memory_space<vmem>>)
      %dma_start3A_193 = arith.constant 0 : i32
      %dma_start3A_194 = arith.constant 0 : i32
      %dma_start3A_195 = arith.constant 0 : i32
      %dma_start3A_196 = arith.constant 0 : i32
      %dma_start3A_197 = tpu.memref_slice %arg9[%dma_start3A_194, %dma_start3A_195, %dma_start3A_196] : memref<2x2048x8xf32, #tpu.memory_space<vmem>> -> memref<1x2048x8xf32, #tpu.memory_space<vmem>>
      %dma_start3A_198 = tpu.memref_squeeze %dma_start3A_197 : memref<1x2048x8xf32, #tpu.memory_space<vmem>> -> memref<2048x8xf32, #tpu.memory_space<vmem>>
      %dma_start3A_199 = arith.constant 0 : i32
      %dma_start3A_200 = tpu.memref_slice %arg7[%dma_start3A_193, %dma_start3A_199] : memref<2x2048xi32, #tpu.memory_space<vmem>> -> memref<1x2048xi32, #tpu.memory_space<vmem>>
      %dma_start3A_201 = tpu.memref_squeeze %dma_start3A_200 : memref<1x2048xi32, #tpu.memory_space<vmem>> -> memref<2048xi32, #tpu.memory_space<vmem>>
      %dma_start3A_202 = arith.constant 0 : i32
      %dma_start3A_203 = arith.constant 0 : i32
      %dma_start3A_204 = tpu.memref_slice %arg2[%dma_start3A_202, %dma_start3A_203] : memref<100096x8xf32, #tpu.memory_space<hbm>> -> memref<100096x8xf32, #tpu.memory_space<hbm>>
      tpu.enqueue_indirect_dma source(%dma_start3A_204 : memref<100096x8xf32, #tpu.memory_space<hbm>>) target(%dma_start3A_198 : memref<2048x8xf32, #tpu.memory_space<vmem>>) offsets(%dma_start3A_201 : memref<2048xi32, #tpu.memory_space<vmem>>) semaphore(%arg11 : memref<!tpu.dma_semaphore, #tpu.memory_space<semaphore_mem>>)
      %run_scoped3A_205 = arith.constant 1 : i32
      %run_scoped3A_206 = arith.constant 1 : i32
      "tpu.region"() ({
        %run_scoped3A_237 = tpu.sem_alloc : memref<!tpu.dma_semaphore, #tpu.memory_space<semaphore_mem>>
        %dma_start3A_238 = arith.constant 0 : i32
        %dma_start3A_239 = arith.constant 0 : i32
        %dma_start3A_240 = tpu.memref_slice %arg9[%run_scoped3A_205, %dma_start3A_238, %dma_start3A_239] : memref<2x2048x8xf32, #tpu.memory_space<vmem>> -> memref<1x2048x8xf32, #tpu.memory_space<vmem>>
        %dma_start3A_241 = tpu.memref_squeeze %dma_start3A_240 : memref<1x2048x8xf32, #tpu.memory_space<vmem>> -> memref<2048x8xf32, #tpu.memory_space<vmem>>
        %dma_start3A_242 = arith.constant 0 : i32
        %dma_start3A_243 = tpu.memref_slice %arg8[%run_scoped3A_206, %dma_start3A_242] : memref<2x2048xi32, #tpu.memory_space<vmem>> -> memref<1x2048xi32, #tpu.memory_space<vmem>>
        %dma_start3A_244 = tpu.memref_squeeze %dma_start3A_243 : memref<1x2048xi32, #tpu.memory_space<vmem>> -> memref<2048xi32, #tpu.memory_space<vmem>>
        %dma_start3A_245 = arith.constant 0 : i32
        %dma_start3A_246 = arith.constant 0 : i32
        %dma_start3A_247 = tpu.memref_slice %arg10[%dma_start3A_245, %dma_start3A_246] : memref<100096x8xf32, #tpu.memory_space<vmem_shared>> -> memref<100096x8xf32, #tpu.memory_space<vmem_shared>>
        tpu.enqueue_indirect_dma source(%dma_start3A_241 : memref<2048x8xf32, #tpu.memory_space<vmem>>) target(%dma_start3A_247 : memref<100096x8xf32, #tpu.memory_space<vmem_shared>>) offsets(%dma_start3A_244 : memref<2048xi32, #tpu.memory_space<vmem>>) semaphore(%run_scoped3A_237 : memref<!tpu.dma_semaphore, #tpu.memory_space<semaphore_mem>>) {add = true}
        %dma_wait3A_248 = arith.constant 0 : i32
        %dma_wait3A_249 = arith.constant 0 : i32
        %dma_wait3A_250 = tpu.memref_slice %arg9[%run_scoped3A_205, %dma_wait3A_248, %dma_wait3A_249] : memref<2x2048x8xf32, #tpu.memory_space<vmem>> -> memref<1x2048x8xf32, #tpu.memory_space<vmem>>
        %dma_wait3A_251 = tpu.memref_squeeze %dma_wait3A_250 : memref<1x2048x8xf32, #tpu.memory_space<vmem>> -> memref<2048x8xf32, #tpu.memory_space<vmem>>
        %dma_wait3A_252 = arith.constant 0 : i32
        %dma_wait3A_253 = tpu.memref_slice %arg8[%run_scoped3A_206, %dma_wait3A_252] : memref<2x2048xi32, #tpu.memory_space<vmem>> -> memref<1x2048xi32, #tpu.memory_space<vmem>>
        %dma_wait3A_254 = tpu.memref_squeeze %dma_wait3A_253 : memref<1x2048xi32, #tpu.memory_space<vmem>> -> memref<2048xi32, #tpu.memory_space<vmem>>
        %dma_wait3A_255 = arith.constant 0 : i32
        %dma_wait3A_256 = arith.constant 0 : i32
        %dma_wait3A_257 = tpu.memref_slice %arg10[%dma_wait3A_255, %dma_wait3A_256] : memref<100096x8xf32, #tpu.memory_space<vmem_shared>> -> memref<100096x8xf32, #tpu.memory_space<vmem_shared>>
        tpu.wait_indirect_dma semaphore(%run_scoped3A_237 : memref<!tpu.dma_semaphore, #tpu.memory_space<semaphore_mem>>) src(%dma_wait3A_251 : memref<2048x8xf32, #tpu.memory_space<vmem>>) dst(%dma_wait3A_257 : memref<100096x8xf32, #tpu.memory_space<vmem_shared>>)
        tpu.yield
      }) : () -> ()
      %add3A_207 = arith.constant 2 : i32
      %add3A_208 = arith.addi %add3A_162, %add3A_207 : i32
      %min3A_209 = arith.constant 97 : i32
      %min3A_210 = arith.minsi %add3A_208, %min3A_209 : i32
      %mul3A_211 = arith.constant 2048 : i32
      %mul3A_212 = arith.muli %min3A_210, %mul3A_211 : i32
      %add3A_213 = arith.addi %mul3A_4, %mul3A_212 : i32
      %dma_start3A_214 = arith.constant 1 : i32
      %dma_start3A_215 = arith.constant 0 : i32
      %dma_start3A_216 = tpu.memref_slice %arg7[%dma_start3A_214, %dma_start3A_215] : memref<2x2048xi32, #tpu.memory_space<vmem>> -> memref<1x2048xi32, #tpu.memory_space<vmem>>
      %dma_start3A_217 = tpu.memref_squeeze %dma_start3A_216 : memref<1x2048xi32, #tpu.memory_space<vmem>> -> memref<2048xi32, #tpu.memory_space<vmem>>
      %dma_start3A_218 = tpu.memref_slice %arg3[%add3A_213] : memref<6422528xi32, #tpu.memory_space<hbm>> -> memref<2048xi32, #tpu.memory_space<hbm>>
      %dma_start3A_219 = arith.constant 0 : i32
      %dma_start3A_220 = tpu.memref_slice %arg7[%dma_start3A_214, %dma_start3A_219] : memref<2x2048xi32, #tpu.memory_space<vmem>> -> memref<1x2048xi32, #tpu.memory_space<vmem>>
      %dma_start3A_221 = tpu.memref_squeeze %dma_start3A_220 : memref<1x2048xi32, #tpu.memory_space<vmem>> -> memref<2048xi32, #tpu.memory_space<vmem>>
      %dma_start3A_222 = tpu.memref_slice %arg3[%add3A_213] : memref<6422528xi32, #tpu.memory_space<hbm>> -> memref<2048xi32, #tpu.memory_space<hbm>>
      tpu.enqueue_dma source(%dma_start3A_222 : memref<2048xi32, #tpu.memory_space<hbm>>) target(%dma_start3A_221 : memref<2048xi32, #tpu.memory_space<vmem>>) target_semaphore(%arg12 : memref<!tpu.dma_semaphore, #tpu.memory_space<semaphore_mem>>)
      %min3A_223 = arith.constant 97 : i32
      %min3A_224 = arith.minsi %add3A_208, %min3A_223 : i32
      %mul3A_225 = arith.constant 2048 : i32
      %mul3A_226 = arith.muli %min3A_224, %mul3A_225 : i32
      %add3A_227 = arith.addi %mul3A_4, %mul3A_226 : i32
      %dma_start3A_228 = arith.constant 1 : i32
      %dma_start3A_229 = arith.constant 0 : i32
      %dma_start3A_230 = tpu.memref_slice %arg8[%dma_start3A_228, %dma_start3A_229] : memref<2x2048xi32, #tpu.memory_space<vmem>> -> memref<1x2048xi32, #tpu.memory_space<vmem>>
      %dma_start3A_231 = tpu.memref_squeeze %dma_start3A_230 : memref<1x2048xi32, #tpu.memory_space<vmem>> -> memref<2048xi32, #tpu.memory_space<vmem>>
      %dma_start3A_232 = tpu.memref_slice %arg4[%add3A_227] : memref<6422528xi32, #tpu.memory_space<hbm>> -> memref<2048xi32, #tpu.memory_space<hbm>>
      %dma_start3A_233 = arith.constant 0 : i32
      %dma_start3A_234 = tpu.memref_slice %arg8[%dma_start3A_228, %dma_start3A_233] : memref<2x2048xi32, #tpu.memory_space<vmem>> -> memref<1x2048xi32, #tpu.memory_space<vmem>>
      %dma_start3A_235 = tpu.memref_squeeze %dma_start3A_234 : memref<1x2048xi32, #tpu.memory_space<vmem>> -> memref<2048xi32, #tpu.memory_space<vmem>>
      %dma_start3A_236 = tpu.memref_slice %arg4[%add3A_227] : memref<6422528xi32, #tpu.memory_space<hbm>> -> memref<2048xi32, #tpu.memory_space<hbm>>
      tpu.enqueue_dma source(%dma_start3A_236 : memref<2048xi32, #tpu.memory_space<hbm>>) target(%dma_start3A_235 : memref<2048xi32, #tpu.memory_space<vmem>>) target_semaphore(%arg12 : memref<!tpu.dma_semaphore, #tpu.memory_space<semaphore_mem>>)
    }
    %scan3A_49 = arith.constant 49 : i32
    %dma_wait3A = arith.constant 0 : i32
    %dma_wait3A_50 = arith.constant 0 : i32
    %dma_wait3A_51 = arith.constant 0 : i32
    %dma_wait3A_52 = arith.constant 0 : i32
    %dma_wait3A_53 = tpu.memref_slice %arg9[%dma_wait3A_50, %dma_wait3A_51, %dma_wait3A_52] : memref<2x2048x8xf32, #tpu.memory_space<vmem>> -> memref<1x2048x8xf32, #tpu.memory_space<vmem>>
    %dma_wait3A_54 = tpu.memref_squeeze %dma_wait3A_53 : memref<1x2048x8xf32, #tpu.memory_space<vmem>> -> memref<2048x8xf32, #tpu.memory_space<vmem>>
    %dma_wait3A_55 = arith.constant 0 : i32
    %dma_wait3A_56 = tpu.memref_slice %arg7[%dma_wait3A, %dma_wait3A_55] : memref<2x2048xi32, #tpu.memory_space<vmem>> -> memref<1x2048xi32, #tpu.memory_space<vmem>>
    %dma_wait3A_57 = tpu.memref_squeeze %dma_wait3A_56 : memref<1x2048xi32, #tpu.memory_space<vmem>> -> memref<2048xi32, #tpu.memory_space<vmem>>
    %dma_wait3A_58 = arith.constant 0 : i32
    %dma_wait3A_59 = arith.constant 0 : i32
    %dma_wait3A_60 = tpu.memref_slice %arg2[%dma_wait3A_58, %dma_wait3A_59] : memref<100096x8xf32, #tpu.memory_space<hbm>> -> memref<100096x8xf32, #tpu.memory_space<hbm>>
    tpu.wait_indirect_dma semaphore(%arg11 : memref<!tpu.dma_semaphore, #tpu.memory_space<semaphore_mem>>) src(%dma_wait3A_60 : memref<100096x8xf32, #tpu.memory_space<hbm>>) dst(%dma_wait3A_54 : memref<2048x8xf32, #tpu.memory_space<vmem>>)
    %dma_wait3A_61 = arith.constant 1 : i32
    %dma_wait3A_62 = arith.constant 0 : i32
    %dma_wait3A_63 = tpu.memref_slice %arg7[%dma_wait3A_61, %dma_wait3A_62] : memref<2x2048xi32, #tpu.memory_space<vmem>> -> memref<1x2048xi32, #tpu.memory_space<vmem>>
    %dma_wait3A_64 = tpu.memref_squeeze %dma_wait3A_63 : memref<1x2048xi32, #tpu.memory_space<vmem>> -> memref<2048xi32, #tpu.memory_space<vmem>>
    %dma_wait3A_65 = tpu.memref_slice %arg3[%mul3A_4] : memref<6422528xi32, #tpu.memory_space<hbm>> -> memref<2048xi32, #tpu.memory_space<hbm>>
    %dma_wait3A_66 = arith.constant 0 : i32
    %dma_wait3A_67 = tpu.memref_slice %arg7[%dma_wait3A_61, %dma_wait3A_66] : memref<2x2048xi32, #tpu.memory_space<vmem>> -> memref<1x2048xi32, #tpu.memory_space<vmem>>
    %dma_wait3A_68 = tpu.memref_squeeze %dma_wait3A_67 : memref<1x2048xi32, #tpu.memory_space<vmem>> -> memref<2048xi32, #tpu.memory_space<vmem>>
    %dma_wait3A_69 = tpu.memref_slice %arg3[%mul3A_4] : memref<6422528xi32, #tpu.memory_space<hbm>> -> memref<2048xi32, #tpu.memory_space<hbm>>
    tpu.wait_dma2 semaphore(%arg12 : memref<!tpu.dma_semaphore, #tpu.memory_space<semaphore_mem>>) src(%dma_wait3A_69 : memref<2048xi32, #tpu.memory_space<hbm>>) dst(%dma_wait3A_68 : memref<2048xi32, #tpu.memory_space<vmem>>)
    %dma_wait3A_70 = arith.constant 1 : i32
    %dma_wait3A_71 = arith.constant 0 : i32
    %dma_wait3A_72 = tpu.memref_slice %arg8[%dma_wait3A_70, %dma_wait3A_71] : memref<2x2048xi32, #tpu.memory_space<vmem>> -> memref<1x2048xi32, #tpu.memory_space<vmem>>
    %dma_wait3A_73 = tpu.memref_squeeze %dma_wait3A_72 : memref<1x2048xi32, #tpu.memory_space<vmem>> -> memref<2048xi32, #tpu.memory_space<vmem>>
    %dma_wait3A_74 = tpu.memref_slice %arg4[%mul3A_4] : memref<6422528xi32, #tpu.memory_space<hbm>> -> memref<2048xi32, #tpu.memory_space<hbm>>
    %dma_wait3A_75 = arith.constant 0 : i32
    %dma_wait3A_76 = tpu.memref_slice %arg8[%dma_wait3A_70, %dma_wait3A_75] : memref<2x2048xi32, #tpu.memory_space<vmem>> -> memref<1x2048xi32, #tpu.memory_space<vmem>>
    %dma_wait3A_77 = tpu.memref_squeeze %dma_wait3A_76 : memref<1x2048xi32, #tpu.memory_space<vmem>> -> memref<2048xi32, #tpu.memory_space<vmem>>
    %dma_wait3A_78 = tpu.memref_slice %arg4[%mul3A_4] : memref<6422528xi32, #tpu.memory_space<hbm>> -> memref<2048xi32, #tpu.memory_space<hbm>>
    tpu.wait_dma2 semaphore(%arg12 : memref<!tpu.dma_semaphore, #tpu.memory_space<semaphore_mem>>) src(%dma_wait3A_78 : memref<2048xi32, #tpu.memory_space<hbm>>) dst(%dma_wait3A_77 : memref<2048xi32, #tpu.memory_space<vmem>>)
    %barrier3A_79 = arith.constant 0 : index
    tpu.barrier barrier_id(%barrier3A_79)
    "tpu.region"() ({
      %run_scoped3A_80 = tpu.sem_alloc : memref<!tpu.dma_semaphore, #tpu.memory_space<semaphore_mem>>
      %dma_start3A_81 = arith.constant 0 : i32
      %dma_start3A_82 = tpu.memref_slice %arg6[%arg0, %mul3A_2, %dma_start3A_81] : memref<2x100096x8xf32, #tpu.memory_space<hbm>> -> memref<1x6256x8xf32, #tpu.memory_space<hbm>>
      %dma_start3A_83 = tpu.memref_squeeze %dma_start3A_82 : memref<1x6256x8xf32, #tpu.memory_space<hbm>> -> memref<6256x8xf32, #tpu.memory_space<hbm>>
      %dma_start3A_84 = arith.constant 0 : i32
      %dma_start3A_85 = tpu.memref_slice %arg10[%mul3A_2, %dma_start3A_84] : memref<100096x8xf32, #tpu.memory_space<vmem_shared>> -> memref<6256x8xf32, #tpu.memory_space<vmem_shared>>
      tpu.enqueue_dma source(%dma_start3A_85 : memref<6256x8xf32, #tpu.memory_space<vmem_shared>>) target(%dma_start3A_83 : memref<6256x8xf32, #tpu.memory_space<hbm>>) target_semaphore(%run_scoped3A_80 : memref<!tpu.dma_semaphore, #tpu.memory_space<semaphore_mem>>)
      %dma_wait3A_86 = arith.constant 0 : i32
      %dma_wait3A_87 = tpu.memref_slice %arg6[%arg0, %mul3A_2, %dma_wait3A_86] : memref<2x100096x8xf32, #tpu.memory_space<hbm>> -> memref<1x6256x8xf32, #tpu.memory_space<hbm>>
      %dma_wait3A_88 = tpu.memref_squeeze %dma_wait3A_87 : memref<1x6256x8xf32, #tpu.memory_space<hbm>> -> memref<6256x8xf32, #tpu.memory_space<hbm>>
      %dma_wait3A_89 = arith.constant 0 : i32
      %dma_wait3A_90 = tpu.memref_slice %arg10[%mul3A_2, %dma_wait3A_89] : memref<100096x8xf32, #tpu.memory_space<vmem_shared>> -> memref<6256x8xf32, #tpu.memory_space<vmem_shared>>
      tpu.wait_dma2 semaphore(%run_scoped3A_80 : memref<!tpu.dma_semaphore, #tpu.memory_space<semaphore_mem>>) src(%dma_wait3A_90 : memref<6256x8xf32, #tpu.memory_space<vmem_shared>>) dst(%dma_wait3A_88 : memref<6256x8xf32, #tpu.memory_space<hbm>>)
      tpu.yield
    }) : () -> ()
    return
  }
}

#map = affine_map<(d0, d1) -> (0, 0)>
#map1 = affine_map<(d0, d1) -> (0)>
#map2 = affine_map<(d0, d1) -> (0, 0, 0)>
module attributes {stable_mosaic.version = 14 : i64} {
  func.func @agg(%arg0: i32, %arg1: i32, %arg2: memref<100096x8xf32, #tpu.memory_space<hbm>>, %arg3: memref<6422528xi32, #tpu.memory_space<hbm>>, %arg4: memref<6422528xi32, #tpu.memory_space<hbm>>, %arg5: memref<100096x8xf32, #tpu.memory_space<hbm>>, %arg6: memref<2x100096x8xf32, #tpu.memory_space<hbm>>, %arg7: memref<2x2048xi32, #tpu.memory_space<vmem>>, %arg8: memref<2x2048xi32, #tpu.memory_space<vmem>>, %arg9: memref<2x2048x8xf32, #tpu.memory_space<vmem>>, %arg10: memref<100096x8xf32, #tpu.memory_space<vmem_shared>>, %arg11: memref<!tpu.dma_semaphore, #tpu.memory_space<semaphore_mem>>, %arg12: memref<!tpu.dma_semaphore, #tpu.memory_space<semaphore_mem>>) attributes {dimension_semantics = [#tpu.dimension_semantics<core_parallel>, #tpu.dimension_semantics<subcore_parallel>], iteration_bounds = array<i64: 2, 16>, scalar_prefetch = 0 : i64, scratch_operands = 6 : i64, tpu.core_type = #tpu.core_type<sc_vector_subcore>, window_params = [{transform_indices = #map}, {transform_indices = #map1}, {transform_indices = #map1}, {transform_indices = #map}, {transform_indices = #map2}]} {
    %mul3A = arith.constant 2 : i32
    %mul3A_0 = arith.muli %arg1, %mul3A : i32
    %add3A = arith.addi %mul3A_0, %arg0 : i32
    %mul3A_1 = arith.constant 6256 : i32
    %mul3A_2 = arith.muli %arg1, %mul3A_1 : i32
    "tpu.region"() ({
      %run_scoped3A_80 = tpu.sem_alloc : memref<!tpu.dma_semaphore, #tpu.memory_space<semaphore_mem>>
      %dma_start3A_81 = arith.constant 0 : i32
      %dma_start3A_82 = tpu.memref_slice %arg10[%mul3A_2, %dma_start3A_81] : memref<100096x8xf32, #tpu.memory_space<vmem_shared>> -> memref<6256x8xf32, #tpu.memory_space<vmem_shared>>
      %dma_start3A_83 = arith.constant 0 : i32
      %dma_start3A_84 = tpu.memref_slice %arg5[%mul3A_2, %dma_start3A_83] : memref<100096x8xf32, #tpu.memory_space<hbm>> -> memref<6256x8xf32, #tpu.memory_space<hbm>>
      tpu.enqueue_dma source(%dma_start3A_84 : memref<6256x8xf32, #tpu.memory_space<hbm>>) target(%dma_start3A_82 : memref<6256x8xf32, #tpu.memory_space<vmem_shared>>) target_semaphore(%run_scoped3A_80 : memref<!tpu.dma_semaphore, #tpu.memory_space<semaphore_mem>>)
      %dma_wait3A_85 = arith.constant 0 : i32
      %dma_wait3A_86 = tpu.memref_slice %arg10[%mul3A_2, %dma_wait3A_85] : memref<100096x8xf32, #tpu.memory_space<vmem_shared>> -> memref<6256x8xf32, #tpu.memory_space<vmem_shared>>
      %dma_wait3A_87 = arith.constant 0 : i32
      %dma_wait3A_88 = tpu.memref_slice %arg5[%mul3A_2, %dma_wait3A_87] : memref<100096x8xf32, #tpu.memory_space<hbm>> -> memref<6256x8xf32, #tpu.memory_space<hbm>>
      tpu.wait_dma2 semaphore(%run_scoped3A_80 : memref<!tpu.dma_semaphore, #tpu.memory_space<semaphore_mem>>) src(%dma_wait3A_88 : memref<6256x8xf32, #tpu.memory_space<hbm>>) dst(%dma_wait3A_86 : memref<6256x8xf32, #tpu.memory_space<vmem_shared>>)
      tpu.yield
    }) : () -> ()
    %barrier3A = arith.constant 0 : index
    tpu.barrier barrier_id(%barrier3A)
    %mul3A_3 = arith.constant 200704 : i32
    %mul3A_4 = arith.muli %add3A, %mul3A_3 : i32
    %run_scoped3A = arith.constant 0 : i32
    "tpu.region"() ({
      %run_scoped3A_80 = tpu.sem_alloc : memref<!tpu.dma_semaphore, #tpu.memory_space<semaphore_mem>>
      %dma_start3A_81 = arith.constant 0 : i32
      %dma_start3A_82 = tpu.memref_slice %arg7[%run_scoped3A, %dma_start3A_81] : memref<2x2048xi32, #tpu.memory_space<vmem>> -> memref<1x2048xi32, #tpu.memory_space<vmem>>
      %dma_start3A_83 = tpu.memref_squeeze %dma_start3A_82 : memref<1x2048xi32, #tpu.memory_space<vmem>> -> memref<2048xi32, #tpu.memory_space<vmem>>
      %dma_start3A_84 = tpu.memref_slice %arg3[%mul3A_4] : memref<6422528xi32, #tpu.memory_space<hbm>> -> memref<2048xi32, #tpu.memory_space<hbm>>
      %dma_start3A_85 = arith.constant 0 : i32
      %dma_start3A_86 = tpu.memref_slice %arg7[%run_scoped3A, %dma_start3A_85] : memref<2x2048xi32, #tpu.memory_space<vmem>> -> memref<1x2048xi32, #tpu.memory_space<vmem>>
      %dma_start3A_87 = tpu.memref_squeeze %dma_start3A_86 : memref<1x2048xi32, #tpu.memory_space<vmem>> -> memref<2048xi32, #tpu.memory_space<vmem>>
      %dma_start3A_88 = tpu.memref_slice %arg3[%mul3A_4] : memref<6422528xi32, #tpu.memory_space<hbm>> -> memref<2048xi32, #tpu.memory_space<hbm>>
      tpu.enqueue_dma source(%dma_start3A_88 : memref<2048xi32, #tpu.memory_space<hbm>>) target(%dma_start3A_87 : memref<2048xi32, #tpu.memory_space<vmem>>) target_semaphore(%run_scoped3A_80 : memref<!tpu.dma_semaphore, #tpu.memory_space<semaphore_mem>>)
      %dma_wait3A_89 = arith.constant 0 : i32
      %dma_wait3A_90 = tpu.memref_slice %arg7[%run_scoped3A, %dma_wait3A_89] : memref<2x2048xi32, #tpu.memory_space<vmem>> -> memref<1x2048xi32, #tpu.memory_space<vmem>>
      %dma_wait3A_91 = tpu.memref_squeeze %dma_wait3A_90 : memref<1x2048xi32, #tpu.memory_space<vmem>> -> memref<2048xi32, #tpu.memory_space<vmem>>
      %dma_wait3A_92 = tpu.memref_slice %arg3[%mul3A_4] : memref<6422528xi32, #tpu.memory_space<hbm>> -> memref<2048xi32, #tpu.memory_space<hbm>>
      %dma_wait3A_93 = arith.constant 0 : i32
      %dma_wait3A_94 = tpu.memref_slice %arg7[%run_scoped3A, %dma_wait3A_93] : memref<2x2048xi32, #tpu.memory_space<vmem>> -> memref<1x2048xi32, #tpu.memory_space<vmem>>
      %dma_wait3A_95 = tpu.memref_squeeze %dma_wait3A_94 : memref<1x2048xi32, #tpu.memory_space<vmem>> -> memref<2048xi32, #tpu.memory_space<vmem>>
      %dma_wait3A_96 = tpu.memref_slice %arg3[%mul3A_4] : memref<6422528xi32, #tpu.memory_space<hbm>> -> memref<2048xi32, #tpu.memory_space<hbm>>
      tpu.wait_dma2 semaphore(%run_scoped3A_80 : memref<!tpu.dma_semaphore, #tpu.memory_space<semaphore_mem>>) src(%dma_wait3A_96 : memref<2048xi32, #tpu.memory_space<hbm>>) dst(%dma_wait3A_95 : memref<2048xi32, #tpu.memory_space<vmem>>)
      tpu.yield
    }) : () -> ()
    %run_scoped3A_5 = arith.constant 0 : i32
    "tpu.region"() ({
      %run_scoped3A_80 = tpu.sem_alloc : memref<!tpu.dma_semaphore, #tpu.memory_space<semaphore_mem>>
      %dma_start3A_81 = arith.constant 0 : i32
      %dma_start3A_82 = tpu.memref_slice %arg8[%run_scoped3A_5, %dma_start3A_81] : memref<2x2048xi32, #tpu.memory_space<vmem>> -> memref<1x2048xi32, #tpu.memory_space<vmem>>
      %dma_start3A_83 = tpu.memref_squeeze %dma_start3A_82 : memref<1x2048xi32, #tpu.memory_space<vmem>> -> memref<2048xi32, #tpu.memory_space<vmem>>
      %dma_start3A_84 = tpu.memref_slice %arg4[%mul3A_4] : memref<6422528xi32, #tpu.memory_space<hbm>> -> memref<2048xi32, #tpu.memory_space<hbm>>
      %dma_start3A_85 = arith.constant 0 : i32
      %dma_start3A_86 = tpu.memref_slice %arg8[%run_scoped3A_5, %dma_start3A_85] : memref<2x2048xi32, #tpu.memory_space<vmem>> -> memref<1x2048xi32, #tpu.memory_space<vmem>>
      %dma_start3A_87 = tpu.memref_squeeze %dma_start3A_86 : memref<1x2048xi32, #tpu.memory_space<vmem>> -> memref<2048xi32, #tpu.memory_space<vmem>>
      %dma_start3A_88 = tpu.memref_slice %arg4[%mul3A_4] : memref<6422528xi32, #tpu.memory_space<hbm>> -> memref<2048xi32, #tpu.memory_space<hbm>>
      tpu.enqueue_dma source(%dma_start3A_88 : memref<2048xi32, #tpu.memory_space<hbm>>) target(%dma_start3A_87 : memref<2048xi32, #tpu.memory_space<vmem>>) target_semaphore(%run_scoped3A_80 : memref<!tpu.dma_semaphore, #tpu.memory_space<semaphore_mem>>)
      %dma_wait3A_89 = arith.constant 0 : i32
      %dma_wait3A_90 = tpu.memref_slice %arg8[%run_scoped3A_5, %dma_wait3A_89] : memref<2x2048xi32, #tpu.memory_space<vmem>> -> memref<1x2048xi32, #tpu.memory_space<vmem>>
      %dma_wait3A_91 = tpu.memref_squeeze %dma_wait3A_90 : memref<1x2048xi32, #tpu.memory_space<vmem>> -> memref<2048xi32, #tpu.memory_space<vmem>>
      %dma_wait3A_92 = tpu.memref_slice %arg4[%mul3A_4] : memref<6422528xi32, #tpu.memory_space<hbm>> -> memref<2048xi32, #tpu.memory_space<hbm>>
      %dma_wait3A_93 = arith.constant 0 : i32
      %dma_wait3A_94 = tpu.memref_slice %arg8[%run_scoped3A_5, %dma_wait3A_93] : memref<2x2048xi32, #tpu.memory_space<vmem>> -> memref<1x2048xi32, #tpu.memory_space<vmem>>
      %dma_wait3A_95 = tpu.memref_squeeze %dma_wait3A_94 : memref<1x2048xi32, #tpu.memory_space<vmem>> -> memref<2048xi32, #tpu.memory_space<vmem>>
      %dma_wait3A_96 = tpu.memref_slice %arg4[%mul3A_4] : memref<6422528xi32, #tpu.memory_space<hbm>> -> memref<2048xi32, #tpu.memory_space<hbm>>
      tpu.wait_dma2 semaphore(%run_scoped3A_80 : memref<!tpu.dma_semaphore, #tpu.memory_space<semaphore_mem>>) src(%dma_wait3A_96 : memref<2048xi32, #tpu.memory_space<hbm>>) dst(%dma_wait3A_95 : memref<2048xi32, #tpu.memory_space<vmem>>)
      tpu.yield
    }) : () -> ()
    %dma_start3A = arith.constant 0 : i32
    %dma_start3A_6 = arith.constant 0 : i32
    %dma_start3A_7 = arith.constant 0 : i32
    %dma_start3A_8 = arith.constant 0 : i32
    %dma_start3A_9 = tpu.memref_slice %arg9[%dma_start3A_6, %dma_start3A_7, %dma_start3A_8] : memref<2x2048x8xf32, #tpu.memory_space<vmem>> -> memref<1x2048x8xf32, #tpu.memory_space<vmem>>
    %dma_start3A_10 = tpu.memref_squeeze %dma_start3A_9 : memref<1x2048x8xf32, #tpu.memory_space<vmem>> -> memref<2048x8xf32, #tpu.memory_space<vmem>>
    %dma_start3A_11 = arith.constant 0 : i32
    %dma_start3A_12 = tpu.memref_slice %arg7[%dma_start3A, %dma_start3A_11] : memref<2x2048xi32, #tpu.memory_space<vmem>> -> memref<1x2048xi32, #tpu.memory_space<vmem>>
    %dma_start3A_13 = tpu.memref_squeeze %dma_start3A_12 : memref<1x2048xi32, #tpu.memory_space<vmem>> -> memref<2048xi32, #tpu.memory_space<vmem>>
    %dma_start3A_14 = arith.constant 0 : i32
    %dma_start3A_15 = arith.constant 0 : i32
    %dma_start3A_16 = tpu.memref_slice %arg2[%dma_start3A_14, %dma_start3A_15] : memref<100096x8xf32, #tpu.memory_space<hbm>> -> memref<100096x8xf32, #tpu.memory_space<hbm>>
    tpu.enqueue_indirect_dma source(%dma_start3A_16 : memref<100096x8xf32, #tpu.memory_space<hbm>>) target(%dma_start3A_10 : memref<2048x8xf32, #tpu.memory_space<vmem>>) offsets(%dma_start3A_13 : memref<2048xi32, #tpu.memory_space<vmem>>) semaphore(%arg11 : memref<!tpu.dma_semaphore, #tpu.memory_space<semaphore_mem>>)
    %min3A = arith.constant 1 : i32
    %min3A_17 = arith.constant 97 : i32
    %min3A_18 = arith.minsi %min3A, %min3A_17 : i32
    %mul3A_19 = arith.constant 2048 : i32
    %mul3A_20 = arith.muli %min3A_18, %mul3A_19 : i32
    %add3A_21 = arith.addi %mul3A_4, %mul3A_20 : i32
    %dma_start3A_22 = arith.constant 1 : i32
    %dma_start3A_23 = arith.constant 0 : i32
    %dma_start3A_24 = tpu.memref_slice %arg7[%dma_start3A_22, %dma_start3A_23] : memref<2x2048xi32, #tpu.memory_space<vmem>> -> memref<1x2048xi32, #tpu.memory_space<vmem>>
    %dma_start3A_25 = tpu.memref_squeeze %dma_start3A_24 : memref<1x2048xi32, #tpu.memory_space<vmem>> -> memref<2048xi32, #tpu.memory_space<vmem>>
    %dma_start3A_26 = tpu.memref_slice %arg3[%add3A_21] : memref<6422528xi32, #tpu.memory_space<hbm>> -> memref<2048xi32, #tpu.memory_space<hbm>>
    %dma_start3A_27 = arith.constant 0 : i32
    %dma_start3A_28 = tpu.memref_slice %arg7[%dma_start3A_22, %dma_start3A_27] : memref<2x2048xi32, #tpu.memory_space<vmem>> -> memref<1x2048xi32, #tpu.memory_space<vmem>>
    %dma_start3A_29 = tpu.memref_squeeze %dma_start3A_28 : memref<1x2048xi32, #tpu.memory_space<vmem>> -> memref<2048xi32, #tpu.memory_space<vmem>>
    %dma_start3A_30 = tpu.memref_slice %arg3[%add3A_21] : memref<6422528xi32, #tpu.memory_space<hbm>> -> memref<2048xi32, #tpu.memory_space<hbm>>
    tpu.enqueue_dma source(%dma_start3A_30 : memref<2048xi32, #tpu.memory_space<hbm>>) target(%dma_start3A_29 : memref<2048xi32, #tpu.memory_space<vmem>>) target_semaphore(%arg12 : memref<!tpu.dma_semaphore, #tpu.memory_space<semaphore_mem>>)
    %min3A_31 = arith.constant 1 : i32
    %min3A_32 = arith.constant 97 : i32
    %min3A_33 = arith.minsi %min3A_31, %min3A_32 : i32
    %mul3A_34 = arith.constant 2048 : i32
    %mul3A_35 = arith.muli %min3A_33, %mul3A_34 : i32
    %add3A_36 = arith.addi %mul3A_4, %mul3A_35 : i32
    %dma_start3A_37 = arith.constant 1 : i32
    %dma_start3A_38 = arith.constant 0 : i32
    %dma_start3A_39 = tpu.memref_slice %arg8[%dma_start3A_37, %dma_start3A_38] : memref<2x2048xi32, #tpu.memory_space<vmem>> -> memref<1x2048xi32, #tpu.memory_space<vmem>>
    %dma_start3A_40 = tpu.memref_squeeze %dma_start3A_39 : memref<1x2048xi32, #tpu.memory_space<vmem>> -> memref<2048xi32, #tpu.memory_space<vmem>>
    %dma_start3A_41 = tpu.memref_slice %arg4[%add3A_36] : memref<6422528xi32, #tpu.memory_space<hbm>> -> memref<2048xi32, #tpu.memory_space<hbm>>
    %dma_start3A_42 = arith.constant 0 : i32
    %dma_start3A_43 = tpu.memref_slice %arg8[%dma_start3A_37, %dma_start3A_42] : memref<2x2048xi32, #tpu.memory_space<vmem>> -> memref<1x2048xi32, #tpu.memory_space<vmem>>
    %dma_start3A_44 = tpu.memref_squeeze %dma_start3A_43 : memref<1x2048xi32, #tpu.memory_space<vmem>> -> memref<2048xi32, #tpu.memory_space<vmem>>
    %dma_start3A_45 = tpu.memref_slice %arg4[%add3A_36] : memref<6422528xi32, #tpu.memory_space<hbm>> -> memref<2048xi32, #tpu.memory_space<hbm>>
    tpu.enqueue_dma source(%dma_start3A_45 : memref<2048xi32, #tpu.memory_space<hbm>>) target(%dma_start3A_44 : memref<2048xi32, #tpu.memory_space<vmem>>) target_semaphore(%arg12 : memref<!tpu.dma_semaphore, #tpu.memory_space<semaphore_mem>>)
    %scan3A = arith.constant 0 : i32
    %scan3A_46 = arith.constant 49 : i32
    %scan3A_47 = arith.addi %scan3A, %scan3A_46 : i32
    %scan3A_48 = arith.constant 1 : i32
    scf.for %scan3A_80 = %scan3A to %scan3A_47 step %scan3A_48  : i32 {
      %mul3A_81 = arith.constant 2 : i32
      %mul3A_82 = arith.muli %scan3A_80, %mul3A_81 : i32
      %add3A_83 = arith.constant 0 : i32
      %add3A_84 = arith.addi %add3A_83, %mul3A_82 : i32
      %add3A_85 = arith.constant 0 : i32
      %add3A_86 = arith.addi %add3A_84, %add3A_85 : i32
      %dma_wait3A_87 = arith.constant 0 : i32
      %dma_wait3A_88 = arith.constant 0 : i32
      %dma_wait3A_89 = arith.constant 0 : i32
      %dma_wait3A_90 = arith.constant 0 : i32
      %dma_wait3A_91 = tpu.memref_slice %arg9[%dma_wait3A_88, %dma_wait3A_89, %dma_wait3A_90] : memref<2x2048x8xf32, #tpu.memory_space<vmem>> -> memref<1x2048x8xf32, #tpu.memory_space<vmem>>
      %dma_wait3A_92 = tpu.memref_squeeze %dma_wait3A_91 : memref<1x2048x8xf32, #tpu.memory_space<vmem>> -> memref<2048x8xf32, #tpu.memory_space<vmem>>
      %dma_wait3A_93 = arith.constant 0 : i32
      %dma_wait3A_94 = tpu.memref_slice %arg7[%dma_wait3A_87, %dma_wait3A_93] : memref<2x2048xi32, #tpu.memory_space<vmem>> -> memref<1x2048xi32, #tpu.memory_space<vmem>>
      %dma_wait3A_95 = tpu.memref_squeeze %dma_wait3A_94 : memref<1x2048xi32, #tpu.memory_space<vmem>> -> memref<2048xi32, #tpu.memory_space<vmem>>
      %dma_wait3A_96 = arith.constant 0 : i32
      %dma_wait3A_97 = arith.constant 0 : i32
      %dma_wait3A_98 = tpu.memref_slice %arg2[%dma_wait3A_96, %dma_wait3A_97] : memref<100096x8xf32, #tpu.memory_space<hbm>> -> memref<100096x8xf32, #tpu.memory_space<hbm>>
      tpu.wait_indirect_dma semaphore(%arg11 : memref<!tpu.dma_semaphore, #tpu.memory_space<semaphore_mem>>) src(%dma_wait3A_98 : memref<100096x8xf32, #tpu.memory_space<hbm>>) dst(%dma_wait3A_92 : memref<2048x8xf32, #tpu.memory_space<vmem>>)
      %dma_wait3A_99 = arith.constant 1 : i32
      %dma_wait3A_100 = arith.constant 0 : i32
      %dma_wait3A_101 = tpu.memref_slice %arg7[%dma_wait3A_99, %dma_wait3A_100] : memref<2x2048xi32, #tpu.memory_space<vmem>> -> memref<1x2048xi32, #tpu.memory_space<vmem>>
      %dma_wait3A_102 = tpu.memref_squeeze %dma_wait3A_101 : memref<1x2048xi32, #tpu.memory_space<vmem>> -> memref<2048xi32, #tpu.memory_space<vmem>>
      %dma_wait3A_103 = tpu.memref_slice %arg3[%mul3A_4] : memref<6422528xi32, #tpu.memory_space<hbm>> -> memref<2048xi32, #tpu.memory_space<hbm>>
      %dma_wait3A_104 = arith.constant 0 : i32
      %dma_wait3A_105 = tpu.memref_slice %arg7[%dma_wait3A_99, %dma_wait3A_104] : memref<2x2048xi32, #tpu.memory_space<vmem>> -> memref<1x2048xi32, #tpu.memory_space<vmem>>
      %dma_wait3A_106 = tpu.memref_squeeze %dma_wait3A_105 : memref<1x2048xi32, #tpu.memory_space<vmem>> -> memref<2048xi32, #tpu.memory_space<vmem>>
      %dma_wait3A_107 = tpu.memref_slice %arg3[%mul3A_4] : memref<6422528xi32, #tpu.memory_space<hbm>> -> memref<2048xi32, #tpu.memory_space<hbm>>
      tpu.wait_dma2 semaphore(%arg12 : memref<!tpu.dma_semaphore, #tpu.memory_space<semaphore_mem>>) src(%dma_wait3A_107 : memref<2048xi32, #tpu.memory_space<hbm>>) dst(%dma_wait3A_106 : memref<2048xi32, #tpu.memory_space<vmem>>)
      %dma_wait3A_108 = arith.constant 1 : i32
      %dma_wait3A_109 = arith.constant 0 : i32
      %dma_wait3A_110 = tpu.memref_slice %arg8[%dma_wait3A_108, %dma_wait3A_109] : memref<2x2048xi32, #tpu.memory_space<vmem>> -> memref<1x2048xi32, #tpu.memory_space<vmem>>
      %dma_wait3A_111 = tpu.memref_squeeze %dma_wait3A_110 : memref<1x2048xi32, #tpu.memory_space<vmem>> -> memref<2048xi32, #tpu.memory_space<vmem>>
      %dma_wait3A_112 = tpu.memref_slice %arg4[%mul3A_4] : memref<6422528xi32, #tpu.memory_space<hbm>> -> memref<2048xi32, #tpu.memory_space<hbm>>
      %dma_wait3A_113 = arith.constant 0 : i32
      %dma_wait3A_114 = tpu.memref_slice %arg8[%dma_wait3A_108, %dma_wait3A_113] : memref<2x2048xi32, #tpu.memory_space<vmem>> -> memref<1x2048xi32, #tpu.memory_space<vmem>>
      %dma_wait3A_115 = tpu.memref_squeeze %dma_wait3A_114 : memref<1x2048xi32, #tpu.memory_space<vmem>> -> memref<2048xi32, #tpu.memory_space<vmem>>
      %dma_wait3A_116 = tpu.memref_slice %arg4[%mul3A_4] : memref<6422528xi32, #tpu.memory_space<hbm>> -> memref<2048xi32, #tpu.memory_space<hbm>>
      tpu.wait_dma2 semaphore(%arg12 : memref<!tpu.dma_semaphore, #tpu.memory_space<semaphore_mem>>) src(%dma_wait3A_116 : memref<2048xi32, #tpu.memory_space<hbm>>) dst(%dma_wait3A_115 : memref<2048xi32, #tpu.memory_space<vmem>>)
      %dma_start3A_117 = arith.constant 1 : i32
      %dma_start3A_118 = arith.constant 1 : i32
      %dma_start3A_119 = arith.constant 0 : i32
      %dma_start3A_120 = arith.constant 0 : i32
      %dma_start3A_121 = tpu.memref_slice %arg9[%dma_start3A_118, %dma_start3A_119, %dma_start3A_120] : memref<2x2048x8xf32, #tpu.memory_space<vmem>> -> memref<1x2048x8xf32, #tpu.memory_space<vmem>>
      %dma_start3A_122 = tpu.memref_squeeze %dma_start3A_121 : memref<1x2048x8xf32, #tpu.memory_space<vmem>> -> memref<2048x8xf32, #tpu.memory_space<vmem>>
      %dma_start3A_123 = arith.constant 0 : i32
      %dma_start3A_124 = tpu.memref_slice %arg7[%dma_start3A_117, %dma_start3A_123] : memref<2x2048xi32, #tpu.memory_space<vmem>> -> memref<1x2048xi32, #tpu.memory_space<vmem>>
      %dma_start3A_125 = tpu.memref_squeeze %dma_start3A_124 : memref<1x2048xi32, #tpu.memory_space<vmem>> -> memref<2048xi32, #tpu.memory_space<vmem>>
      %dma_start3A_126 = arith.constant 0 : i32
      %dma_start3A_127 = arith.constant 0 : i32
      %dma_start3A_128 = tpu.memref_slice %arg2[%dma_start3A_126, %dma_start3A_127] : memref<100096x8xf32, #tpu.memory_space<hbm>> -> memref<100096x8xf32, #tpu.memory_space<hbm>>
      tpu.enqueue_indirect_dma source(%dma_start3A_128 : memref<100096x8xf32, #tpu.memory_space<hbm>>) target(%dma_start3A_122 : memref<2048x8xf32, #tpu.memory_space<vmem>>) offsets(%dma_start3A_125 : memref<2048xi32, #tpu.memory_space<vmem>>) semaphore(%arg11 : memref<!tpu.dma_semaphore, #tpu.memory_space<semaphore_mem>>)
      %run_scoped3A_129 = arith.constant 0 : i32
      %run_scoped3A_130 = arith.constant 0 : i32
      "tpu.region"() ({
        %run_scoped3A_237 = tpu.sem_alloc : memref<!tpu.dma_semaphore, #tpu.memory_space<semaphore_mem>>
        %dma_start3A_238 = arith.constant 0 : i32
        %dma_start3A_239 = arith.constant 0 : i32
        %dma_start3A_240 = tpu.memref_slice %arg9[%run_scoped3A_129, %dma_start3A_238, %dma_start3A_239] : memref<2x2048x8xf32, #tpu.memory_space<vmem>> -> memref<1x2048x8xf32, #tpu.memory_space<vmem>>
        %dma_start3A_241 = tpu.memref_squeeze %dma_start3A_240 : memref<1x2048x8xf32, #tpu.memory_space<vmem>> -> memref<2048x8xf32, #tpu.memory_space<vmem>>
        %dma_start3A_242 = arith.constant 0 : i32
        %dma_start3A_243 = tpu.memref_slice %arg8[%run_scoped3A_130, %dma_start3A_242] : memref<2x2048xi32, #tpu.memory_space<vmem>> -> memref<1x2048xi32, #tpu.memory_space<vmem>>
        %dma_start3A_244 = tpu.memref_squeeze %dma_start3A_243 : memref<1x2048xi32, #tpu.memory_space<vmem>> -> memref<2048xi32, #tpu.memory_space<vmem>>
        %dma_start3A_245 = arith.constant 0 : i32
        %dma_start3A_246 = arith.constant 0 : i32
        %dma_start3A_247 = tpu.memref_slice %arg10[%dma_start3A_245, %dma_start3A_246] : memref<100096x8xf32, #tpu.memory_space<vmem_shared>> -> memref<100096x8xf32, #tpu.memory_space<vmem_shared>>
        tpu.enqueue_indirect_dma source(%dma_start3A_241 : memref<2048x8xf32, #tpu.memory_space<vmem>>) target(%dma_start3A_247 : memref<100096x8xf32, #tpu.memory_space<vmem_shared>>) offsets(%dma_start3A_244 : memref<2048xi32, #tpu.memory_space<vmem>>) semaphore(%run_scoped3A_237 : memref<!tpu.dma_semaphore, #tpu.memory_space<semaphore_mem>>) {add = true}
        %dma_wait3A_248 = arith.constant 0 : i32
        %dma_wait3A_249 = arith.constant 0 : i32
        %dma_wait3A_250 = tpu.memref_slice %arg9[%run_scoped3A_129, %dma_wait3A_248, %dma_wait3A_249] : memref<2x2048x8xf32, #tpu.memory_space<vmem>> -> memref<1x2048x8xf32, #tpu.memory_space<vmem>>
        %dma_wait3A_251 = tpu.memref_squeeze %dma_wait3A_250 : memref<1x2048x8xf32, #tpu.memory_space<vmem>> -> memref<2048x8xf32, #tpu.memory_space<vmem>>
        %dma_wait3A_252 = arith.constant 0 : i32
        %dma_wait3A_253 = tpu.memref_slice %arg8[%run_scoped3A_130, %dma_wait3A_252] : memref<2x2048xi32, #tpu.memory_space<vmem>> -> memref<1x2048xi32, #tpu.memory_space<vmem>>
        %dma_wait3A_254 = tpu.memref_squeeze %dma_wait3A_253 : memref<1x2048xi32, #tpu.memory_space<vmem>> -> memref<2048xi32, #tpu.memory_space<vmem>>
        %dma_wait3A_255 = arith.constant 0 : i32
        %dma_wait3A_256 = arith.constant 0 : i32
        %dma_wait3A_257 = tpu.memref_slice %arg10[%dma_wait3A_255, %dma_wait3A_256] : memref<100096x8xf32, #tpu.memory_space<vmem_shared>> -> memref<100096x8xf32, #tpu.memory_space<vmem_shared>>
        tpu.wait_indirect_dma semaphore(%run_scoped3A_237 : memref<!tpu.dma_semaphore, #tpu.memory_space<semaphore_mem>>) src(%dma_wait3A_251 : memref<2048x8xf32, #tpu.memory_space<vmem>>) dst(%dma_wait3A_257 : memref<100096x8xf32, #tpu.memory_space<vmem_shared>>)
        tpu.yield
      }) : () -> ()
      %add3A_131 = arith.constant 2 : i32
      %add3A_132 = arith.addi %add3A_86, %add3A_131 : i32
      %min3A_133 = arith.constant 97 : i32
      %min3A_134 = arith.minsi %add3A_132, %min3A_133 : i32
      %mul3A_135 = arith.constant 2048 : i32
      %mul3A_136 = arith.muli %min3A_134, %mul3A_135 : i32
      %add3A_137 = arith.addi %mul3A_4, %mul3A_136 : i32
      %dma_start3A_138 = arith.constant 0 : i32
      %dma_start3A_139 = arith.constant 0 : i32
      %dma_start3A_140 = tpu.memref_slice %arg7[%dma_start3A_138, %dma_start3A_139] : memref<2x2048xi32, #tpu.memory_space<vmem>> -> memref<1x2048xi32, #tpu.memory_space<vmem>>
      %dma_start3A_141 = tpu.memref_squeeze %dma_start3A_140 : memref<1x2048xi32, #tpu.memory_space<vmem>> -> memref<2048xi32, #tpu.memory_space<vmem>>
      %dma_start3A_142 = tpu.memref_slice %arg3[%add3A_137] : memref<6422528xi32, #tpu.memory_space<hbm>> -> memref<2048xi32, #tpu.memory_space<hbm>>
      %dma_start3A_143 = arith.constant 0 : i32
      %dma_start3A_144 = tpu.memref_slice %arg7[%dma_start3A_138, %dma_start3A_143] : memref<2x2048xi32, #tpu.memory_space<vmem>> -> memref<1x2048xi32, #tpu.memory_space<vmem>>
      %dma_start3A_145 = tpu.memref_squeeze %dma_start3A_144 : memref<1x2048xi32, #tpu.memory_space<vmem>> -> memref<2048xi32, #tpu.memory_space<vmem>>
      %dma_start3A_146 = tpu.memref_slice %arg3[%add3A_137] : memref<6422528xi32, #tpu.memory_space<hbm>> -> memref<2048xi32, #tpu.memory_space<hbm>>
      tpu.enqueue_dma source(%dma_start3A_146 : memref<2048xi32, #tpu.memory_space<hbm>>) target(%dma_start3A_145 : memref<2048xi32, #tpu.memory_space<vmem>>) target_semaphore(%arg12 : memref<!tpu.dma_semaphore, #tpu.memory_space<semaphore_mem>>)
      %min3A_147 = arith.constant 97 : i32
      %min3A_148 = arith.minsi %add3A_132, %min3A_147 : i32
      %mul3A_149 = arith.constant 2048 : i32
      %mul3A_150 = arith.muli %min3A_148, %mul3A_149 : i32
      %add3A_151 = arith.addi %mul3A_4, %mul3A_150 : i32
      %dma_start3A_152 = arith.constant 0 : i32
      %dma_start3A_153 = arith.constant 0 : i32
      %dma_start3A_154 = tpu.memref_slice %arg8[%dma_start3A_152, %dma_start3A_153] : memref<2x2048xi32, #tpu.memory_space<vmem>> -> memref<1x2048xi32, #tpu.memory_space<vmem>>
      %dma_start3A_155 = tpu.memref_squeeze %dma_start3A_154 : memref<1x2048xi32, #tpu.memory_space<vmem>> -> memref<2048xi32, #tpu.memory_space<vmem>>
      %dma_start3A_156 = tpu.memref_slice %arg4[%add3A_151] : memref<6422528xi32, #tpu.memory_space<hbm>> -> memref<2048xi32, #tpu.memory_space<hbm>>
      %dma_start3A_157 = arith.constant 0 : i32
      %dma_start3A_158 = tpu.memref_slice %arg8[%dma_start3A_152, %dma_start3A_157] : memref<2x2048xi32, #tpu.memory_space<vmem>> -> memref<1x2048xi32, #tpu.memory_space<vmem>>
      %dma_start3A_159 = tpu.memref_squeeze %dma_start3A_158 : memref<1x2048xi32, #tpu.memory_space<vmem>> -> memref<2048xi32, #tpu.memory_space<vmem>>
      %dma_start3A_160 = tpu.memref_slice %arg4[%add3A_151] : memref<6422528xi32, #tpu.memory_space<hbm>> -> memref<2048xi32, #tpu.memory_space<hbm>>
      tpu.enqueue_dma source(%dma_start3A_160 : memref<2048xi32, #tpu.memory_space<hbm>>) target(%dma_start3A_159 : memref<2048xi32, #tpu.memory_space<vmem>>) target_semaphore(%arg12 : memref<!tpu.dma_semaphore, #tpu.memory_space<semaphore_mem>>)
      %add3A_161 = arith.constant 1 : i32
      %add3A_162 = arith.addi %add3A_84, %add3A_161 : i32
      %dma_wait3A_163 = arith.constant 1 : i32
      %dma_wait3A_164 = arith.constant 1 : i32
      %dma_wait3A_165 = arith.constant 0 : i32
      %dma_wait3A_166 = arith.constant 0 : i32
      %dma_wait3A_167 = tpu.memref_slice %arg9[%dma_wait3A_164, %dma_wait3A_165, %dma_wait3A_166] : memref<2x2048x8xf32, #tpu.memory_space<vmem>> -> memref<1x2048x8xf32, #tpu.memory_space<vmem>>
      %dma_wait3A_168 = tpu.memref_squeeze %dma_wait3A_167 : memref<1x2048x8xf32, #tpu.memory_space<vmem>> -> memref<2048x8xf32, #tpu.memory_space<vmem>>
      %dma_wait3A_169 = arith.constant 0 : i32
      %dma_wait3A_170 = tpu.memref_slice %arg7[%dma_wait3A_163, %dma_wait3A_169] : memref<2x2048xi32, #tpu.memory_space<vmem>> -> memref<1x2048xi32, #tpu.memory_space<vmem>>
      %dma_wait3A_171 = tpu.memref_squeeze %dma_wait3A_170 : memref<1x2048xi32, #tpu.memory_space<vmem>> -> memref<2048xi32, #tpu.memory_space<vmem>>
      %dma_wait3A_172 = arith.constant 0 : i32
      %dma_wait3A_173 = arith.constant 0 : i32
      %dma_wait3A_174 = tpu.memref_slice %arg2[%dma_wait3A_172, %dma_wait3A_173] : memref<100096x8xf32, #tpu.memory_space<hbm>> -> memref<100096x8xf32, #tpu.memory_space<hbm>>
      tpu.wait_indirect_dma semaphore(%arg11 : memref<!tpu.dma_semaphore, #tpu.memory_space<semaphore_mem>>) src(%dma_wait3A_174 : memref<100096x8xf32, #tpu.memory_space<hbm>>) dst(%dma_wait3A_168 : memref<2048x8xf32, #tpu.memory_space<vmem>>)
      %dma_wait3A_175 = arith.constant 0 : i32
      %dma_wait3A_176 = arith.constant 0 : i32
      %dma_wait3A_177 = tpu.memref_slice %arg7[%dma_wait3A_175, %dma_wait3A_176] : memref<2x2048xi32, #tpu.memory_space<vmem>> -> memref<1x2048xi32, #tpu.memory_space<vmem>>
      %dma_wait3A_178 = tpu.memref_squeeze %dma_wait3A_177 : memref<1x2048xi32, #tpu.memory_space<vmem>> -> memref<2048xi32, #tpu.memory_space<vmem>>
      %dma_wait3A_179 = tpu.memref_slice %arg3[%mul3A_4] : memref<6422528xi32, #tpu.memory_space<hbm>> -> memref<2048xi32, #tpu.memory_space<hbm>>
      %dma_wait3A_180 = arith.constant 0 : i32
      %dma_wait3A_181 = tpu.memref_slice %arg7[%dma_wait3A_175, %dma_wait3A_180] : memref<2x2048xi32, #tpu.memory_space<vmem>> -> memref<1x2048xi32, #tpu.memory_space<vmem>>
      %dma_wait3A_182 = tpu.memref_squeeze %dma_wait3A_181 : memref<1x2048xi32, #tpu.memory_space<vmem>> -> memref<2048xi32, #tpu.memory_space<vmem>>
      %dma_wait3A_183 = tpu.memref_slice %arg3[%mul3A_4] : memref<6422528xi32, #tpu.memory_space<hbm>> -> memref<2048xi32, #tpu.memory_space<hbm>>
      tpu.wait_dma2 semaphore(%arg12 : memref<!tpu.dma_semaphore, #tpu.memory_space<semaphore_mem>>) src(%dma_wait3A_183 : memref<2048xi32, #tpu.memory_space<hbm>>) dst(%dma_wait3A_182 : memref<2048xi32, #tpu.memory_space<vmem>>)
      %dma_wait3A_184 = arith.constant 0 : i32
      %dma_wait3A_185 = arith.constant 0 : i32
      %dma_wait3A_186 = tpu.memref_slice %arg8[%dma_wait3A_184, %dma_wait3A_185] : memref<2x2048xi32, #tpu.memory_space<vmem>> -> memref<1x2048xi32, #tpu.memory_space<vmem>>
      %dma_wait3A_187 = tpu.memref_squeeze %dma_wait3A_186 : memref<1x2048xi32, #tpu.memory_space<vmem>> -> memref<2048xi32, #tpu.memory_space<vmem>>
      %dma_wait3A_188 = tpu.memref_slice %arg4[%mul3A_4] : memref<6422528xi32, #tpu.memory_space<hbm>> -> memref<2048xi32, #tpu.memory_space<hbm>>
      %dma_wait3A_189 = arith.constant 0 : i32
      %dma_wait3A_190 = tpu.memref_slice %arg8[%dma_wait3A_184, %dma_wait3A_189] : memref<2x2048xi32, #tpu.memory_space<vmem>> -> memref<1x2048xi32, #tpu.memory_space<vmem>>
      %dma_wait3A_191 = tpu.memref_squeeze %dma_wait3A_190 : memref<1x2048xi32, #tpu.memory_space<vmem>> -> memref<2048xi32, #tpu.memory_space<vmem>>
      %dma_wait3A_192 = tpu.memref_slice %arg4[%mul3A_4] : memref<6422528xi32, #tpu.memory_space<hbm>> -> memref<2048xi32, #tpu.memory_space<hbm>>
      tpu.wait_dma2 semaphore(%arg12 : memref<!tpu.dma_semaphore, #tpu.memory_space<semaphore_mem>>) src(%dma_wait3A_192 : memref<2048xi32, #tpu.memory_space<hbm>>) dst(%dma_wait3A_191 : memref<2048xi32, #tpu.memory_space<vmem>>)
      %dma_start3A_193 = arith.constant 0 : i32
      %dma_start3A_194 = arith.constant 0 : i32
      %dma_start3A_195 = arith.constant 0 : i32
      %dma_start3A_196 = arith.constant 0 : i32
      %dma_start3A_197 = tpu.memref_slice %arg9[%dma_start3A_194, %dma_start3A_195, %dma_start3A_196] : memref<2x2048x8xf32, #tpu.memory_space<vmem>> -> memref<1x2048x8xf32, #tpu.memory_space<vmem>>
      %dma_start3A_198 = tpu.memref_squeeze %dma_start3A_197 : memref<1x2048x8xf32, #tpu.memory_space<vmem>> -> memref<2048x8xf32, #tpu.memory_space<vmem>>
      %dma_start3A_199 = arith.constant 0 : i32
      %dma_start3A_200 = tpu.memref_slice %arg7[%dma_start3A_193, %dma_start3A_199] : memref<2x2048xi32, #tpu.memory_space<vmem>> -> memref<1x2048xi32, #tpu.memory_space<vmem>>
      %dma_start3A_201 = tpu.memref_squeeze %dma_start3A_200 : memref<1x2048xi32, #tpu.memory_space<vmem>> -> memref<2048xi32, #tpu.memory_space<vmem>>
      %dma_start3A_202 = arith.constant 0 : i32
      %dma_start3A_203 = arith.constant 0 : i32
      %dma_start3A_204 = tpu.memref_slice %arg2[%dma_start3A_202, %dma_start3A_203] : memref<100096x8xf32, #tpu.memory_space<hbm>> -> memref<100096x8xf32, #tpu.memory_space<hbm>>
      tpu.enqueue_indirect_dma source(%dma_start3A_204 : memref<100096x8xf32, #tpu.memory_space<hbm>>) target(%dma_start3A_198 : memref<2048x8xf32, #tpu.memory_space<vmem>>) offsets(%dma_start3A_201 : memref<2048xi32, #tpu.memory_space<vmem>>) semaphore(%arg11 : memref<!tpu.dma_semaphore, #tpu.memory_space<semaphore_mem>>)
      %run_scoped3A_205 = arith.constant 1 : i32
      %run_scoped3A_206 = arith.constant 1 : i32
      "tpu.region"() ({
        %run_scoped3A_237 = tpu.sem_alloc : memref<!tpu.dma_semaphore, #tpu.memory_space<semaphore_mem>>
        %dma_start3A_238 = arith.constant 0 : i32
        %dma_start3A_239 = arith.constant 0 : i32
        %dma_start3A_240 = tpu.memref_slice %arg9[%run_scoped3A_205, %dma_start3A_238, %dma_start3A_239] : memref<2x2048x8xf32, #tpu.memory_space<vmem>> -> memref<1x2048x8xf32, #tpu.memory_space<vmem>>
        %dma_start3A_241 = tpu.memref_squeeze %dma_start3A_240 : memref<1x2048x8xf32, #tpu.memory_space<vmem>> -> memref<2048x8xf32, #tpu.memory_space<vmem>>
        %dma_start3A_242 = arith.constant 0 : i32
        %dma_start3A_243 = tpu.memref_slice %arg8[%run_scoped3A_206, %dma_start3A_242] : memref<2x2048xi32, #tpu.memory_space<vmem>> -> memref<1x2048xi32, #tpu.memory_space<vmem>>
        %dma_start3A_244 = tpu.memref_squeeze %dma_start3A_243 : memref<1x2048xi32, #tpu.memory_space<vmem>> -> memref<2048xi32, #tpu.memory_space<vmem>>
        %dma_start3A_245 = arith.constant 0 : i32
        %dma_start3A_246 = arith.constant 0 : i32
        %dma_start3A_247 = tpu.memref_slice %arg10[%dma_start3A_245, %dma_start3A_246] : memref<100096x8xf32, #tpu.memory_space<vmem_shared>> -> memref<100096x8xf32, #tpu.memory_space<vmem_shared>>
        tpu.enqueue_indirect_dma source(%dma_start3A_241 : memref<2048x8xf32, #tpu.memory_space<vmem>>) target(%dma_start3A_247 : memref<100096x8xf32, #tpu.memory_space<vmem_shared>>) offsets(%dma_start3A_244 : memref<2048xi32, #tpu.memory_space<vmem>>) semaphore(%run_scoped3A_237 : memref<!tpu.dma_semaphore, #tpu.memory_space<semaphore_mem>>) {add = true}
        %dma_wait3A_248 = arith.constant 0 : i32
        %dma_wait3A_249 = arith.constant 0 : i32
        %dma_wait3A_250 = tpu.memref_slice %arg9[%run_scoped3A_205, %dma_wait3A_248, %dma_wait3A_249] : memref<2x2048x8xf32, #tpu.memory_space<vmem>> -> memref<1x2048x8xf32, #tpu.memory_space<vmem>>
        %dma_wait3A_251 = tpu.memref_squeeze %dma_wait3A_250 : memref<1x2048x8xf32, #tpu.memory_space<vmem>> -> memref<2048x8xf32, #tpu.memory_space<vmem>>
        %dma_wait3A_252 = arith.constant 0 : i32
        %dma_wait3A_253 = tpu.memref_slice %arg8[%run_scoped3A_206, %dma_wait3A_252] : memref<2x2048xi32, #tpu.memory_space<vmem>> -> memref<1x2048xi32, #tpu.memory_space<vmem>>
        %dma_wait3A_254 = tpu.memref_squeeze %dma_wait3A_253 : memref<1x2048xi32, #tpu.memory_space<vmem>> -> memref<2048xi32, #tpu.memory_space<vmem>>
        %dma_wait3A_255 = arith.constant 0 : i32
        %dma_wait3A_256 = arith.constant 0 : i32
        %dma_wait3A_257 = tpu.memref_slice %arg10[%dma_wait3A_255, %dma_wait3A_256] : memref<100096x8xf32, #tpu.memory_space<vmem_shared>> -> memref<100096x8xf32, #tpu.memory_space<vmem_shared>>
        tpu.wait_indirect_dma semaphore(%run_scoped3A_237 : memref<!tpu.dma_semaphore, #tpu.memory_space<semaphore_mem>>) src(%dma_wait3A_251 : memref<2048x8xf32, #tpu.memory_space<vmem>>) dst(%dma_wait3A_257 : memref<100096x8xf32, #tpu.memory_space<vmem_shared>>)
        tpu.yield
      }) : () -> ()
      %add3A_207 = arith.constant 2 : i32
      %add3A_208 = arith.addi %add3A_162, %add3A_207 : i32
      %min3A_209 = arith.constant 97 : i32
      %min3A_210 = arith.minsi %add3A_208, %min3A_209 : i32
      %mul3A_211 = arith.constant 2048 : i32
      %mul3A_212 = arith.muli %min3A_210, %mul3A_211 : i32
      %add3A_213 = arith.addi %mul3A_4, %mul3A_212 : i32
      %dma_start3A_214 = arith.constant 1 : i32
      %dma_start3A_215 = arith.constant 0 : i32
      %dma_start3A_216 = tpu.memref_slice %arg7[%dma_start3A_214, %dma_start3A_215] : memref<2x2048xi32, #tpu.memory_space<vmem>> -> memref<1x2048xi32, #tpu.memory_space<vmem>>
      %dma_start3A_217 = tpu.memref_squeeze %dma_start3A_216 : memref<1x2048xi32, #tpu.memory_space<vmem>> -> memref<2048xi32, #tpu.memory_space<vmem>>
      %dma_start3A_218 = tpu.memref_slice %arg3[%add3A_213] : memref<6422528xi32, #tpu.memory_space<hbm>> -> memref<2048xi32, #tpu.memory_space<hbm>>
      %dma_start3A_219 = arith.constant 0 : i32
      %dma_start3A_220 = tpu.memref_slice %arg7[%dma_start3A_214, %dma_start3A_219] : memref<2x2048xi32, #tpu.memory_space<vmem>> -> memref<1x2048xi32, #tpu.memory_space<vmem>>
      %dma_start3A_221 = tpu.memref_squeeze %dma_start3A_220 : memref<1x2048xi32, #tpu.memory_space<vmem>> -> memref<2048xi32, #tpu.memory_space<vmem>>
      %dma_start3A_222 = tpu.memref_slice %arg3[%add3A_213] : memref<6422528xi32, #tpu.memory_space<hbm>> -> memref<2048xi32, #tpu.memory_space<hbm>>
      tpu.enqueue_dma source(%dma_start3A_222 : memref<2048xi32, #tpu.memory_space<hbm>>) target(%dma_start3A_221 : memref<2048xi32, #tpu.memory_space<vmem>>) target_semaphore(%arg12 : memref<!tpu.dma_semaphore, #tpu.memory_space<semaphore_mem>>)
      %min3A_223 = arith.constant 97 : i32
      %min3A_224 = arith.minsi %add3A_208, %min3A_223 : i32
      %mul3A_225 = arith.constant 2048 : i32
      %mul3A_226 = arith.muli %min3A_224, %mul3A_225 : i32
      %add3A_227 = arith.addi %mul3A_4, %mul3A_226 : i32
      %dma_start3A_228 = arith.constant 1 : i32
      %dma_start3A_229 = arith.constant 0 : i32
      %dma_start3A_230 = tpu.memref_slice %arg8[%dma_start3A_228, %dma_start3A_229] : memref<2x2048xi32, #tpu.memory_space<vmem>> -> memref<1x2048xi32, #tpu.memory_space<vmem>>
      %dma_start3A_231 = tpu.memref_squeeze %dma_start3A_230 : memref<1x2048xi32, #tpu.memory_space<vmem>> -> memref<2048xi32, #tpu.memory_space<vmem>>
      %dma_start3A_232 = tpu.memref_slice %arg4[%add3A_227] : memref<6422528xi32, #tpu.memory_space<hbm>> -> memref<2048xi32, #tpu.memory_space<hbm>>
      %dma_start3A_233 = arith.constant 0 : i32
      %dma_start3A_234 = tpu.memref_slice %arg8[%dma_start3A_228, %dma_start3A_233] : memref<2x2048xi32, #tpu.memory_space<vmem>> -> memref<1x2048xi32, #tpu.memory_space<vmem>>
      %dma_start3A_235 = tpu.memref_squeeze %dma_start3A_234 : memref<1x2048xi32, #tpu.memory_space<vmem>> -> memref<2048xi32, #tpu.memory_space<vmem>>
      %dma_start3A_236 = tpu.memref_slice %arg4[%add3A_227] : memref<6422528xi32, #tpu.memory_space<hbm>> -> memref<2048xi32, #tpu.memory_space<hbm>>
      tpu.enqueue_dma source(%dma_start3A_236 : memref<2048xi32, #tpu.memory_space<hbm>>) target(%dma_start3A_235 : memref<2048xi32, #tpu.memory_space<vmem>>) target_semaphore(%arg12 : memref<!tpu.dma_semaphore, #tpu.memory_space<semaphore_mem>>)
    }
    %scan3A_49 = arith.constant 49 : i32
    %dma_wait3A = arith.constant 0 : i32
    %dma_wait3A_50 = arith.constant 0 : i32
    %dma_wait3A_51 = arith.constant 0 : i32
    %dma_wait3A_52 = arith.constant 0 : i32
    %dma_wait3A_53 = tpu.memref_slice %arg9[%dma_wait3A_50, %dma_wait3A_51, %dma_wait3A_52] : memref<2x2048x8xf32, #tpu.memory_space<vmem>> -> memref<1x2048x8xf32, #tpu.memory_space<vmem>>
    %dma_wait3A_54 = tpu.memref_squeeze %dma_wait3A_53 : memref<1x2048x8xf32, #tpu.memory_space<vmem>> -> memref<2048x8xf32, #tpu.memory_space<vmem>>
    %dma_wait3A_55 = arith.constant 0 : i32
    %dma_wait3A_56 = tpu.memref_slice %arg7[%dma_wait3A, %dma_wait3A_55] : memref<2x2048xi32, #tpu.memory_space<vmem>> -> memref<1x2048xi32, #tpu.memory_space<vmem>>
    %dma_wait3A_57 = tpu.memref_squeeze %dma_wait3A_56 : memref<1x2048xi32, #tpu.memory_space<vmem>> -> memref<2048xi32, #tpu.memory_space<vmem>>
    %dma_wait3A_58 = arith.constant 0 : i32
    %dma_wait3A_59 = arith.constant 0 : i32
    %dma_wait3A_60 = tpu.memref_slice %arg2[%dma_wait3A_58, %dma_wait3A_59] : memref<100096x8xf32, #tpu.memory_space<hbm>> -> memref<100096x8xf32, #tpu.memory_space<hbm>>
    tpu.wait_indirect_dma semaphore(%arg11 : memref<!tpu.dma_semaphore, #tpu.memory_space<semaphore_mem>>) src(%dma_wait3A_60 : memref<100096x8xf32, #tpu.memory_space<hbm>>) dst(%dma_wait3A_54 : memref<2048x8xf32, #tpu.memory_space<vmem>>)
    %dma_wait3A_61 = arith.constant 1 : i32
    %dma_wait3A_62 = arith.constant 0 : i32
    %dma_wait3A_63 = tpu.memref_slice %arg7[%dma_wait3A_61, %dma_wait3A_62] : memref<2x2048xi32, #tpu.memory_space<vmem>> -> memref<1x2048xi32, #tpu.memory_space<vmem>>
    %dma_wait3A_64 = tpu.memref_squeeze %dma_wait3A_63 : memref<1x2048xi32, #tpu.memory_space<vmem>> -> memref<2048xi32, #tpu.memory_space<vmem>>
    %dma_wait3A_65 = tpu.memref_slice %arg3[%mul3A_4] : memref<6422528xi32, #tpu.memory_space<hbm>> -> memref<2048xi32, #tpu.memory_space<hbm>>
    %dma_wait3A_66 = arith.constant 0 : i32
    %dma_wait3A_67 = tpu.memref_slice %arg7[%dma_wait3A_61, %dma_wait3A_66] : memref<2x2048xi32, #tpu.memory_space<vmem>> -> memref<1x2048xi32, #tpu.memory_space<vmem>>
    %dma_wait3A_68 = tpu.memref_squeeze %dma_wait3A_67 : memref<1x2048xi32, #tpu.memory_space<vmem>> -> memref<2048xi32, #tpu.memory_space<vmem>>
    %dma_wait3A_69 = tpu.memref_slice %arg3[%mul3A_4] : memref<6422528xi32, #tpu.memory_space<hbm>> -> memref<2048xi32, #tpu.memory_space<hbm>>
    tpu.wait_dma2 semaphore(%arg12 : memref<!tpu.dma_semaphore, #tpu.memory_space<semaphore_mem>>) src(%dma_wait3A_69 : memref<2048xi32, #tpu.memory_space<hbm>>) dst(%dma_wait3A_68 : memref<2048xi32, #tpu.memory_space<vmem>>)
    %dma_wait3A_70 = arith.constant 1 : i32
    %dma_wait3A_71 = arith.constant 0 : i32
    %dma_wait3A_72 = tpu.memref_slice %arg8[%dma_wait3A_70, %dma_wait3A_71] : memref<2x2048xi32, #tpu.memory_space<vmem>> -> memref<1x2048xi32, #tpu.memory_space<vmem>>
    %dma_wait3A_73 = tpu.memref_squeeze %dma_wait3A_72 : memref<1x2048xi32, #tpu.memory_space<vmem>> -> memref<2048xi32, #tpu.memory_space<vmem>>
    %dma_wait3A_74 = tpu.memref_slice %arg4[%mul3A_4] : memref<6422528xi32, #tpu.memory_space<hbm>> -> memref<2048xi32, #tpu.memory_space<hbm>>
    %dma_wait3A_75 = arith.constant 0 : i32
    %dma_wait3A_76 = tpu.memref_slice %arg8[%dma_wait3A_70, %dma_wait3A_75] : memref<2x2048xi32, #tpu.memory_space<vmem>> -> memref<1x2048xi32, #tpu.memory_space<vmem>>
    %dma_wait3A_77 = tpu.memref_squeeze %dma_wait3A_76 : memref<1x2048xi32, #tpu.memory_space<vmem>> -> memref<2048xi32, #tpu.memory_space<vmem>>
    %dma_wait3A_78 = tpu.memref_slice %arg4[%mul3A_4] : memref<6422528xi32, #tpu.memory_space<hbm>> -> memref<2048xi32, #tpu.memory_space<hbm>>
    tpu.wait_dma2 semaphore(%arg12 : memref<!tpu.dma_semaphore, #tpu.memory_space<semaphore_mem>>) src(%dma_wait3A_78 : memref<2048xi32, #tpu.memory_space<hbm>>) dst(%dma_wait3A_77 : memref<2048xi32, #tpu.memory_space<vmem>>)
    %barrier3A_79 = arith.constant 0 : index
    tpu.barrier barrier_id(%barrier3A_79)
    "tpu.region"() ({
      %run_scoped3A_80 = tpu.sem_alloc : memref<!tpu.dma_semaphore, #tpu.memory_space<semaphore_mem>>
      %dma_start3A_81 = arith.constant 0 : i32
      %dma_start3A_82 = tpu.memref_slice %arg6[%arg0, %mul3A_2, %dma_start3A_81] : memref<2x100096x8xf32, #tpu.memory_space<hbm>> -> memref<1x6256x8xf32, #tpu.memory_space<hbm>>
      %dma_start3A_83 = tpu.memref_squeeze %dma_start3A_82 : memref<1x6256x8xf32, #tpu.memory_space<hbm>> -> memref<6256x8xf32, #tpu.memory_space<hbm>>
      %dma_start3A_84 = arith.constant 0 : i32
      %dma_start3A_85 = tpu.memref_slice %arg10[%mul3A_2, %dma_start3A_84] : memref<100096x8xf32, #tpu.memory_space<vmem_shared>> -> memref<6256x8xf32, #tpu.memory_space<vmem_shared>>
      tpu.enqueue_dma source(%dma_start3A_85 : memref<6256x8xf32, #tpu.memory_space<vmem_shared>>) target(%dma_start3A_83 : memref<6256x8xf32, #tpu.memory_space<hbm>>) target_semaphore(%run_scoped3A_80 : memref<!tpu.dma_semaphore, #tpu.memory_space<semaphore_mem>>)
      %dma_wait3A_86 = arith.constant 0 : i32
      %dma_wait3A_87 = tpu.memref_slice %arg6[%arg0, %mul3A_2, %dma_wait3A_86] : memref<2x100096x8xf32, #tpu.memory_space<hbm>> -> memref<1x6256x8xf32, #tpu.memory_space<hbm>>
      %dma_wait3A_88 = tpu.memref_squeeze %dma_wait3A_87 : memref<1x6256x8xf32, #tpu.memory_space<hbm>> -> memref<6256x8xf32, #tpu.memory_space<hbm>>
      %dma_wait3A_89 = arith.constant 0 : i32
      %dma_wait3A_90 = tpu.memref_slice %arg10[%mul3A_2, %dma_wait3A_89] : memref<100096x8xf32, #tpu.memory_space<vmem_shared>> -> memref<6256x8xf32, #tpu.memory_space<vmem_shared>>
      tpu.wait_dma2 semaphore(%run_scoped3A_80 : memref<!tpu.dma_semaphore, #tpu.memory_space<semaphore_mem>>) src(%dma_wait3A_90 : memref<6256x8xf32, #tpu.memory_space<vmem_shared>>) dst(%dma_wait3A_88 : memref<6256x8xf32, #tpu.memory_space<hbm>>)
      tpu.yield
    }) : () -> ()
    return
  }
}

#map = affine_map<(d0, d1) -> (0, 0)>
#map1 = affine_map<(d0, d1) -> (0)>
#map2 = affine_map<(d0, d1) -> (0, 0, 0)>
module attributes {stable_mosaic.version = 14 : i64} {
  func.func @agg(%arg0: i32, %arg1: i32, %arg2: memref<100096x8xf32, #tpu.memory_space<hbm>>, %arg3: memref<6422528xi32, #tpu.memory_space<hbm>>, %arg4: memref<6422528xi32, #tpu.memory_space<hbm>>, %arg5: memref<100096x8xf32, #tpu.memory_space<hbm>>, %arg6: memref<2x100096x8xf32, #tpu.memory_space<hbm>>, %arg7: memref<2x2048xi32, #tpu.memory_space<vmem>>, %arg8: memref<2x2048xi32, #tpu.memory_space<vmem>>, %arg9: memref<2x2048x8xf32, #tpu.memory_space<vmem>>, %arg10: memref<100096x8xf32, #tpu.memory_space<vmem_shared>>, %arg11: memref<!tpu.dma_semaphore, #tpu.memory_space<semaphore_mem>>, %arg12: memref<!tpu.dma_semaphore, #tpu.memory_space<semaphore_mem>>) attributes {dimension_semantics = [#tpu.dimension_semantics<core_parallel>, #tpu.dimension_semantics<subcore_parallel>], iteration_bounds = array<i64: 2, 16>, scalar_prefetch = 0 : i64, scratch_operands = 6 : i64, tpu.core_type = #tpu.core_type<sc_vector_subcore>, window_params = [{transform_indices = #map}, {transform_indices = #map1}, {transform_indices = #map1}, {transform_indices = #map}, {transform_indices = #map2}]} {
    %mul3A = arith.constant 2 : i32
    %mul3A_0 = arith.muli %arg1, %mul3A : i32
    %add3A = arith.addi %mul3A_0, %arg0 : i32
    %mul3A_1 = arith.constant 6256 : i32
    %mul3A_2 = arith.muli %arg1, %mul3A_1 : i32
    "tpu.region"() ({
      %run_scoped3A_80 = tpu.sem_alloc : memref<!tpu.dma_semaphore, #tpu.memory_space<semaphore_mem>>
      %dma_start3A_81 = arith.constant 0 : i32
      %dma_start3A_82 = tpu.memref_slice %arg10[%mul3A_2, %dma_start3A_81] : memref<100096x8xf32, #tpu.memory_space<vmem_shared>> -> memref<6256x8xf32, #tpu.memory_space<vmem_shared>>
      %dma_start3A_83 = arith.constant 0 : i32
      %dma_start3A_84 = tpu.memref_slice %arg5[%mul3A_2, %dma_start3A_83] : memref<100096x8xf32, #tpu.memory_space<hbm>> -> memref<6256x8xf32, #tpu.memory_space<hbm>>
      tpu.enqueue_dma source(%dma_start3A_84 : memref<6256x8xf32, #tpu.memory_space<hbm>>) target(%dma_start3A_82 : memref<6256x8xf32, #tpu.memory_space<vmem_shared>>) target_semaphore(%run_scoped3A_80 : memref<!tpu.dma_semaphore, #tpu.memory_space<semaphore_mem>>)
      %dma_wait3A_85 = arith.constant 0 : i32
      %dma_wait3A_86 = tpu.memref_slice %arg10[%mul3A_2, %dma_wait3A_85] : memref<100096x8xf32, #tpu.memory_space<vmem_shared>> -> memref<6256x8xf32, #tpu.memory_space<vmem_shared>>
      %dma_wait3A_87 = arith.constant 0 : i32
      %dma_wait3A_88 = tpu.memref_slice %arg5[%mul3A_2, %dma_wait3A_87] : memref<100096x8xf32, #tpu.memory_space<hbm>> -> memref<6256x8xf32, #tpu.memory_space<hbm>>
      tpu.wait_dma2 semaphore(%run_scoped3A_80 : memref<!tpu.dma_semaphore, #tpu.memory_space<semaphore_mem>>) src(%dma_wait3A_88 : memref<6256x8xf32, #tpu.memory_space<hbm>>) dst(%dma_wait3A_86 : memref<6256x8xf32, #tpu.memory_space<vmem_shared>>)
      tpu.yield
    }) : () -> ()
    %barrier3A = arith.constant 0 : index
    tpu.barrier barrier_id(%barrier3A)
    %mul3A_3 = arith.constant 200704 : i32
    %mul3A_4 = arith.muli %add3A, %mul3A_3 : i32
    %run_scoped3A = arith.constant 0 : i32
    "tpu.region"() ({
      %run_scoped3A_80 = tpu.sem_alloc : memref<!tpu.dma_semaphore, #tpu.memory_space<semaphore_mem>>
      %dma_start3A_81 = arith.constant 0 : i32
      %dma_start3A_82 = tpu.memref_slice %arg7[%run_scoped3A, %dma_start3A_81] : memref<2x2048xi32, #tpu.memory_space<vmem>> -> memref<1x2048xi32, #tpu.memory_space<vmem>>
      %dma_start3A_83 = tpu.memref_squeeze %dma_start3A_82 : memref<1x2048xi32, #tpu.memory_space<vmem>> -> memref<2048xi32, #tpu.memory_space<vmem>>
      %dma_start3A_84 = tpu.memref_slice %arg3[%mul3A_4] : memref<6422528xi32, #tpu.memory_space<hbm>> -> memref<2048xi32, #tpu.memory_space<hbm>>
      %dma_start3A_85 = arith.constant 0 : i32
      %dma_start3A_86 = tpu.memref_slice %arg7[%run_scoped3A, %dma_start3A_85] : memref<2x2048xi32, #tpu.memory_space<vmem>> -> memref<1x2048xi32, #tpu.memory_space<vmem>>
      %dma_start3A_87 = tpu.memref_squeeze %dma_start3A_86 : memref<1x2048xi32, #tpu.memory_space<vmem>> -> memref<2048xi32, #tpu.memory_space<vmem>>
      %dma_start3A_88 = tpu.memref_slice %arg3[%mul3A_4] : memref<6422528xi32, #tpu.memory_space<hbm>> -> memref<2048xi32, #tpu.memory_space<hbm>>
      tpu.enqueue_dma source(%dma_start3A_88 : memref<2048xi32, #tpu.memory_space<hbm>>) target(%dma_start3A_87 : memref<2048xi32, #tpu.memory_space<vmem>>) target_semaphore(%run_scoped3A_80 : memref<!tpu.dma_semaphore, #tpu.memory_space<semaphore_mem>>)
      %dma_wait3A_89 = arith.constant 0 : i32
      %dma_wait3A_90 = tpu.memref_slice %arg7[%run_scoped3A, %dma_wait3A_89] : memref<2x2048xi32, #tpu.memory_space<vmem>> -> memref<1x2048xi32, #tpu.memory_space<vmem>>
      %dma_wait3A_91 = tpu.memref_squeeze %dma_wait3A_90 : memref<1x2048xi32, #tpu.memory_space<vmem>> -> memref<2048xi32, #tpu.memory_space<vmem>>
      %dma_wait3A_92 = tpu.memref_slice %arg3[%mul3A_4] : memref<6422528xi32, #tpu.memory_space<hbm>> -> memref<2048xi32, #tpu.memory_space<hbm>>
      %dma_wait3A_93 = arith.constant 0 : i32
      %dma_wait3A_94 = tpu.memref_slice %arg7[%run_scoped3A, %dma_wait3A_93] : memref<2x2048xi32, #tpu.memory_space<vmem>> -> memref<1x2048xi32, #tpu.memory_space<vmem>>
      %dma_wait3A_95 = tpu.memref_squeeze %dma_wait3A_94 : memref<1x2048xi32, #tpu.memory_space<vmem>> -> memref<2048xi32, #tpu.memory_space<vmem>>
      %dma_wait3A_96 = tpu.memref_slice %arg3[%mul3A_4] : memref<6422528xi32, #tpu.memory_space<hbm>> -> memref<2048xi32, #tpu.memory_space<hbm>>
      tpu.wait_dma2 semaphore(%run_scoped3A_80 : memref<!tpu.dma_semaphore, #tpu.memory_space<semaphore_mem>>) src(%dma_wait3A_96 : memref<2048xi32, #tpu.memory_space<hbm>>) dst(%dma_wait3A_95 : memref<2048xi32, #tpu.memory_space<vmem>>)
      tpu.yield
    }) : () -> ()
    %run_scoped3A_5 = arith.constant 0 : i32
    "tpu.region"() ({
      %run_scoped3A_80 = tpu.sem_alloc : memref<!tpu.dma_semaphore, #tpu.memory_space<semaphore_mem>>
      %dma_start3A_81 = arith.constant 0 : i32
      %dma_start3A_82 = tpu.memref_slice %arg8[%run_scoped3A_5, %dma_start3A_81] : memref<2x2048xi32, #tpu.memory_space<vmem>> -> memref<1x2048xi32, #tpu.memory_space<vmem>>
      %dma_start3A_83 = tpu.memref_squeeze %dma_start3A_82 : memref<1x2048xi32, #tpu.memory_space<vmem>> -> memref<2048xi32, #tpu.memory_space<vmem>>
      %dma_start3A_84 = tpu.memref_slice %arg4[%mul3A_4] : memref<6422528xi32, #tpu.memory_space<hbm>> -> memref<2048xi32, #tpu.memory_space<hbm>>
      %dma_start3A_85 = arith.constant 0 : i32
      %dma_start3A_86 = tpu.memref_slice %arg8[%run_scoped3A_5, %dma_start3A_85] : memref<2x2048xi32, #tpu.memory_space<vmem>> -> memref<1x2048xi32, #tpu.memory_space<vmem>>
      %dma_start3A_87 = tpu.memref_squeeze %dma_start3A_86 : memref<1x2048xi32, #tpu.memory_space<vmem>> -> memref<2048xi32, #tpu.memory_space<vmem>>
      %dma_start3A_88 = tpu.memref_slice %arg4[%mul3A_4] : memref<6422528xi32, #tpu.memory_space<hbm>> -> memref<2048xi32, #tpu.memory_space<hbm>>
      tpu.enqueue_dma source(%dma_start3A_88 : memref<2048xi32, #tpu.memory_space<hbm>>) target(%dma_start3A_87 : memref<2048xi32, #tpu.memory_space<vmem>>) target_semaphore(%run_scoped3A_80 : memref<!tpu.dma_semaphore, #tpu.memory_space<semaphore_mem>>)
      %dma_wait3A_89 = arith.constant 0 : i32
      %dma_wait3A_90 = tpu.memref_slice %arg8[%run_scoped3A_5, %dma_wait3A_89] : memref<2x2048xi32, #tpu.memory_space<vmem>> -> memref<1x2048xi32, #tpu.memory_space<vmem>>
      %dma_wait3A_91 = tpu.memref_squeeze %dma_wait3A_90 : memref<1x2048xi32, #tpu.memory_space<vmem>> -> memref<2048xi32, #tpu.memory_space<vmem>>
      %dma_wait3A_92 = tpu.memref_slice %arg4[%mul3A_4] : memref<6422528xi32, #tpu.memory_space<hbm>> -> memref<2048xi32, #tpu.memory_space<hbm>>
      %dma_wait3A_93 = arith.constant 0 : i32
      %dma_wait3A_94 = tpu.memref_slice %arg8[%run_scoped3A_5, %dma_wait3A_93] : memref<2x2048xi32, #tpu.memory_space<vmem>> -> memref<1x2048xi32, #tpu.memory_space<vmem>>
      %dma_wait3A_95 = tpu.memref_squeeze %dma_wait3A_94 : memref<1x2048xi32, #tpu.memory_space<vmem>> -> memref<2048xi32, #tpu.memory_space<vmem>>
      %dma_wait3A_96 = tpu.memref_slice %arg4[%mul3A_4] : memref<6422528xi32, #tpu.memory_space<hbm>> -> memref<2048xi32, #tpu.memory_space<hbm>>
      tpu.wait_dma2 semaphore(%run_scoped3A_80 : memref<!tpu.dma_semaphore, #tpu.memory_space<semaphore_mem>>) src(%dma_wait3A_96 : memref<2048xi32, #tpu.memory_space<hbm>>) dst(%dma_wait3A_95 : memref<2048xi32, #tpu.memory_space<vmem>>)
      tpu.yield
    }) : () -> ()
    %dma_start3A = arith.constant 0 : i32
    %dma_start3A_6 = arith.constant 0 : i32
    %dma_start3A_7 = arith.constant 0 : i32
    %dma_start3A_8 = arith.constant 0 : i32
    %dma_start3A_9 = tpu.memref_slice %arg9[%dma_start3A_6, %dma_start3A_7, %dma_start3A_8] : memref<2x2048x8xf32, #tpu.memory_space<vmem>> -> memref<1x2048x8xf32, #tpu.memory_space<vmem>>
    %dma_start3A_10 = tpu.memref_squeeze %dma_start3A_9 : memref<1x2048x8xf32, #tpu.memory_space<vmem>> -> memref<2048x8xf32, #tpu.memory_space<vmem>>
    %dma_start3A_11 = arith.constant 0 : i32
    %dma_start3A_12 = tpu.memref_slice %arg7[%dma_start3A, %dma_start3A_11] : memref<2x2048xi32, #tpu.memory_space<vmem>> -> memref<1x2048xi32, #tpu.memory_space<vmem>>
    %dma_start3A_13 = tpu.memref_squeeze %dma_start3A_12 : memref<1x2048xi32, #tpu.memory_space<vmem>> -> memref<2048xi32, #tpu.memory_space<vmem>>
    %dma_start3A_14 = arith.constant 0 : i32
    %dma_start3A_15 = arith.constant 0 : i32
    %dma_start3A_16 = tpu.memref_slice %arg2[%dma_start3A_14, %dma_start3A_15] : memref<100096x8xf32, #tpu.memory_space<hbm>> -> memref<100096x8xf32, #tpu.memory_space<hbm>>
    tpu.enqueue_indirect_dma source(%dma_start3A_16 : memref<100096x8xf32, #tpu.memory_space<hbm>>) target(%dma_start3A_10 : memref<2048x8xf32, #tpu.memory_space<vmem>>) offsets(%dma_start3A_13 : memref<2048xi32, #tpu.memory_space<vmem>>) semaphore(%arg11 : memref<!tpu.dma_semaphore, #tpu.memory_space<semaphore_mem>>)
    %min3A = arith.constant 1 : i32
    %min3A_17 = arith.constant 97 : i32
    %min3A_18 = arith.minsi %min3A, %min3A_17 : i32
    %mul3A_19 = arith.constant 2048 : i32
    %mul3A_20 = arith.muli %min3A_18, %mul3A_19 : i32
    %add3A_21 = arith.addi %mul3A_4, %mul3A_20 : i32
    %dma_start3A_22 = arith.constant 1 : i32
    %dma_start3A_23 = arith.constant 0 : i32
    %dma_start3A_24 = tpu.memref_slice %arg7[%dma_start3A_22, %dma_start3A_23] : memref<2x2048xi32, #tpu.memory_space<vmem>> -> memref<1x2048xi32, #tpu.memory_space<vmem>>
    %dma_start3A_25 = tpu.memref_squeeze %dma_start3A_24 : memref<1x2048xi32, #tpu.memory_space<vmem>> -> memref<2048xi32, #tpu.memory_space<vmem>>
    %dma_start3A_26 = tpu.memref_slice %arg3[%add3A_21] : memref<6422528xi32, #tpu.memory_space<hbm>> -> memref<2048xi32, #tpu.memory_space<hbm>>
    %dma_start3A_27 = arith.constant 0 : i32
    %dma_start3A_28 = tpu.memref_slice %arg7[%dma_start3A_22, %dma_start3A_27] : memref<2x2048xi32, #tpu.memory_space<vmem>> -> memref<1x2048xi32, #tpu.memory_space<vmem>>
    %dma_start3A_29 = tpu.memref_squeeze %dma_start3A_28 : memref<1x2048xi32, #tpu.memory_space<vmem>> -> memref<2048xi32, #tpu.memory_space<vmem>>
    %dma_start3A_30 = tpu.memref_slice %arg3[%add3A_21] : memref<6422528xi32, #tpu.memory_space<hbm>> -> memref<2048xi32, #tpu.memory_space<hbm>>
    tpu.enqueue_dma source(%dma_start3A_30 : memref<2048xi32, #tpu.memory_space<hbm>>) target(%dma_start3A_29 : memref<2048xi32, #tpu.memory_space<vmem>>) target_semaphore(%arg12 : memref<!tpu.dma_semaphore, #tpu.memory_space<semaphore_mem>>)
    %min3A_31 = arith.constant 1 : i32
    %min3A_32 = arith.constant 97 : i32
    %min3A_33 = arith.minsi %min3A_31, %min3A_32 : i32
    %mul3A_34 = arith.constant 2048 : i32
    %mul3A_35 = arith.muli %min3A_33, %mul3A_34 : i32
    %add3A_36 = arith.addi %mul3A_4, %mul3A_35 : i32
    %dma_start3A_37 = arith.constant 1 : i32
    %dma_start3A_38 = arith.constant 0 : i32
    %dma_start3A_39 = tpu.memref_slice %arg8[%dma_start3A_37, %dma_start3A_38] : memref<2x2048xi32, #tpu.memory_space<vmem>> -> memref<1x2048xi32, #tpu.memory_space<vmem>>
    %dma_start3A_40 = tpu.memref_squeeze %dma_start3A_39 : memref<1x2048xi32, #tpu.memory_space<vmem>> -> memref<2048xi32, #tpu.memory_space<vmem>>
    %dma_start3A_41 = tpu.memref_slice %arg4[%add3A_36] : memref<6422528xi32, #tpu.memory_space<hbm>> -> memref<2048xi32, #tpu.memory_space<hbm>>
    %dma_start3A_42 = arith.constant 0 : i32
    %dma_start3A_43 = tpu.memref_slice %arg8[%dma_start3A_37, %dma_start3A_42] : memref<2x2048xi32, #tpu.memory_space<vmem>> -> memref<1x2048xi32, #tpu.memory_space<vmem>>
    %dma_start3A_44 = tpu.memref_squeeze %dma_start3A_43 : memref<1x2048xi32, #tpu.memory_space<vmem>> -> memref<2048xi32, #tpu.memory_space<vmem>>
    %dma_start3A_45 = tpu.memref_slice %arg4[%add3A_36] : memref<6422528xi32, #tpu.memory_space<hbm>> -> memref<2048xi32, #tpu.memory_space<hbm>>
    tpu.enqueue_dma source(%dma_start3A_45 : memref<2048xi32, #tpu.memory_space<hbm>>) target(%dma_start3A_44 : memref<2048xi32, #tpu.memory_space<vmem>>) target_semaphore(%arg12 : memref<!tpu.dma_semaphore, #tpu.memory_space<semaphore_mem>>)
    %scan3A = arith.constant 0 : i32
    %scan3A_46 = arith.constant 49 : i32
    %scan3A_47 = arith.addi %scan3A, %scan3A_46 : i32
    %scan3A_48 = arith.constant 1 : i32
    scf.for %scan3A_80 = %scan3A to %scan3A_47 step %scan3A_48  : i32 {
      %mul3A_81 = arith.constant 2 : i32
      %mul3A_82 = arith.muli %scan3A_80, %mul3A_81 : i32
      %add3A_83 = arith.constant 0 : i32
      %add3A_84 = arith.addi %add3A_83, %mul3A_82 : i32
      %add3A_85 = arith.constant 0 : i32
      %add3A_86 = arith.addi %add3A_84, %add3A_85 : i32
      %dma_wait3A_87 = arith.constant 0 : i32
      %dma_wait3A_88 = arith.constant 0 : i32
      %dma_wait3A_89 = arith.constant 0 : i32
      %dma_wait3A_90 = arith.constant 0 : i32
      %dma_wait3A_91 = tpu.memref_slice %arg9[%dma_wait3A_88, %dma_wait3A_89, %dma_wait3A_90] : memref<2x2048x8xf32, #tpu.memory_space<vmem>> -> memref<1x2048x8xf32, #tpu.memory_space<vmem>>
      %dma_wait3A_92 = tpu.memref_squeeze %dma_wait3A_91 : memref<1x2048x8xf32, #tpu.memory_space<vmem>> -> memref<2048x8xf32, #tpu.memory_space<vmem>>
      %dma_wait3A_93 = arith.constant 0 : i32
      %dma_wait3A_94 = tpu.memref_slice %arg7[%dma_wait3A_87, %dma_wait3A_93] : memref<2x2048xi32, #tpu.memory_space<vmem>> -> memref<1x2048xi32, #tpu.memory_space<vmem>>
      %dma_wait3A_95 = tpu.memref_squeeze %dma_wait3A_94 : memref<1x2048xi32, #tpu.memory_space<vmem>> -> memref<2048xi32, #tpu.memory_space<vmem>>
      %dma_wait3A_96 = arith.constant 0 : i32
      %dma_wait3A_97 = arith.constant 0 : i32
      %dma_wait3A_98 = tpu.memref_slice %arg2[%dma_wait3A_96, %dma_wait3A_97] : memref<100096x8xf32, #tpu.memory_space<hbm>> -> memref<100096x8xf32, #tpu.memory_space<hbm>>
      tpu.wait_indirect_dma semaphore(%arg11 : memref<!tpu.dma_semaphore, #tpu.memory_space<semaphore_mem>>) src(%dma_wait3A_98 : memref<100096x8xf32, #tpu.memory_space<hbm>>) dst(%dma_wait3A_92 : memref<2048x8xf32, #tpu.memory_space<vmem>>)
      %dma_wait3A_99 = arith.constant 1 : i32
      %dma_wait3A_100 = arith.constant 0 : i32
      %dma_wait3A_101 = tpu.memref_slice %arg7[%dma_wait3A_99, %dma_wait3A_100] : memref<2x2048xi32, #tpu.memory_space<vmem>> -> memref<1x2048xi32, #tpu.memory_space<vmem>>
      %dma_wait3A_102 = tpu.memref_squeeze %dma_wait3A_101 : memref<1x2048xi32, #tpu.memory_space<vmem>> -> memref<2048xi32, #tpu.memory_space<vmem>>
      %dma_wait3A_103 = tpu.memref_slice %arg3[%mul3A_4] : memref<6422528xi32, #tpu.memory_space<hbm>> -> memref<2048xi32, #tpu.memory_space<hbm>>
      %dma_wait3A_104 = arith.constant 0 : i32
      %dma_wait3A_105 = tpu.memref_slice %arg7[%dma_wait3A_99, %dma_wait3A_104] : memref<2x2048xi32, #tpu.memory_space<vmem>> -> memref<1x2048xi32, #tpu.memory_space<vmem>>
      %dma_wait3A_106 = tpu.memref_squeeze %dma_wait3A_105 : memref<1x2048xi32, #tpu.memory_space<vmem>> -> memref<2048xi32, #tpu.memory_space<vmem>>
      %dma_wait3A_107 = tpu.memref_slice %arg3[%mul3A_4] : memref<6422528xi32, #tpu.memory_space<hbm>> -> memref<2048xi32, #tpu.memory_space<hbm>>
      tpu.wait_dma2 semaphore(%arg12 : memref<!tpu.dma_semaphore, #tpu.memory_space<semaphore_mem>>) src(%dma_wait3A_107 : memref<2048xi32, #tpu.memory_space<hbm>>) dst(%dma_wait3A_106 : memref<2048xi32, #tpu.memory_space<vmem>>)
      %dma_wait3A_108 = arith.constant 1 : i32
      %dma_wait3A_109 = arith.constant 0 : i32
      %dma_wait3A_110 = tpu.memref_slice %arg8[%dma_wait3A_108, %dma_wait3A_109] : memref<2x2048xi32, #tpu.memory_space<vmem>> -> memref<1x2048xi32, #tpu.memory_space<vmem>>
      %dma_wait3A_111 = tpu.memref_squeeze %dma_wait3A_110 : memref<1x2048xi32, #tpu.memory_space<vmem>> -> memref<2048xi32, #tpu.memory_space<vmem>>
      %dma_wait3A_112 = tpu.memref_slice %arg4[%mul3A_4] : memref<6422528xi32, #tpu.memory_space<hbm>> -> memref<2048xi32, #tpu.memory_space<hbm>>
      %dma_wait3A_113 = arith.constant 0 : i32
      %dma_wait3A_114 = tpu.memref_slice %arg8[%dma_wait3A_108, %dma_wait3A_113] : memref<2x2048xi32, #tpu.memory_space<vmem>> -> memref<1x2048xi32, #tpu.memory_space<vmem>>
      %dma_wait3A_115 = tpu.memref_squeeze %dma_wait3A_114 : memref<1x2048xi32, #tpu.memory_space<vmem>> -> memref<2048xi32, #tpu.memory_space<vmem>>
      %dma_wait3A_116 = tpu.memref_slice %arg4[%mul3A_4] : memref<6422528xi32, #tpu.memory_space<hbm>> -> memref<2048xi32, #tpu.memory_space<hbm>>
      tpu.wait_dma2 semaphore(%arg12 : memref<!tpu.dma_semaphore, #tpu.memory_space<semaphore_mem>>) src(%dma_wait3A_116 : memref<2048xi32, #tpu.memory_space<hbm>>) dst(%dma_wait3A_115 : memref<2048xi32, #tpu.memory_space<vmem>>)
      %dma_start3A_117 = arith.constant 1 : i32
      %dma_start3A_118 = arith.constant 1 : i32
      %dma_start3A_119 = arith.constant 0 : i32
      %dma_start3A_120 = arith.constant 0 : i32
      %dma_start3A_121 = tpu.memref_slice %arg9[%dma_start3A_118, %dma_start3A_119, %dma_start3A_120] : memref<2x2048x8xf32, #tpu.memory_space<vmem>> -> memref<1x2048x8xf32, #tpu.memory_space<vmem>>
      %dma_start3A_122 = tpu.memref_squeeze %dma_start3A_121 : memref<1x2048x8xf32, #tpu.memory_space<vmem>> -> memref<2048x8xf32, #tpu.memory_space<vmem>>
      %dma_start3A_123 = arith.constant 0 : i32
      %dma_start3A_124 = tpu.memref_slice %arg7[%dma_start3A_117, %dma_start3A_123] : memref<2x2048xi32, #tpu.memory_space<vmem>> -> memref<1x2048xi32, #tpu.memory_space<vmem>>
      %dma_start3A_125 = tpu.memref_squeeze %dma_start3A_124 : memref<1x2048xi32, #tpu.memory_space<vmem>> -> memref<2048xi32, #tpu.memory_space<vmem>>
      %dma_start3A_126 = arith.constant 0 : i32
      %dma_start3A_127 = arith.constant 0 : i32
      %dma_start3A_128 = tpu.memref_slice %arg2[%dma_start3A_126, %dma_start3A_127] : memref<100096x8xf32, #tpu.memory_space<hbm>> -> memref<100096x8xf32, #tpu.memory_space<hbm>>
      tpu.enqueue_indirect_dma source(%dma_start3A_128 : memref<100096x8xf32, #tpu.memory_space<hbm>>) target(%dma_start3A_122 : memref<2048x8xf32, #tpu.memory_space<vmem>>) offsets(%dma_start3A_125 : memref<2048xi32, #tpu.memory_space<vmem>>) semaphore(%arg11 : memref<!tpu.dma_semaphore, #tpu.memory_space<semaphore_mem>>)
      %run_scoped3A_129 = arith.constant 0 : i32
      %run_scoped3A_130 = arith.constant 0 : i32
      "tpu.region"() ({
        %run_scoped3A_237 = tpu.sem_alloc : memref<!tpu.dma_semaphore, #tpu.memory_space<semaphore_mem>>
        %dma_start3A_238 = arith.constant 0 : i32
        %dma_start3A_239 = arith.constant 0 : i32
        %dma_start3A_240 = tpu.memref_slice %arg9[%run_scoped3A_129, %dma_start3A_238, %dma_start3A_239] : memref<2x2048x8xf32, #tpu.memory_space<vmem>> -> memref<1x2048x8xf32, #tpu.memory_space<vmem>>
        %dma_start3A_241 = tpu.memref_squeeze %dma_start3A_240 : memref<1x2048x8xf32, #tpu.memory_space<vmem>> -> memref<2048x8xf32, #tpu.memory_space<vmem>>
        %dma_start3A_242 = arith.constant 0 : i32
        %dma_start3A_243 = tpu.memref_slice %arg8[%run_scoped3A_130, %dma_start3A_242] : memref<2x2048xi32, #tpu.memory_space<vmem>> -> memref<1x2048xi32, #tpu.memory_space<vmem>>
        %dma_start3A_244 = tpu.memref_squeeze %dma_start3A_243 : memref<1x2048xi32, #tpu.memory_space<vmem>> -> memref<2048xi32, #tpu.memory_space<vmem>>
        %dma_start3A_245 = arith.constant 0 : i32
        %dma_start3A_246 = arith.constant 0 : i32
        %dma_start3A_247 = tpu.memref_slice %arg10[%dma_start3A_245, %dma_start3A_246] : memref<100096x8xf32, #tpu.memory_space<vmem_shared>> -> memref<100096x8xf32, #tpu.memory_space<vmem_shared>>
        tpu.enqueue_indirect_dma source(%dma_start3A_241 : memref<2048x8xf32, #tpu.memory_space<vmem>>) target(%dma_start3A_247 : memref<100096x8xf32, #tpu.memory_space<vmem_shared>>) offsets(%dma_start3A_244 : memref<2048xi32, #tpu.memory_space<vmem>>) semaphore(%run_scoped3A_237 : memref<!tpu.dma_semaphore, #tpu.memory_space<semaphore_mem>>) {add = true}
        %dma_wait3A_248 = arith.constant 0 : i32
        %dma_wait3A_249 = arith.constant 0 : i32
        %dma_wait3A_250 = tpu.memref_slice %arg9[%run_scoped3A_129, %dma_wait3A_248, %dma_wait3A_249] : memref<2x2048x8xf32, #tpu.memory_space<vmem>> -> memref<1x2048x8xf32, #tpu.memory_space<vmem>>
        %dma_wait3A_251 = tpu.memref_squeeze %dma_wait3A_250 : memref<1x2048x8xf32, #tpu.memory_space<vmem>> -> memref<2048x8xf32, #tpu.memory_space<vmem>>
        %dma_wait3A_252 = arith.constant 0 : i32
        %dma_wait3A_253 = tpu.memref_slice %arg8[%run_scoped3A_130, %dma_wait3A_252] : memref<2x2048xi32, #tpu.memory_space<vmem>> -> memref<1x2048xi32, #tpu.memory_space<vmem>>
        %dma_wait3A_254 = tpu.memref_squeeze %dma_wait3A_253 : memref<1x2048xi32, #tpu.memory_space<vmem>> -> memref<2048xi32, #tpu.memory_space<vmem>>
        %dma_wait3A_255 = arith.constant 0 : i32
        %dma_wait3A_256 = arith.constant 0 : i32
        %dma_wait3A_257 = tpu.memref_slice %arg10[%dma_wait3A_255, %dma_wait3A_256] : memref<100096x8xf32, #tpu.memory_space<vmem_shared>> -> memref<100096x8xf32, #tpu.memory_space<vmem_shared>>
        tpu.wait_indirect_dma semaphore(%run_scoped3A_237 : memref<!tpu.dma_semaphore, #tpu.memory_space<semaphore_mem>>) src(%dma_wait3A_251 : memref<2048x8xf32, #tpu.memory_space<vmem>>) dst(%dma_wait3A_257 : memref<100096x8xf32, #tpu.memory_space<vmem_shared>>)
        tpu.yield
      }) : () -> ()
      %add3A_131 = arith.constant 2 : i32
      %add3A_132 = arith.addi %add3A_86, %add3A_131 : i32
      %min3A_133 = arith.constant 97 : i32
      %min3A_134 = arith.minsi %add3A_132, %min3A_133 : i32
      %mul3A_135 = arith.constant 2048 : i32
      %mul3A_136 = arith.muli %min3A_134, %mul3A_135 : i32
      %add3A_137 = arith.addi %mul3A_4, %mul3A_136 : i32
      %dma_start3A_138 = arith.constant 0 : i32
      %dma_start3A_139 = arith.constant 0 : i32
      %dma_start3A_140 = tpu.memref_slice %arg7[%dma_start3A_138, %dma_start3A_139] : memref<2x2048xi32, #tpu.memory_space<vmem>> -> memref<1x2048xi32, #tpu.memory_space<vmem>>
      %dma_start3A_141 = tpu.memref_squeeze %dma_start3A_140 : memref<1x2048xi32, #tpu.memory_space<vmem>> -> memref<2048xi32, #tpu.memory_space<vmem>>
      %dma_start3A_142 = tpu.memref_slice %arg3[%add3A_137] : memref<6422528xi32, #tpu.memory_space<hbm>> -> memref<2048xi32, #tpu.memory_space<hbm>>
      %dma_start3A_143 = arith.constant 0 : i32
      %dma_start3A_144 = tpu.memref_slice %arg7[%dma_start3A_138, %dma_start3A_143] : memref<2x2048xi32, #tpu.memory_space<vmem>> -> memref<1x2048xi32, #tpu.memory_space<vmem>>
      %dma_start3A_145 = tpu.memref_squeeze %dma_start3A_144 : memref<1x2048xi32, #tpu.memory_space<vmem>> -> memref<2048xi32, #tpu.memory_space<vmem>>
      %dma_start3A_146 = tpu.memref_slice %arg3[%add3A_137] : memref<6422528xi32, #tpu.memory_space<hbm>> -> memref<2048xi32, #tpu.memory_space<hbm>>
      tpu.enqueue_dma source(%dma_start3A_146 : memref<2048xi32, #tpu.memory_space<hbm>>) target(%dma_start3A_145 : memref<2048xi32, #tpu.memory_space<vmem>>) target_semaphore(%arg12 : memref<!tpu.dma_semaphore, #tpu.memory_space<semaphore_mem>>)
      %min3A_147 = arith.constant 97 : i32
      %min3A_148 = arith.minsi %add3A_132, %min3A_147 : i32
      %mul3A_149 = arith.constant 2048 : i32
      %mul3A_150 = arith.muli %min3A_148, %mul3A_149 : i32
      %add3A_151 = arith.addi %mul3A_4, %mul3A_150 : i32
      %dma_start3A_152 = arith.constant 0 : i32
      %dma_start3A_153 = arith.constant 0 : i32
      %dma_start3A_154 = tpu.memref_slice %arg8[%dma_start3A_152, %dma_start3A_153] : memref<2x2048xi32, #tpu.memory_space<vmem>> -> memref<1x2048xi32, #tpu.memory_space<vmem>>
      %dma_start3A_155 = tpu.memref_squeeze %dma_start3A_154 : memref<1x2048xi32, #tpu.memory_space<vmem>> -> memref<2048xi32, #tpu.memory_space<vmem>>
      %dma_start3A_156 = tpu.memref_slice %arg4[%add3A_151] : memref<6422528xi32, #tpu.memory_space<hbm>> -> memref<2048xi32, #tpu.memory_space<hbm>>
      %dma_start3A_157 = arith.constant 0 : i32
      %dma_start3A_158 = tpu.memref_slice %arg8[%dma_start3A_152, %dma_start3A_157] : memref<2x2048xi32, #tpu.memory_space<vmem>> -> memref<1x2048xi32, #tpu.memory_space<vmem>>
      %dma_start3A_159 = tpu.memref_squeeze %dma_start3A_158 : memref<1x2048xi32, #tpu.memory_space<vmem>> -> memref<2048xi32, #tpu.memory_space<vmem>>
      %dma_start3A_160 = tpu.memref_slice %arg4[%add3A_151] : memref<6422528xi32, #tpu.memory_space<hbm>> -> memref<2048xi32, #tpu.memory_space<hbm>>
      tpu.enqueue_dma source(%dma_start3A_160 : memref<2048xi32, #tpu.memory_space<hbm>>) target(%dma_start3A_159 : memref<2048xi32, #tpu.memory_space<vmem>>) target_semaphore(%arg12 : memref<!tpu.dma_semaphore, #tpu.memory_space<semaphore_mem>>)
      %add3A_161 = arith.constant 1 : i32
      %add3A_162 = arith.addi %add3A_84, %add3A_161 : i32
      %dma_wait3A_163 = arith.constant 1 : i32
      %dma_wait3A_164 = arith.constant 1 : i32
      %dma_wait3A_165 = arith.constant 0 : i32
      %dma_wait3A_166 = arith.constant 0 : i32
      %dma_wait3A_167 = tpu.memref_slice %arg9[%dma_wait3A_164, %dma_wait3A_165, %dma_wait3A_166] : memref<2x2048x8xf32, #tpu.memory_space<vmem>> -> memref<1x2048x8xf32, #tpu.memory_space<vmem>>
      %dma_wait3A_168 = tpu.memref_squeeze %dma_wait3A_167 : memref<1x2048x8xf32, #tpu.memory_space<vmem>> -> memref<2048x8xf32, #tpu.memory_space<vmem>>
      %dma_wait3A_169 = arith.constant 0 : i32
      %dma_wait3A_170 = tpu.memref_slice %arg7[%dma_wait3A_163, %dma_wait3A_169] : memref<2x2048xi32, #tpu.memory_space<vmem>> -> memref<1x2048xi32, #tpu.memory_space<vmem>>
      %dma_wait3A_171 = tpu.memref_squeeze %dma_wait3A_170 : memref<1x2048xi32, #tpu.memory_space<vmem>> -> memref<2048xi32, #tpu.memory_space<vmem>>
      %dma_wait3A_172 = arith.constant 0 : i32
      %dma_wait3A_173 = arith.constant 0 : i32
      %dma_wait3A_174 = tpu.memref_slice %arg2[%dma_wait3A_172, %dma_wait3A_173] : memref<100096x8xf32, #tpu.memory_space<hbm>> -> memref<100096x8xf32, #tpu.memory_space<hbm>>
      tpu.wait_indirect_dma semaphore(%arg11 : memref<!tpu.dma_semaphore, #tpu.memory_space<semaphore_mem>>) src(%dma_wait3A_174 : memref<100096x8xf32, #tpu.memory_space<hbm>>) dst(%dma_wait3A_168 : memref<2048x8xf32, #tpu.memory_space<vmem>>)
      %dma_wait3A_175 = arith.constant 0 : i32
      %dma_wait3A_176 = arith.constant 0 : i32
      %dma_wait3A_177 = tpu.memref_slice %arg7[%dma_wait3A_175, %dma_wait3A_176] : memref<2x2048xi32, #tpu.memory_space<vmem>> -> memref<1x2048xi32, #tpu.memory_space<vmem>>
      %dma_wait3A_178 = tpu.memref_squeeze %dma_wait3A_177 : memref<1x2048xi32, #tpu.memory_space<vmem>> -> memref<2048xi32, #tpu.memory_space<vmem>>
      %dma_wait3A_179 = tpu.memref_slice %arg3[%mul3A_4] : memref<6422528xi32, #tpu.memory_space<hbm>> -> memref<2048xi32, #tpu.memory_space<hbm>>
      %dma_wait3A_180 = arith.constant 0 : i32
      %dma_wait3A_181 = tpu.memref_slice %arg7[%dma_wait3A_175, %dma_wait3A_180] : memref<2x2048xi32, #tpu.memory_space<vmem>> -> memref<1x2048xi32, #tpu.memory_space<vmem>>
      %dma_wait3A_182 = tpu.memref_squeeze %dma_wait3A_181 : memref<1x2048xi32, #tpu.memory_space<vmem>> -> memref<2048xi32, #tpu.memory_space<vmem>>
      %dma_wait3A_183 = tpu.memref_slice %arg3[%mul3A_4] : memref<6422528xi32, #tpu.memory_space<hbm>> -> memref<2048xi32, #tpu.memory_space<hbm>>
      tpu.wait_dma2 semaphore(%arg12 : memref<!tpu.dma_semaphore, #tpu.memory_space<semaphore_mem>>) src(%dma_wait3A_183 : memref<2048xi32, #tpu.memory_space<hbm>>) dst(%dma_wait3A_182 : memref<2048xi32, #tpu.memory_space<vmem>>)
      %dma_wait3A_184 = arith.constant 0 : i32
      %dma_wait3A_185 = arith.constant 0 : i32
      %dma_wait3A_186 = tpu.memref_slice %arg8[%dma_wait3A_184, %dma_wait3A_185] : memref<2x2048xi32, #tpu.memory_space<vmem>> -> memref<1x2048xi32, #tpu.memory_space<vmem>>
      %dma_wait3A_187 = tpu.memref_squeeze %dma_wait3A_186 : memref<1x2048xi32, #tpu.memory_space<vmem>> -> memref<2048xi32, #tpu.memory_space<vmem>>
      %dma_wait3A_188 = tpu.memref_slice %arg4[%mul3A_4] : memref<6422528xi32, #tpu.memory_space<hbm>> -> memref<2048xi32, #tpu.memory_space<hbm>>
      %dma_wait3A_189 = arith.constant 0 : i32
      %dma_wait3A_190 = tpu.memref_slice %arg8[%dma_wait3A_184, %dma_wait3A_189] : memref<2x2048xi32, #tpu.memory_space<vmem>> -> memref<1x2048xi32, #tpu.memory_space<vmem>>
      %dma_wait3A_191 = tpu.memref_squeeze %dma_wait3A_190 : memref<1x2048xi32, #tpu.memory_space<vmem>> -> memref<2048xi32, #tpu.memory_space<vmem>>
      %dma_wait3A_192 = tpu.memref_slice %arg4[%mul3A_4] : memref<6422528xi32, #tpu.memory_space<hbm>> -> memref<2048xi32, #tpu.memory_space<hbm>>
      tpu.wait_dma2 semaphore(%arg12 : memref<!tpu.dma_semaphore, #tpu.memory_space<semaphore_mem>>) src(%dma_wait3A_192 : memref<2048xi32, #tpu.memory_space<hbm>>) dst(%dma_wait3A_191 : memref<2048xi32, #tpu.memory_space<vmem>>)
      %dma_start3A_193 = arith.constant 0 : i32
      %dma_start3A_194 = arith.constant 0 : i32
      %dma_start3A_195 = arith.constant 0 : i32
      %dma_start3A_196 = arith.constant 0 : i32
      %dma_start3A_197 = tpu.memref_slice %arg9[%dma_start3A_194, %dma_start3A_195, %dma_start3A_196] : memref<2x2048x8xf32, #tpu.memory_space<vmem>> -> memref<1x2048x8xf32, #tpu.memory_space<vmem>>
      %dma_start3A_198 = tpu.memref_squeeze %dma_start3A_197 : memref<1x2048x8xf32, #tpu.memory_space<vmem>> -> memref<2048x8xf32, #tpu.memory_space<vmem>>
      %dma_start3A_199 = arith.constant 0 : i32
      %dma_start3A_200 = tpu.memref_slice %arg7[%dma_start3A_193, %dma_start3A_199] : memref<2x2048xi32, #tpu.memory_space<vmem>> -> memref<1x2048xi32, #tpu.memory_space<vmem>>
      %dma_start3A_201 = tpu.memref_squeeze %dma_start3A_200 : memref<1x2048xi32, #tpu.memory_space<vmem>> -> memref<2048xi32, #tpu.memory_space<vmem>>
      %dma_start3A_202 = arith.constant 0 : i32
      %dma_start3A_203 = arith.constant 0 : i32
      %dma_start3A_204 = tpu.memref_slice %arg2[%dma_start3A_202, %dma_start3A_203] : memref<100096x8xf32, #tpu.memory_space<hbm>> -> memref<100096x8xf32, #tpu.memory_space<hbm>>
      tpu.enqueue_indirect_dma source(%dma_start3A_204 : memref<100096x8xf32, #tpu.memory_space<hbm>>) target(%dma_start3A_198 : memref<2048x8xf32, #tpu.memory_space<vmem>>) offsets(%dma_start3A_201 : memref<2048xi32, #tpu.memory_space<vmem>>) semaphore(%arg11 : memref<!tpu.dma_semaphore, #tpu.memory_space<semaphore_mem>>)
      %run_scoped3A_205 = arith.constant 1 : i32
      %run_scoped3A_206 = arith.constant 1 : i32
      "tpu.region"() ({
        %run_scoped3A_237 = tpu.sem_alloc : memref<!tpu.dma_semaphore, #tpu.memory_space<semaphore_mem>>
        %dma_start3A_238 = arith.constant 0 : i32
        %dma_start3A_239 = arith.constant 0 : i32
        %dma_start3A_240 = tpu.memref_slice %arg9[%run_scoped3A_205, %dma_start3A_238, %dma_start3A_239] : memref<2x2048x8xf32, #tpu.memory_space<vmem>> -> memref<1x2048x8xf32, #tpu.memory_space<vmem>>
        %dma_start3A_241 = tpu.memref_squeeze %dma_start3A_240 : memref<1x2048x8xf32, #tpu.memory_space<vmem>> -> memref<2048x8xf32, #tpu.memory_space<vmem>>
        %dma_start3A_242 = arith.constant 0 : i32
        %dma_start3A_243 = tpu.memref_slice %arg8[%run_scoped3A_206, %dma_start3A_242] : memref<2x2048xi32, #tpu.memory_space<vmem>> -> memref<1x2048xi32, #tpu.memory_space<vmem>>
        %dma_start3A_244 = tpu.memref_squeeze %dma_start3A_243 : memref<1x2048xi32, #tpu.memory_space<vmem>> -> memref<2048xi32, #tpu.memory_space<vmem>>
        %dma_start3A_245 = arith.constant 0 : i32
        %dma_start3A_246 = arith.constant 0 : i32
        %dma_start3A_247 = tpu.memref_slice %arg10[%dma_start3A_245, %dma_start3A_246] : memref<100096x8xf32, #tpu.memory_space<vmem_shared>> -> memref<100096x8xf32, #tpu.memory_space<vmem_shared>>
        tpu.enqueue_indirect_dma source(%dma_start3A_241 : memref<2048x8xf32, #tpu.memory_space<vmem>>) target(%dma_start3A_247 : memref<100096x8xf32, #tpu.memory_space<vmem_shared>>) offsets(%dma_start3A_244 : memref<2048xi32, #tpu.memory_space<vmem>>) semaphore(%run_scoped3A_237 : memref<!tpu.dma_semaphore, #tpu.memory_space<semaphore_mem>>) {add = true}
        %dma_wait3A_248 = arith.constant 0 : i32
        %dma_wait3A_249 = arith.constant 0 : i32
        %dma_wait3A_250 = tpu.memref_slice %arg9[%run_scoped3A_205, %dma_wait3A_248, %dma_wait3A_249] : memref<2x2048x8xf32, #tpu.memory_space<vmem>> -> memref<1x2048x8xf32, #tpu.memory_space<vmem>>
        %dma_wait3A_251 = tpu.memref_squeeze %dma_wait3A_250 : memref<1x2048x8xf32, #tpu.memory_space<vmem>> -> memref<2048x8xf32, #tpu.memory_space<vmem>>
        %dma_wait3A_252 = arith.constant 0 : i32
        %dma_wait3A_253 = tpu.memref_slice %arg8[%run_scoped3A_206, %dma_wait3A_252] : memref<2x2048xi32, #tpu.memory_space<vmem>> -> memref<1x2048xi32, #tpu.memory_space<vmem>>
        %dma_wait3A_254 = tpu.memref_squeeze %dma_wait3A_253 : memref<1x2048xi32, #tpu.memory_space<vmem>> -> memref<2048xi32, #tpu.memory_space<vmem>>
        %dma_wait3A_255 = arith.constant 0 : i32
        %dma_wait3A_256 = arith.constant 0 : i32
        %dma_wait3A_257 = tpu.memref_slice %arg10[%dma_wait3A_255, %dma_wait3A_256] : memref<100096x8xf32, #tpu.memory_space<vmem_shared>> -> memref<100096x8xf32, #tpu.memory_space<vmem_shared>>
        tpu.wait_indirect_dma semaphore(%run_scoped3A_237 : memref<!tpu.dma_semaphore, #tpu.memory_space<semaphore_mem>>) src(%dma_wait3A_251 : memref<2048x8xf32, #tpu.memory_space<vmem>>) dst(%dma_wait3A_257 : memref<100096x8xf32, #tpu.memory_space<vmem_shared>>)
        tpu.yield
      }) : () -> ()
      %add3A_207 = arith.constant 2 : i32
      %add3A_208 = arith.addi %add3A_162, %add3A_207 : i32
      %min3A_209 = arith.constant 97 : i32
      %min3A_210 = arith.minsi %add3A_208, %min3A_209 : i32
      %mul3A_211 = arith.constant 2048 : i32
      %mul3A_212 = arith.muli %min3A_210, %mul3A_211 : i32
      %add3A_213 = arith.addi %mul3A_4, %mul3A_212 : i32
      %dma_start3A_214 = arith.constant 1 : i32
      %dma_start3A_215 = arith.constant 0 : i32
      %dma_start3A_216 = tpu.memref_slice %arg7[%dma_start3A_214, %dma_start3A_215] : memref<2x2048xi32, #tpu.memory_space<vmem>> -> memref<1x2048xi32, #tpu.memory_space<vmem>>
      %dma_start3A_217 = tpu.memref_squeeze %dma_start3A_216 : memref<1x2048xi32, #tpu.memory_space<vmem>> -> memref<2048xi32, #tpu.memory_space<vmem>>
      %dma_start3A_218 = tpu.memref_slice %arg3[%add3A_213] : memref<6422528xi32, #tpu.memory_space<hbm>> -> memref<2048xi32, #tpu.memory_space<hbm>>
      %dma_start3A_219 = arith.constant 0 : i32
      %dma_start3A_220 = tpu.memref_slice %arg7[%dma_start3A_214, %dma_start3A_219] : memref<2x2048xi32, #tpu.memory_space<vmem>> -> memref<1x2048xi32, #tpu.memory_space<vmem>>
      %dma_start3A_221 = tpu.memref_squeeze %dma_start3A_220 : memref<1x2048xi32, #tpu.memory_space<vmem>> -> memref<2048xi32, #tpu.memory_space<vmem>>
      %dma_start3A_222 = tpu.memref_slice %arg3[%add3A_213] : memref<6422528xi32, #tpu.memory_space<hbm>> -> memref<2048xi32, #tpu.memory_space<hbm>>
      tpu.enqueue_dma source(%dma_start3A_222 : memref<2048xi32, #tpu.memory_space<hbm>>) target(%dma_start3A_221 : memref<2048xi32, #tpu.memory_space<vmem>>) target_semaphore(%arg12 : memref<!tpu.dma_semaphore, #tpu.memory_space<semaphore_mem>>)
      %min3A_223 = arith.constant 97 : i32
      %min3A_224 = arith.minsi %add3A_208, %min3A_223 : i32
      %mul3A_225 = arith.constant 2048 : i32
      %mul3A_226 = arith.muli %min3A_224, %mul3A_225 : i32
      %add3A_227 = arith.addi %mul3A_4, %mul3A_226 : i32
      %dma_start3A_228 = arith.constant 1 : i32
      %dma_start3A_229 = arith.constant 0 : i32
      %dma_start3A_230 = tpu.memref_slice %arg8[%dma_start3A_228, %dma_start3A_229] : memref<2x2048xi32, #tpu.memory_space<vmem>> -> memref<1x2048xi32, #tpu.memory_space<vmem>>
      %dma_start3A_231 = tpu.memref_squeeze %dma_start3A_230 : memref<1x2048xi32, #tpu.memory_space<vmem>> -> memref<2048xi32, #tpu.memory_space<vmem>>
      %dma_start3A_232 = tpu.memref_slice %arg4[%add3A_227] : memref<6422528xi32, #tpu.memory_space<hbm>> -> memref<2048xi32, #tpu.memory_space<hbm>>
      %dma_start3A_233 = arith.constant 0 : i32
      %dma_start3A_234 = tpu.memref_slice %arg8[%dma_start3A_228, %dma_start3A_233] : memref<2x2048xi32, #tpu.memory_space<vmem>> -> memref<1x2048xi32, #tpu.memory_space<vmem>>
      %dma_start3A_235 = tpu.memref_squeeze %dma_start3A_234 : memref<1x2048xi32, #tpu.memory_space<vmem>> -> memref<2048xi32, #tpu.memory_space<vmem>>
      %dma_start3A_236 = tpu.memref_slice %arg4[%add3A_227] : memref<6422528xi32, #tpu.memory_space<hbm>> -> memref<2048xi32, #tpu.memory_space<hbm>>
      tpu.enqueue_dma source(%dma_start3A_236 : memref<2048xi32, #tpu.memory_space<hbm>>) target(%dma_start3A_235 : memref<2048xi32, #tpu.memory_space<vmem>>) target_semaphore(%arg12 : memref<!tpu.dma_semaphore, #tpu.memory_space<semaphore_mem>>)
    }
    %scan3A_49 = arith.constant 49 : i32
    %dma_wait3A = arith.constant 0 : i32
    %dma_wait3A_50 = arith.constant 0 : i32
    %dma_wait3A_51 = arith.constant 0 : i32
    %dma_wait3A_52 = arith.constant 0 : i32
    %dma_wait3A_53 = tpu.memref_slice %arg9[%dma_wait3A_50, %dma_wait3A_51, %dma_wait3A_52] : memref<2x2048x8xf32, #tpu.memory_space<vmem>> -> memref<1x2048x8xf32, #tpu.memory_space<vmem>>
    %dma_wait3A_54 = tpu.memref_squeeze %dma_wait3A_53 : memref<1x2048x8xf32, #tpu.memory_space<vmem>> -> memref<2048x8xf32, #tpu.memory_space<vmem>>
    %dma_wait3A_55 = arith.constant 0 : i32
    %dma_wait3A_56 = tpu.memref_slice %arg7[%dma_wait3A, %dma_wait3A_55] : memref<2x2048xi32, #tpu.memory_space<vmem>> -> memref<1x2048xi32, #tpu.memory_space<vmem>>
    %dma_wait3A_57 = tpu.memref_squeeze %dma_wait3A_56 : memref<1x2048xi32, #tpu.memory_space<vmem>> -> memref<2048xi32, #tpu.memory_space<vmem>>
    %dma_wait3A_58 = arith.constant 0 : i32
    %dma_wait3A_59 = arith.constant 0 : i32
    %dma_wait3A_60 = tpu.memref_slice %arg2[%dma_wait3A_58, %dma_wait3A_59] : memref<100096x8xf32, #tpu.memory_space<hbm>> -> memref<100096x8xf32, #tpu.memory_space<hbm>>
    tpu.wait_indirect_dma semaphore(%arg11 : memref<!tpu.dma_semaphore, #tpu.memory_space<semaphore_mem>>) src(%dma_wait3A_60 : memref<100096x8xf32, #tpu.memory_space<hbm>>) dst(%dma_wait3A_54 : memref<2048x8xf32, #tpu.memory_space<vmem>>)
    %dma_wait3A_61 = arith.constant 1 : i32
    %dma_wait3A_62 = arith.constant 0 : i32
    %dma_wait3A_63 = tpu.memref_slice %arg7[%dma_wait3A_61, %dma_wait3A_62] : memref<2x2048xi32, #tpu.memory_space<vmem>> -> memref<1x2048xi32, #tpu.memory_space<vmem>>
    %dma_wait3A_64 = tpu.memref_squeeze %dma_wait3A_63 : memref<1x2048xi32, #tpu.memory_space<vmem>> -> memref<2048xi32, #tpu.memory_space<vmem>>
    %dma_wait3A_65 = tpu.memref_slice %arg3[%mul3A_4] : memref<6422528xi32, #tpu.memory_space<hbm>> -> memref<2048xi32, #tpu.memory_space<hbm>>
    %dma_wait3A_66 = arith.constant 0 : i32
    %dma_wait3A_67 = tpu.memref_slice %arg7[%dma_wait3A_61, %dma_wait3A_66] : memref<2x2048xi32, #tpu.memory_space<vmem>> -> memref<1x2048xi32, #tpu.memory_space<vmem>>
    %dma_wait3A_68 = tpu.memref_squeeze %dma_wait3A_67 : memref<1x2048xi32, #tpu.memory_space<vmem>> -> memref<2048xi32, #tpu.memory_space<vmem>>
    %dma_wait3A_69 = tpu.memref_slice %arg3[%mul3A_4] : memref<6422528xi32, #tpu.memory_space<hbm>> -> memref<2048xi32, #tpu.memory_space<hbm>>
    tpu.wait_dma2 semaphore(%arg12 : memref<!tpu.dma_semaphore, #tpu.memory_space<semaphore_mem>>) src(%dma_wait3A_69 : memref<2048xi32, #tpu.memory_space<hbm>>) dst(%dma_wait3A_68 : memref<2048xi32, #tpu.memory_space<vmem>>)
    %dma_wait3A_70 = arith.constant 1 : i32
    %dma_wait3A_71 = arith.constant 0 : i32
    %dma_wait3A_72 = tpu.memref_slice %arg8[%dma_wait3A_70, %dma_wait3A_71] : memref<2x2048xi32, #tpu.memory_space<vmem>> -> memref<1x2048xi32, #tpu.memory_space<vmem>>
    %dma_wait3A_73 = tpu.memref_squeeze %dma_wait3A_72 : memref<1x2048xi32, #tpu.memory_space<vmem>> -> memref<2048xi32, #tpu.memory_space<vmem>>
    %dma_wait3A_74 = tpu.memref_slice %arg4[%mul3A_4] : memref<6422528xi32, #tpu.memory_space<hbm>> -> memref<2048xi32, #tpu.memory_space<hbm>>
    %dma_wait3A_75 = arith.constant 0 : i32
    %dma_wait3A_76 = tpu.memref_slice %arg8[%dma_wait3A_70, %dma_wait3A_75] : memref<2x2048xi32, #tpu.memory_space<vmem>> -> memref<1x2048xi32, #tpu.memory_space<vmem>>
    %dma_wait3A_77 = tpu.memref_squeeze %dma_wait3A_76 : memref<1x2048xi32, #tpu.memory_space<vmem>> -> memref<2048xi32, #tpu.memory_space<vmem>>
    %dma_wait3A_78 = tpu.memref_slice %arg4[%mul3A_4] : memref<6422528xi32, #tpu.memory_space<hbm>> -> memref<2048xi32, #tpu.memory_space<hbm>>
    tpu.wait_dma2 semaphore(%arg12 : memref<!tpu.dma_semaphore, #tpu.memory_space<semaphore_mem>>) src(%dma_wait3A_78 : memref<2048xi32, #tpu.memory_space<hbm>>) dst(%dma_wait3A_77 : memref<2048xi32, #tpu.memory_space<vmem>>)
    %barrier3A_79 = arith.constant 0 : index
    tpu.barrier barrier_id(%barrier3A_79)
    "tpu.region"() ({
      %run_scoped3A_80 = tpu.sem_alloc : memref<!tpu.dma_semaphore, #tpu.memory_space<semaphore_mem>>
      %dma_start3A_81 = arith.constant 0 : i32
      %dma_start3A_82 = tpu.memref_slice %arg6[%arg0, %mul3A_2, %dma_start3A_81] : memref<2x100096x8xf32, #tpu.memory_space<hbm>> -> memref<1x6256x8xf32, #tpu.memory_space<hbm>>
      %dma_start3A_83 = tpu.memref_squeeze %dma_start3A_82 : memref<1x6256x8xf32, #tpu.memory_space<hbm>> -> memref<6256x8xf32, #tpu.memory_space<hbm>>
      %dma_start3A_84 = arith.constant 0 : i32
      %dma_start3A_85 = tpu.memref_slice %arg10[%mul3A_2, %dma_start3A_84] : memref<100096x8xf32, #tpu.memory_space<vmem_shared>> -> memref<6256x8xf32, #tpu.memory_space<vmem_shared>>
      tpu.enqueue_dma source(%dma_start3A_85 : memref<6256x8xf32, #tpu.memory_space<vmem_shared>>) target(%dma_start3A_83 : memref<6256x8xf32, #tpu.memory_space<hbm>>) target_semaphore(%run_scoped3A_80 : memref<!tpu.dma_semaphore, #tpu.memory_space<semaphore_mem>>)
      %dma_wait3A_86 = arith.constant 0 : i32
      %dma_wait3A_87 = tpu.memref_slice %arg6[%arg0, %mul3A_2, %dma_wait3A_86] : memref<2x100096x8xf32, #tpu.memory_space<hbm>> -> memref<1x6256x8xf32, #tpu.memory_space<hbm>>
      %dma_wait3A_88 = tpu.memref_squeeze %dma_wait3A_87 : memref<1x6256x8xf32, #tpu.memory_space<hbm>> -> memref<6256x8xf32, #tpu.memory_space<hbm>>
      %dma_wait3A_89 = arith.constant 0 : i32
      %dma_wait3A_90 = tpu.memref_slice %arg10[%mul3A_2, %dma_wait3A_89] : memref<100096x8xf32, #tpu.memory_space<vmem_shared>> -> memref<6256x8xf32, #tpu.memory_space<vmem_shared>>
      tpu.wait_dma2 semaphore(%run_scoped3A_80 : memref<!tpu.dma_semaphore, #tpu.memory_space<semaphore_mem>>) src(%dma_wait3A_90 : memref<6256x8xf32, #tpu.memory_space<vmem_shared>>) dst(%dma_wait3A_88 : memref<6256x8xf32, #tpu.memory_space<hbm>>)
      tpu.yield
    }) : () -> ()
    return
  }
}

module attributes {stable_mosaic.version = 14 : i64} {
  func.func @body(%arg0: memref<2x6256x128xf32, #tpu.memory_space<vmem>>, %arg1: memref<6256x128xf32, #tpu.memory_space<vmem>>, %arg2: memref<128x128xf32, #tpu.memory_space<vmem>>, %arg3: memref<128x128xf32, #tpu.memory_space<vmem>>, %arg4: memref<1x128xf32, #tpu.memory_space<vmem>>, %arg5: memref<128x128xf32, #tpu.memory_space<vmem>>, %arg6: memref<6256x128xf32, #tpu.memory_space<vmem>>, %arg7: memref<6256x128xf32, #tpu.memory_space<vmem>>) attributes {dimension_semantics = [], scalar_prefetch = 0 : i64, scratch_operands = 0 : i64, tpu.core_type = #tpu.core_type<tc>} {
    %get3A = arith.constant 0 : index
    %get3A_0 = arith.constant 0 : index
    %get3A_1 = arith.constant 0 : index
    %get3A_2 = vector.load %arg0[%get3A, %get3A_0, %get3A_1] : memref<2x6256x128xf32, #tpu.memory_space<vmem>>, vector<1x6256x128xf32>
    %get3A_3 = vector.shape_cast %get3A_2 : vector<1x6256x128xf32> to vector<6256x128xf32>
    %get3A_4 = arith.constant 1 : index
    %get3A_5 = arith.constant 0 : index
    %get3A_6 = arith.constant 0 : index
    %get3A_7 = vector.load %arg0[%get3A_4, %get3A_5, %get3A_6] : memref<2x6256x128xf32, #tpu.memory_space<vmem>>, vector<1x6256x128xf32>
    %get3A_8 = vector.shape_cast %get3A_7 : vector<1x6256x128xf32> to vector<6256x128xf32>
    %add3A = arith.addf %get3A_3, %get3A_8 : vector<6256x128xf32>
    %get3A_9 = arith.constant 0 : index
    %get3A_10 = arith.constant 0 : index
    %get3A_11 = vector.load %arg5[%get3A_9, %get3A_10] : memref<128x128xf32, #tpu.memory_space<vmem>>, vector<128x128xf32>
    %dot_general3A = arith.constant dense<0.000000e+00> : vector<6256x128xf32>
    %dot_general3A_12 = tpu.matmul %add3A, %get3A_11, %dot_general3A {dimension_numbers = #tpu.dot_dimension_numbers<[1], [0], [0], [1], [0, 0, 1, 1], [], []>, precision = #tpu.contract_precision<fp32>, transpose_lhs_hint = false} : vector<6256x128xf32>, vector<128x128xf32>, vector<6256x128xf32> -> vector<6256x128xf32>
    %max3A = arith.constant 1.000000e+00 : f32
    %max3A_13 = vector.broadcast %max3A : f32 to vector<6256x128xf32>
    %max3A_14 = arith.maximumf %dot_general3A_12, %max3A_13 : vector<6256x128xf32>
    %div3A = arith.constant 1.000000e+00 : f32
    %div3A_15 = vector.broadcast %div3A : f32 to vector<6256x128xf32>
    %div3A_16 = arith.divf %div3A_15, %max3A_14 : vector<6256x128xf32>
    %mul3A = arith.mulf %add3A, %div3A_16 : vector<6256x128xf32>
    %get3A_17 = arith.constant 0 : index
    %get3A_18 = arith.constant 0 : index
    %get3A_19 = vector.load %arg2[%get3A_17, %get3A_18] : memref<128x128xf32, #tpu.memory_space<vmem>>, vector<128x128xf32>
    %dot_general3A_20 = arith.constant dense<0.000000e+00> : vector<6256x128xf32>
    %dot_general3A_21 = tpu.matmul %mul3A, %get3A_19, %dot_general3A_20 {dimension_numbers = #tpu.dot_dimension_numbers<[1], [0], [0], [1], [0, 0, 1, 1], [], []>, precision = #tpu.contract_precision<fp32>, transpose_lhs_hint = false} : vector<6256x128xf32>, vector<128x128xf32>, vector<6256x128xf32> -> vector<6256x128xf32>
    %get3A_22 = arith.constant 0 : index
    %get3A_23 = arith.constant 0 : index
    %get3A_24 = vector.load %arg4[%get3A_22, %get3A_23] : memref<1x128xf32, #tpu.memory_space<vmem>>, vector<1x128xf32>
    %add3A_25 = vector.broadcast %get3A_24 : vector<1x128xf32> to vector<6256x128xf32>
    %add3A_26 = arith.addf %dot_general3A_21, %add3A_25 : vector<6256x128xf32>
    %get3A_27 = arith.constant 0 : index
    %get3A_28 = arith.constant 0 : index
    %get3A_29 = vector.load %arg1[%get3A_27, %get3A_28] : memref<6256x128xf32, #tpu.memory_space<vmem>>, vector<6256x128xf32>
    %get3A_30 = arith.constant 0 : index
    %get3A_31 = arith.constant 0 : index
    %get3A_32 = vector.load %arg3[%get3A_30, %get3A_31] : memref<128x128xf32, #tpu.memory_space<vmem>>, vector<128x128xf32>
    %dot_general3A_33 = arith.constant dense<0.000000e+00> : vector<6256x128xf32>
    %dot_general3A_34 = tpu.matmul %get3A_29, %get3A_32, %dot_general3A_33 {dimension_numbers = #tpu.dot_dimension_numbers<[1], [0], [0], [1], [0, 0, 1, 1], [], []>, precision = #tpu.contract_precision<fp32>, transpose_lhs_hint = false} : vector<6256x128xf32>, vector<128x128xf32>, vector<6256x128xf32> -> vector<6256x128xf32>
    %add3A_35 = arith.addf %add3A_26, %dot_general3A_34 : vector<6256x128xf32>
    %max3A_36 = arith.constant 0.000000e+00 : f32
    %max3A_37 = vector.broadcast %max3A_36 : f32 to vector<6256x128xf32>
    %max3A_38 = arith.maximumf %add3A_35, %max3A_37 : vector<6256x128xf32>
    %swap3A = arith.constant 0 : index
    %swap3A_39 = arith.constant 0 : index
    %swap3A_40 = vector.load %arg6[%swap3A, %swap3A_39] : memref<6256x128xf32, #tpu.memory_space<vmem>>, vector<6256x128xf32>
    tpu.vector_store %arg6[%swap3A, %swap3A_39], %max3A_38 {strides = array<i32>} : memref<6256x128xf32, #tpu.memory_space<vmem>>, vector<6256x128xf32>,
    %swap3A_41 = arith.constant 0 : index
    %swap3A_42 = arith.constant 0 : index
    %swap3A_43 = vector.load %arg7[%swap3A_41, %swap3A_42] : memref<6256x128xf32, #tpu.memory_space<vmem>>, vector<6256x128xf32>
    tpu.vector_store %arg7[%swap3A_41, %swap3A_42], %div3A_16 {strides = array<i32>} : memref<6256x128xf32, #tpu.memory_space<vmem>>, vector<6256x128xf32>,
    return
  }
}

module attributes {stable_mosaic.version = 14 : i64} {
  func.func @body(%arg0: memref<2x6256x128xf32, #tpu.memory_space<vmem>>, %arg1: memref<6256x128xf32, #tpu.memory_space<vmem>>, %arg2: memref<6256x128xf32, #tpu.memory_space<vmem>>, %arg3: memref<128x128xf32, #tpu.memory_space<vmem>>, %arg4: memref<128x128xf32, #tpu.memory_space<vmem>>, %arg5: memref<1x128xf32, #tpu.memory_space<vmem>>, %arg6: memref<6256x128xf32, #tpu.memory_space<vmem>>) attributes {dimension_semantics = [], scalar_prefetch = 0 : i64, scratch_operands = 0 : i64, tpu.core_type = #tpu.core_type<tc>} {
    %get3A = arith.constant 0 : index
    %get3A_0 = arith.constant 0 : index
    %get3A_1 = arith.constant 0 : index
    %get3A_2 = vector.load %arg0[%get3A, %get3A_0, %get3A_1] : memref<2x6256x128xf32, #tpu.memory_space<vmem>>, vector<1x6256x128xf32>
    %get3A_3 = vector.shape_cast %get3A_2 : vector<1x6256x128xf32> to vector<6256x128xf32>
    %get3A_4 = arith.constant 1 : index
    %get3A_5 = arith.constant 0 : index
    %get3A_6 = arith.constant 0 : index
    %get3A_7 = vector.load %arg0[%get3A_4, %get3A_5, %get3A_6] : memref<2x6256x128xf32, #tpu.memory_space<vmem>>, vector<1x6256x128xf32>
    %get3A_8 = vector.shape_cast %get3A_7 : vector<1x6256x128xf32> to vector<6256x128xf32>
    %add3A = arith.addf %get3A_3, %get3A_8 : vector<6256x128xf32>
    %get3A_9 = arith.constant 0 : index
    %get3A_10 = arith.constant 0 : index
    %get3A_11 = vector.load %arg1[%get3A_9, %get3A_10] : memref<6256x128xf32, #tpu.memory_space<vmem>>, vector<6256x128xf32>
    %mul3A = arith.mulf %add3A, %get3A_11 : vector<6256x128xf32>
    %get3A_12 = arith.constant 0 : index
    %get3A_13 = arith.constant 0 : index
    %get3A_14 = vector.load %arg3[%get3A_12, %get3A_13] : memref<128x128xf32, #tpu.memory_space<vmem>>, vector<128x128xf32>
    %dot_general3A = arith.constant dense<0.000000e+00> : vector<6256x128xf32>
    %dot_general3A_15 = tpu.matmul %mul3A, %get3A_14, %dot_general3A {dimension_numbers = #tpu.dot_dimension_numbers<[1], [0], [0], [1], [0, 0, 1, 1], [], []>, precision = #tpu.contract_precision<fp32>, transpose_lhs_hint = false} : vector<6256x128xf32>, vector<128x128xf32>, vector<6256x128xf32> -> vector<6256x128xf32>
    %get3A_16 = arith.constant 0 : index
    %get3A_17 = arith.constant 0 : index
    %get3A_18 = vector.load %arg5[%get3A_16, %get3A_17] : memref<1x128xf32, #tpu.memory_space<vmem>>, vector<1x128xf32>
    %add3A_19 = vector.broadcast %get3A_18 : vector<1x128xf32> to vector<6256x128xf32>
    %add3A_20 = arith.addf %dot_general3A_15, %add3A_19 : vector<6256x128xf32>
    %get3A_21 = arith.constant 0 : index
    %get3A_22 = arith.constant 0 : index
    %get3A_23 = vector.load %arg2[%get3A_21, %get3A_22] : memref<6256x128xf32, #tpu.memory_space<vmem>>, vector<6256x128xf32>
    %get3A_24 = arith.constant 0 : index
    %get3A_25 = arith.constant 0 : index
    %get3A_26 = vector.load %arg4[%get3A_24, %get3A_25] : memref<128x128xf32, #tpu.memory_space<vmem>>, vector<128x128xf32>
    %dot_general3A_27 = arith.constant dense<0.000000e+00> : vector<6256x128xf32>
    %dot_general3A_28 = tpu.matmul %get3A_23, %get3A_26, %dot_general3A_27 {dimension_numbers = #tpu.dot_dimension_numbers<[1], [0], [0], [1], [0, 0, 1, 1], [], []>, precision = #tpu.contract_precision<fp32>, transpose_lhs_hint = false} : vector<6256x128xf32>, vector<128x128xf32>, vector<6256x128xf32> -> vector<6256x128xf32>
    %add3A_29 = arith.addf %add3A_20, %dot_general3A_28 : vector<6256x128xf32>
    %max3A = arith.constant 0.000000e+00 : f32
    %max3A_30 = vector.broadcast %max3A : f32 to vector<6256x128xf32>
    %max3A_31 = arith.maximumf %add3A_29, %max3A_30 : vector<6256x128xf32>
    %swap3A = arith.constant 0 : index
    %swap3A_32 = arith.constant 0 : index
    %swap3A_33 = vector.load %arg6[%swap3A, %swap3A_32] : memref<6256x128xf32, #tpu.memory_space<vmem>>, vector<6256x128xf32>
    tpu.vector_store %arg6[%swap3A, %swap3A_32], %max3A_31 {strides = array<i32>} : memref<6256x128xf32, #tpu.memory_space<vmem>>, vector<6256x128xf32>,
    return
  }
}

module attributes {stable_mosaic.version = 14 : i64} {
  func.func @body(%arg0: memref<2x6256x128xf32, #tpu.memory_space<vmem>>, %arg1: memref<6256x128xf32, #tpu.memory_space<vmem>>, %arg2: memref<6256x128xf32, #tpu.memory_space<vmem>>, %arg3: memref<128x128xf32, #tpu.memory_space<vmem>>, %arg4: memref<128x128xf32, #tpu.memory_space<vmem>>, %arg5: memref<1x128xf32, #tpu.memory_space<vmem>>, %arg6: memref<128x128xf32, #tpu.memory_space<vmem>>, %arg7: memref<1x128xf32, #tpu.memory_space<vmem>>, %arg8: memref<6256x128xf32, #tpu.memory_space<vmem>>, %arg9: memref<6256x128xf32, #tpu.memory_space<vmem>>) attributes {dimension_semantics = [], scalar_prefetch = 0 : i64, scratch_operands = 0 : i64, tpu.core_type = #tpu.core_type<tc>} {
    %get3A = arith.constant 0 : index
    %get3A_0 = arith.constant 0 : index
    %get3A_1 = arith.constant 0 : index
    %get3A_2 = vector.load %arg0[%get3A, %get3A_0, %get3A_1] : memref<2x6256x128xf32, #tpu.memory_space<vmem>>, vector<1x6256x128xf32>
    %get3A_3 = vector.shape_cast %get3A_2 : vector<1x6256x128xf32> to vector<6256x128xf32>
    %get3A_4 = arith.constant 1 : index
    %get3A_5 = arith.constant 0 : index
    %get3A_6 = arith.constant 0 : index
    %get3A_7 = vector.load %arg0[%get3A_4, %get3A_5, %get3A_6] : memref<2x6256x128xf32, #tpu.memory_space<vmem>>, vector<1x6256x128xf32>
    %get3A_8 = vector.shape_cast %get3A_7 : vector<1x6256x128xf32> to vector<6256x128xf32>
    %add3A = arith.addf %get3A_3, %get3A_8 : vector<6256x128xf32>
    %get3A_9 = arith.constant 0 : index
    %get3A_10 = arith.constant 0 : index
    %get3A_11 = vector.load %arg1[%get3A_9, %get3A_10] : memref<6256x128xf32, #tpu.memory_space<vmem>>, vector<6256x128xf32>
    %mul3A = arith.mulf %add3A, %get3A_11 : vector<6256x128xf32>
    %get3A_12 = arith.constant 0 : index
    %get3A_13 = arith.constant 0 : index
    %get3A_14 = vector.load %arg3[%get3A_12, %get3A_13] : memref<128x128xf32, #tpu.memory_space<vmem>>, vector<128x128xf32>
    %dot_general3A = arith.constant dense<0.000000e+00> : vector<6256x128xf32>
    %dot_general3A_15 = tpu.matmul %mul3A, %get3A_14, %dot_general3A {dimension_numbers = #tpu.dot_dimension_numbers<[1], [0], [0], [1], [0, 0, 1, 1], [], []>, precision = #tpu.contract_precision<fp32>, transpose_lhs_hint = false} : vector<6256x128xf32>, vector<128x128xf32>, vector<6256x128xf32> -> vector<6256x128xf32>
    %get3A_16 = arith.constant 0 : index
    %get3A_17 = arith.constant 0 : index
    %get3A_18 = vector.load %arg5[%get3A_16, %get3A_17] : memref<1x128xf32, #tpu.memory_space<vmem>>, vector<1x128xf32>
    %add3A_19 = vector.broadcast %get3A_18 : vector<1x128xf32> to vector<6256x128xf32>
    %add3A_20 = arith.addf %dot_general3A_15, %add3A_19 : vector<6256x128xf32>
    %get3A_21 = arith.constant 0 : index
    %get3A_22 = arith.constant 0 : index
    %get3A_23 = vector.load %arg2[%get3A_21, %get3A_22] : memref<6256x128xf32, #tpu.memory_space<vmem>>, vector<6256x128xf32>
    %get3A_24 = arith.constant 0 : index
    %get3A_25 = arith.constant 0 : index
    %get3A_26 = vector.load %arg4[%get3A_24, %get3A_25] : memref<128x128xf32, #tpu.memory_space<vmem>>, vector<128x128xf32>
    %dot_general3A_27 = arith.constant dense<0.000000e+00> : vector<6256x128xf32>
    %dot_general3A_28 = tpu.matmul %get3A_23, %get3A_26, %dot_general3A_27 {dimension_numbers = #tpu.dot_dimension_numbers<[1], [0], [0], [1], [0, 0, 1, 1], [], []>, precision = #tpu.contract_precision<fp32>, transpose_lhs_hint = false} : vector<6256x128xf32>, vector<128x128xf32>, vector<6256x128xf32> -> vector<6256x128xf32>
    %add3A_29 = arith.addf %add3A_20, %dot_general3A_28 : vector<6256x128xf32>
    %max3A = arith.constant 0.000000e+00 : f32
    %max3A_30 = vector.broadcast %max3A : f32 to vector<6256x128xf32>
    %max3A_31 = arith.maximumf %add3A_29, %max3A_30 : vector<6256x128xf32>
    %swap3A = arith.constant 0 : index
    %swap3A_32 = arith.constant 0 : index
    %swap3A_33 = vector.load %arg9[%swap3A, %swap3A_32] : memref<6256x128xf32, #tpu.memory_space<vmem>>, vector<6256x128xf32>
    tpu.vector_store %arg9[%swap3A, %swap3A_32], %max3A_31 {strides = array<i32>} : memref<6256x128xf32, #tpu.memory_space<vmem>>, vector<6256x128xf32>,
    %get3A_34 = arith.constant 0 : index
    %get3A_35 = arith.constant 0 : index
    %get3A_36 = vector.load %arg6[%get3A_34, %get3A_35] : memref<128x128xf32, #tpu.memory_space<vmem>>, vector<128x128xf32>
    %dot_general3A_37 = arith.constant dense<0.000000e+00> : vector<6256x128xf32>
    %dot_general3A_38 = tpu.matmul %max3A_31, %get3A_36, %dot_general3A_37 {dimension_numbers = #tpu.dot_dimension_numbers<[1], [0], [0], [1], [0, 0, 1, 1], [], []>, precision = #tpu.contract_precision<fp32>, transpose_lhs_hint = false} : vector<6256x128xf32>, vector<128x128xf32>, vector<6256x128xf32> -> vector<6256x128xf32>
    %get3A_39 = arith.constant 0 : index
    %get3A_40 = arith.constant 0 : index
    %get3A_41 = vector.load %arg7[%get3A_39, %get3A_40] : memref<1x128xf32, #tpu.memory_space<vmem>>, vector<1x128xf32>
    %add3A_42 = vector.broadcast %get3A_41 : vector<1x128xf32> to vector<6256x128xf32>
    %add3A_43 = arith.addf %dot_general3A_38, %add3A_42 : vector<6256x128xf32>
    %swap3A_44 = arith.constant 0 : index
    %swap3A_45 = arith.constant 0 : index
    %swap3A_46 = vector.load %arg8[%swap3A_44, %swap3A_45] : memref<6256x128xf32, #tpu.memory_space<vmem>>, vector<6256x128xf32>
    tpu.vector_store %arg8[%swap3A_44, %swap3A_45], %add3A_43 {strides = array<i32>} : memref<6256x128xf32, #tpu.memory_space<vmem>>, vector<6256x128xf32>,
    return
  }
}

</mosaic_0001>

<sc_bundles>
// kernel: kernel.11.cloned.1.call-start
scs
__scs_entry_jumppad:
0x0: {  	(pc) =	sbr.rel $0x88, $3  }
0x1: {  	(tag) =	ssettag $0x0;
	lr =	simm.s32 $0x1  }
0x2: {  	[smem:$0x3F94] =	sst lr;
	_ =	strace $0xD0000000  }
0x3: {  	_ = 	snop  }
0x4: {  	_ = 	snop  }
0x5: {  	_ = 	snop  }
0x6: {  	_ = 	snop  }
0x7: {  	_ = 	snop  }
__scs_overlays_trampoline_lowered:
0x8: {  	[smem:$0x3FA3] =	sst s0  }
0x9: {  	[smem:$0x3FA4] =	sst s1  }
0xa: {  	[smem:$0x3FA5] =	sst s2  }
0xb: {  	[smem:$0x3FA6] =	sst s3  }
0xc: {  	[smem:$0x3FA7] =	sst s4  }
0xd: {  	[smem:$0x3FA8] =	sst s5  }
0xe: {  	[smem:$0x3FA9] =	sst s6  }
0xf: {  	[smem:$0x3FAA] =	sst s7  }
0x10: {  	[smem:$0x3FAB] =	sst s8  }
0x11: {  	[smem:$0x3FAC] =	sst s9;
	s0 =	simm.s32 @!p0 $0x0  }
0x12: {  	s1 =	sld [smem:$0x3F92];
	s0 =	simm.s32 @p0 $0x1  }
0x13: {  	[smem:$0x3FAD] =	sst s0;
	s0 =	simm.s32 @!p1 $0x0  }
0x14: {  	s2 =	sld [smem:$0x3F91];
	s0 =	simm.s32 @p1 $0x1  }
0x15: {  	[smem:$0x3FAE] =	sst s0;
	s0 =	simm.s32 @!p2 $0x0  }
0x16: {  	s3 =	sld [smem:$0x3FDB];
	s0 =	simm.s32 @p2 $0x1  }
0x17: {  	s4 =	simm.s32 $0x1BF5;
	[smem:$0x3FB0] =	sst s0  }
0x18: {  	s0 =	sld [smem:$0x3F93];
	_ =	swait.ge [sflag:s4], $0x0  }
0x19: {  	s7 =	sld [smem:$0x3F94]  }
0x1a: {  	s8 =	sadd.s32 $0xFFFFE003, lr  }
0x1b: {  	s9 =	sadd.s32 $0xFFFFFEF7, lr;
	s5 =	simm.s32 $0xFFFFFFFF;
	p2 =	slt.u32 s8, $0xFFFFF086  }
0x1c: {  	p1 =	slt.u32 s9, $0xF7A;
	s5 =	simm.s32 @!p2 $0x0  }
0x1d: {  	s5 =	simm.s32 @p1 $0x1;
	p0 =	seq.s32 s7, s2  }
0x1e: {  	s7 =	smul.u32 @!p0 $0xF7A, s2;
	p2 =	seq.s32 @!p0 s5, $0x0  }
0x1f: {  	s9 =	smul.u32 $0xF7A, s1;
	s8 =	simm.s32 @!p0 $0x1BF5;
	p2 =	por !p2, p0  }
0x20: {  	[sflag:s8] =	ssyncset.s32 @!p0 $0xFFFFF086;
	s6 =	sadd.s32 @!p0 s3, s7;
	s7 =	simm.s32 @!p0 $0x108  }
0x21: {  	s3 =	sadd.s32 s3, s9;
	s6 =	sadd.s32 @!p0 $0x88, s6;
	s7 =	simm.s32 @p2 $0x1082  }
0x22: {  	[simem:s7], [sflag:s8] =	dma.local @!p0 [hbm:s6], $0xF7A  }
0x23: {  	s9 =	sor.u32 $0xD0000000, s2;
	s6 =	simm.s32 $0x108;
	_ =	swait.ge @!p0 [sflag:s8], $0x0  }
0x24: {  	s3 =	sadd.s32 $0x88, s3;
	s6 =	simm.s32 @!p1 $0x1082;
	[sflag:s4] =	ssyncset.s32 $0xFFFFF086  }
0x25: {  	[simem:s6], [sflag:s4] =	dma.local [hbm:s3], $0xF7A  }
0x26: {  	[smem:$0x3F94] =	sst s1;
	(tag) =	ssettag s2;
	_ =	strace s9  }
0x27: {  	s1 =	sld [smem:$0x3FA4]  }
0x28: {  	s2 =	sld [smem:$0x3FA5]  }
0x29: {  	s4 =	sld [smem:$0x3FA7]  }
0x2a: {  	p0 =	seq.s32 s5, $0x0;
	s5 =	sld [smem:$0x3FA8]  }
0x2b: {  	s6 =	sld [smem:$0x3FA9]  }
0x2c: {  	s7 =	sld [smem:$0x3FAA]  }
0x2d: {  	s3 =	simm.s32 $0x108;
	s8 =	sld [smem:$0x3FAB]  }
0x2e: {  	s3 =	simm.s32 @!p0 $0x1082;
	s9 =	sld [smem:$0x3FAC]  }
0x2f: {  	lr =	sadd.s32 s0, s3;
	s0 =	sld [smem:$0x3FA3]  }
0x30: {  	s3 =	sld [smem:$0x3FA6]  }
0x31: {  	[smem:$0x3FAF] =	sst s10  }
0x32: {  	s10 =	sld [smem:$0x3FAD];
	_ =	sdelay $0x3  }
0x33: {  	p0 =	seq.s32 s10, $0x1;
	s10 =	sld [smem:$0x3FAF];
	_ =	sdelay $0x3  }
0x34: {  	[smem:$0x3FAF] =	sst s10  }
0x35: {  	s10 =	sld [smem:$0x3FAE];
	_ =	sdelay $0x3  }
0x36: {  	p1 =	seq.s32 s10, $0x1;
	s10 =	sld [smem:$0x3FAF];
	_ =	sdelay $0x3  }
0x37: {  	[smem:$0x3FAF] =	sst s10  }
0x38: {  	s10 =	sld [smem:$0x3FB0]  }
0x39: {  	_ = 	snop;
	(pc) =	sbr.ind lr, $3  }
0x3a: {  	_ = 	snop  }
0x3b: {  	_ = 	snop  }
0x3c: {  	p2 =	seq.s32 s10, $0x1;
	s10 =	sld [smem:$0x3FAF]  }
0x3d: {  	_ =	shalt  }
0x3e: {  	_ =	shalt  }
0x3f: {  	_ =	shalt  }
0x40: {  	_ =	shalt  }
0x41: {  	_ =	shalt  }
0x42: {  	_ =	shalt  }
0x43: {  	_ =	shalt  }
0x44: {  	_ =	shalt  }
0x45: {  	_ =	shalt  }
0x46: {  	_ =	shalt  }
0x47: {  	_ =	shalt  }
0x48: {  	_ =	shalt  }
0x49: {  	_ =	shalt  }
0x4a: {  	_ =	shalt  }
0x4b: {  	_ =	shalt  }
0x4c: {  	_ =	shalt  }
0x4d: {  	_ =	shalt  }
0x4e: {  	_ =	shalt  }
0x4f: {  	_ =	shalt  }
0x50: {  	_ =	shalt  }
0x51: {  	_ =	shalt  }
0x52: {  	_ =	shalt  }
0x53: {  	_ =	shalt  }
0x54: {  	_ =	shalt  }
0x55: {  	_ =	shalt  }
0x56: {  	_ =	shalt  }
0x57: {  	_ =	shalt  }
0x58: {  	_ =	shalt  }
0x59: {  	_ =	shalt  }
0x5a: {  	_ =	shalt  }
0x5b: {  	_ =	shalt  }
0x5c: {  	_ =	shalt  }
0x5d: {  	_ =	shalt  }
0x5e: {  	_ =	shalt  }
0x5f: {  	_ =	shalt  }
0x60: {  	_ =	shalt  }
0x61: {  	_ =	shalt  }
0x62: {  	_ =	shalt  }
0x63: {  	_ =	shalt  }
0x64: {  	_ =	shalt  }
0x65: {  	_ =	shalt  }
0x66: {  	_ =	shalt  }
0x67: {  	_ =	shalt  }
0x68: {  	_ =	shalt  }
0x69: {  	_ =	shalt  }
0x6a: {  	_ =	shalt  }
0x6b: {  	_ =	shalt  }
0x6c: {  	_ =	shalt  }
0x6d: {  	_ =	shalt  }
0x6e: {  	_ =	shalt  }
0x6f: {  	_ =	shalt  }
0x70: {  	_ =	shalt  }
0x71: {  	_ =	shalt  }
0x72: {  	_ =	shalt  }
0x73: {  	_ =	shalt  }
0x74: {  	_ =	shalt  }
0x75: {  	_ =	shalt  }
0x76: {  	_ =	shalt  }
0x77: {  	_ =	shalt  }
0x78: {  	_ =	shalt  }
0x79: {  	_ =	shalt  }
0x7a: {  	_ =	shalt  }
0x7b: {  	_ =	shalt  }
0x7c: {  	_ =	shalt  }
0x7d: {  	_ =	shalt  }
0x7e: {  	_ =	shalt  }
0x7f: {  	_ =	shalt  }
0x80: {  	_ =	shalt  }
0x81: {  	_ =	shalt  }
0x82: {  	_ =	shalt  }
0x83: {  	_ =	shalt  }
0x84: {  	_ =	shalt  }
0x85: {  	_ =	shalt  }
0x86: {  	_ =	shalt  }
0x87: {  	_ =	shalt  }
.Lfunc_end0:
.L_simem_size_0:
called_computation.1_lowered:
.L_overlay_start_0:
0x88: {  	s2 =	sld [smem:$0x3FD9]  }
0x89: {  	s3 =	sld [smem:$0x3FFE];
	_ =	sdelay $0x1  }
0x8a: {  	s1 =	srdreg.scid  }
0x8b: {  	s0 =	sand.u32 $0x1, s1  }
0x8c: {  	s16 =	sshll.u32 s0, $0xA;
	s2 =	sadd.s32 s3, s2  }
0x8d: {  	s2 =	sadd.s32 s2, s16  }
0x8e: {  	[smem:$0x3FBB] =	sst s2  }
0x8f: {  	_ = 	snop  }
0x90: {  	(tm) =	ssettm $0x1  }
0x91: {  	s17 =	sld [smem:$0x3FFB];
	_ =	sdelay $0x3  }
0x92: {  	_ =	strace s17  }
0x93: {  	s2 =	sld [smem:$0x3FFC];
	_ =	sdelay $0x3  }
0x94: {  	_ =	strace s2  }
0x95: {  	s2 =	sld [smem:$0x3FFD];
	_ =	sdelay $0x3  }
0x96: {  	_ =	strace s2  }
0x97: {  	_ =	strace $0x8FFFFFFF  }
0x98: {  	s18 =	sld [smem:$0x3FDB];
	_ =	sdelay $0x1  }
0x99: {  	s19 =	simm.s32 $_scs_section_size  }
0x9a: {  	s4 =	simm.s32 $_size__tile_overlayer_lowered;
	s5 =	simm.s32 $_tile_overlayer_lowered  }
0x9b: {  	s22 =	simm.s32 $0x1BFF;
	s21 =	sshll.u32 s5, $0x1;
	s2 =	sadd.s32 s19, s18  }
0x9c: {  	s6 =	simm.s32 $0x0;
	s20 =	sshll.u32 s4, $0x1;
	s4 =	sadd.s32 s21, s2  }
0x9d: {  	[timem:s6], [sflag:s22] =	dma.local [hbm:s4], s20  }
0x9e: {  	_ =	swait.ge [sflag:s22], s20  }
0x9f: {  	s3 =	ssub.s32 $0x0, s20;
	[sflag:s22] =	ssyncset.done $0x0  }
0xa0: {  	[sflag:s22] =	ssyncadd.s32 s3;
	_ =	sdelay $0x1  }
0xa1: {  	s23 =	simm.s32 $0x1B8B  }
0xa2: {  	_ =	swait.ge [sflag:s23], $0x1  }
0xa3: {  	[sflag:s23] =	ssyncset.done $0x0  }
0xa4: {  	s25 =	simm.s32 $0x1B8E;
	s24 =	sld [smem:$0x3FFE];
	[sflag:s23] =	ssyncadd.s32 $0xFFFFFFFF  }
0xa5: {  	s26 =	simm.s32 $execute0_lowered;
	[smem:$0x3FD2] =	sst s25  }
0xa6: {  	s4 =	sshll.u32 s26, $0x1;
	_ =	strace $0x80000049;
	[dreg:$0x1] =	wrdreg $0xFFFFFFFF  }
0xa7: {  	s28 =	simm.s32 $_size_execute0_lowered;
	s2 =	sadd.s32 s2, s4;
	[dreg:$0x0] =	wrdreg $0x0  }
0xa8: {  	s4 =	sshll.u32 s28, $0x1;
	[dreg:$0x2] =	wrdreg s2  }
0xa9: {  	[dreg:$0x3] =	wrdreg s4  }
0xaa: {  	[dreg:$0x4] =	wrdreg $0xC0  }
0xab: {  	_ =	task [dreg:s6], $0x5FFFF  }
0xac: {  	[dreg:$0x1] =	wrdreg $0xFFFFFFFF  }
0xad: {  	[dreg:$0x0] =	wrdreg $0x60  }
0xae: {  	[dreg:$0x2] =	wrdreg s24  }
0xaf: {  	[dreg:$0x3] =	wrdreg $0xA0000  }
0xb0: {  	[dreg:$0x4] =	wrdreg $0x9  }
0xb1: {  	_ =	task.clear_ibuf [dreg:s6], $0x5FFFF;
	_ =	strace $0x90000049  }
0xb2: {  	s29 =	simm.s32 $0x9;
	_ =	strace $0x8000004B  }
0xb3: {  	_ =	swait.ge [sflag:s29], $0x1  }
0xb4: {  	[sflag:s29] =	ssyncadd.s32 $0xFFFFFFFF  }
0xb5: {  	_ =	strace $0x9000004B  }
0xb6: {  	_ =	sfence  }
0xb7: {  	s30 =	sld [smem:$0x0];
	_ =	sdelay $0x2  }
0xb8: {  	s31 =	sshll.u32 s1, $0xD;
	s1 =	sshrl.u32 s1, $0x2  }
0xb9: {  	s3 =	sand.u32 $0x4000, s31;
	s1 =	sadd.s32 s1, s30  }
0xba: {  	s0 =	sor.u32 s3, s0;
	s1 =	sshll.u32 s1, $0x11  }
0xbb: {  	s0 =	sor.u32 s1, s0  }
0xbc: {  	s0 =	sadd.s32 $0x8F2B, s0  }
0xbd: {  	[sflag:s0] =	ssyncadd.remote.s32 $0x1  }
0xbe: {  	_ =	sfence.sel $0xFFFF  }
0xbf: {  	[dreg:$0x0] =	wrdreg $0xFFFFFFFF;
	(pc) =	sbr.abs _section_cstart, $3  }
0xc0: {  	[dreg:$0x1] =	wrdreg $0xFFFFFFFF  }
0xc1: {  	_ =	task.clear_ibuf [dreg:s6], $0x2FFFF;
	_ =	strace $0x9FFFFFFF  }
0xc2: {  	(tm) =	ssettm $0x7FFFFFFF  }
0xc3: {  	_ =	shalt  }
tec
execute0_lowered:
.L_overlay_start_1:
0x0: {  	(tag) =	ssettag $0x1  }
0x1: {  	s0 =	rddreg [dreg:$0x0]  }
0x2: {  	s2 =	rddreg [dreg:$0x1];
	s3 =	simm.s32 $0x0;
	s12 =	stileid.u32  }
0x3: {  	s1 =	srdreg.scid;
	s28 =	simm.s32 $0x1800;
	s29 =	simm.s32 $0x1  }
0x4: {  	s30 =	simm.s32 $0x2;
	s31 =	simm.s32 $0x6000;
	[smem:$0x7FF] =	sst s3  }
0x5: {  	s7 =	smul.u32 $0xC380, s12;
	s1 =	sand.u32 $0x1, s1;
	s4 =	sadd.s32 $0x3A00, s0  }
0x6: {  	s5 =	sadd.s32 $0x1C200, s0;
	s6 =	sadd.s32 $0x311400, s0;
	s10 =	sshll.u32 s12, $0x1  }
0x7: {  	s18 =	sshll.u32 s12, $0x6;
	_ =	strace $0x8000004A;
	s8 =	smul.u32 $0xC3800, s1  }
0x8: {  	s11 =	ssub.s32 $0x2, s1;
	s10 =	sor.u32 s1, s10;
	s1 =	smul.u32 $0x31000, s1  }
0x9: {  	s9 =	sshrl.u32 s7, $0x3;
	s17 =	sshrl.u32 s11, $0x1;
	s10 =	smul.u32 $0x31000, s10  }
0xa: {  	s9 =	sadd.s32 s9, s0;
	s8 =	sadd.s32 s7, s8;
	s7 =	sadd.s32 s7, s2  }
0xb: {  	s8 =	sshrl.u32 s8, $0x3;
	[dreg:$0x3] =	wrdreg s7;
	s9 =	sadd.s32 $0xE0200, s9  }
0xc: {  	s19 =	sshrl.u32 s10, $0x3;
	s0 =	sadd.s32 s8, s0;
	s8 =	ssub.s32 s11, s17  }
0xd: {  	[dreg:$0x4] =	wrdreg s9;
	s9 =	sor.u32 $0x1C03, s18;
	s10 =	sadd.s32 s5, s19  }
0xe: {  	s20 =	sor.u32 $0x100, s19;
	s17 =	smul.u32 $0x62000, s12;
	s21 =	sadd.s32 s6, s19  }
0xf: {  	s23 =	sadd.s32 $0x6100, s19;
	s24 =	sadd.s32 $0x6000, s19;
	[dreg:$0x5] =	wrdreg s10  }
0x10: {  	[dreg:$0x6] =	wrdreg s21;
	s22 =	sadd.s32 s5, s20;
	s13 =	sadd.s32 s6, s20  }
0x11: {  	s14 =	sadd.s32 $0xF8A00, s0;
	s15 =	smax.u32 s8, $0x1;
	s16 =	sadd.s32 s5, s23  }
0x12: {  	s18 =	sadd.s32 s5, s24;
	s19 =	sadd.s32 s6, s24;
	s24 =	simm.s32 $0x1000  }
0x13: {  	s0 =	simm.s32 $0x0;
	[dreg:$0x7] =	wrdreg s22;
	s1 =	sadd.s32 s1, s17  }
0x14: {  	s17 =	sadd.s32 s6, s23;
	s23 =	simm.s32 $0x3;
	s25 =	sadd.s32 $0x1800, s1  }
0x15: {  	s20 =	sadd.s32 $0x1000, s1;
	s26 =	sshrl.u32 s25, $0x3;
	s25 =	simm.s32 $0x800  }
0x16: {  	s21 =	sadd.s32 s26, s6;
	s22 =	sadd.s32 s26, s5;
	s26 =	simm.s32 $0x2000  }
.LBB2_1:
0x17: {  	s1 =	rddreg [dreg:$0x3]  }
0x18: {  	s7 =	rddreg [dreg:$0x4];
	s1 =	sshrl.u32 s1, $0x3  }
0x19: {  	[spmem:s1], [sflag:s9] =	dma.local [hbm:s7], $0x1870  }
0x1a: {  	_ =	swait.ge [sflag:s23], $0x1870  }
0x1b: {  	[sflag:s23] =	ssyncset.done $0x0  }
0x1c: {  	[sflag:s23] =	ssyncadd.s32 $0xFFFFE790  }
0x1d: {  	[bflag:$0x0] =	sbarrier.arrive $0xFFFF  }
0x1e: {  	s12 =	rddreg [dreg:$0x5]  }
0x1f: {  	[tilespmem:s3], [sflag:$0x3] =	stream.linear.gather [hbm4b:s12+s3], $0x800, $0x38;
	[tilespmem:$0x16380] =	vst v63  }
0x20: {  	_ =	swait.ge [sflag:s23], $0x800  }
0x21: {  	[sflag:s23] =	ssyncset.done $0x0  }
0x22: {  	s8 =	rddreg [dreg:$0x6];
	[sflag:s23] =	ssyncadd.s32 $0xFFFFF800  }
0x23: {  	[tilespmem:s24], [sflag:$0x3] =	stream.linear.gather [hbm4b:s8+s3], $0x800, $0x38;
	[tilespmem:$0x16380] =	vst v63  }
0x24: {  	_ =	swait.ge [sflag:s23], $0x800  }
0x25: {  	[sflag:s23] =	ssyncset.done $0x0  }
0x26: {  	[sflag:s23] =	ssyncadd.s32 $0xFFFFF800  }
0x27: {  	[tilespmem:s26], [sflag:$0x1] =	stream.indirect.gather [hbm4b:s4+s25], $0x8, s3, s25, $0xb8;
	[tilespmem:$0x16380] =	vst v63  }
0x28: {  	s10 =	rddreg [dreg:$0x7]  }
0x29: {  	[tilespmem:s25], [sflag:$0x2] =	stream.linear.gather [hbm4b:s10+s3], $0x800, $0x38;
	[tilespmem:$0x16380] =	vst v63  }
0x2a: {  	_ = 	snop  }
0x2b: {  	[tilespmem:s28], [sflag:$0x2] =	stream.linear.gather [hbm4b:s13+s3], $0x800, $0x38;
	[tilespmem:$0x16380] =	vst v63  }
0x2c: {  	_ =	swait.ge [sflag:s29], $0x4000  }
0x2d: {  	[sflag:s29] =	ssyncset.done $0x0  }
0x2e: {  	[sflag:s29] =	ssyncadd.s32 $0xFFFFC000  }
0x2f: {  	_ =	swait.ge [sflag:s30], $0x800  }
0x30: {  	[sflag:s30] =	ssyncset.done $0x0  }
0x31: {  	[sflag:s30] =	ssyncadd.s32 $0xFFFFF800  }
0x32: {  	_ =	swait.ge [sflag:s30], $0x800  }
0x33: {  	[sflag:s30] =	ssyncset.done $0x0  }
0x34: {  	[sflag:s30] =	ssyncadd.s32 $0xFFFFF800  }
0x35: {  	[tilespmem:s31], [sflag:$0x1] =	stream.indirect.gather [hbm4b:s4+s25], $0x8, s25, s25, $0xb8;
	[tilespmem:$0x16380] =	vst v63  }
0x36: {  	_ = 	snop  }
0x37: {  	[spmem:s2] =	stream.indirect.scatter.add.f32 [tilespmem:s26], [sflag:$0x3], $0x8, s24, s25, $0xb8;
	[tilespmem:$0x16380] =	vst v63  }
0x38: {  	_ =	swait.ge [sflag:s23], $0x4000  }
0x39: {  	s11 =	sshrl.u32 s20, $0x3;
	[sflag:s23] =	ssyncset.done $0x0  }
0x3a: {  	s8 =	sadd.s32 s5, s11;
	[sflag:s23] =	ssyncadd.s32 $0xFFFFC000  }
0x3b: {  	[tilespmem:s3], [sflag:$0x2] =	stream.linear.gather [hbm4b:s8+s3], $0x800, $0x38;
	[tilespmem:$0x16380] =	vst v63  }
0x3c: {  	s7 =	sadd.s32 s6, s11  }
0x3d: {  	[tilespmem:s24], [sflag:$0x2] =	stream.linear.gather [hbm4b:s7+s3], $0x800, $0x38;
	[tilespmem:$0x16380] =	vst v63  }
0x3e: {  	_ =	swait.ge [sflag:s29], $0x4000  }
0x3f: {  	[sflag:s29] =	ssyncset.done $0x0  }
0x40: {  	[sflag:s29] =	ssyncadd.s32 $0xFFFFC000  }
0x41: {  	_ =	swait.ge [sflag:s30], $0x800  }
0x42: {  	[sflag:s30] =	ssyncset.done $0x0  }
0x43: {  	[sflag:s30] =	ssyncadd.s32 $0xFFFFF800  }
0x44: {  	_ =	swait.ge [sflag:s30], $0x800  }
0x45: {  	[sflag:s30] =	ssyncset.done $0x0  }
0x46: {  	[sflag:s30] =	ssyncadd.s32 $0xFFFFF800  }
0x47: {  	[tilespmem:s26], [sflag:$0x1] =	stream.indirect.gather [hbm4b:s4+s25], $0x8, s3, s25, $0xb8;
	[tilespmem:$0x16380] =	vst v63  }
0x48: {  	_ = 	snop  }
0x49: {  	[spmem:s2] =	stream.indirect.scatter.add.f32 [tilespmem:s31], [sflag:$0x3], $0x8, s28, s25, $0xb8;
	[tilespmem:$0x16380] =	vst v63  }
0x4a: {  	_ =	swait.ge [sflag:s23], $0x4000  }
0x4b: {  	s12 =	sadd.s32 $0x0, s22;
	s10 =	sadd.s32 $0x0, s21;
	[sflag:s23] =	ssyncset.done $0x0  }
0x4c: {  	s8 =	sadd.s32 $0x1000, s20;
	s7 =	simm.s32 $0x200;
	[sflag:s23] =	ssyncadd.s32 $0xFFFFC000  }
0x4d: {  	[tilespmem:s25], [sflag:$0x2] =	stream.linear.gather [hbm4b:s12+s3], $0x800, $0x38;
	[tilespmem:$0x16380] =	vst v63  }
.LBB2_2:
0x4e: {  	[tilespmem:s28], [sflag:$0x2] =	stream.linear.gather [hbm4b:s10+s3], $0x800, $0x38;
	[tilespmem:$0x16380] =	vst v63  }
0x4f: {  	s10 =	smov.u32 s7  }
0x50: {  	p0 =	sne.s32 s7, $0x5C00;
	s7 =	sadd.s32 $0x200, s7;
	_ =	swait.ge [sflag:s29], $0x4000  }
0x51: {  	[sflag:s29] =	ssyncset.done $0x0  }
0x52: {  	[sflag:s29] =	ssyncadd.s32 $0xFFFFC000  }
0x53: {  	_ =	swait.ge [sflag:s30], $0x800  }
0x54: {  	[sflag:s30] =	ssyncset.done $0x0  }
0x55: {  	[sflag:s30] =	ssyncadd.s32 $0xFFFFF800  }
0x56: {  	_ =	swait.ge [sflag:s30], $0x800  }
0x57: {  	[sflag:s30] =	ssyncset.done $0x0  }
0x58: {  	[sflag:s30] =	ssyncadd.s32 $0xFFFFF800  }
0x59: {  	[tilespmem:s31], [sflag:$0x1] =	stream.indirect.gather [hbm4b:s4+s25], $0x8, s25, s25, $0xb8;
	[tilespmem:$0x16380] =	vst v63  }
0x5a: {  	_ = 	snop  }
0x5b: {  	[spmem:s2] =	stream.indirect.scatter.add.f32 [tilespmem:s26], [sflag:$0x3], $0x8, s24, s25, $0xb8;
	[tilespmem:$0x16380] =	vst v63  }
0x5c: {  	_ =	swait.ge [sflag:s23], $0x4000  }
0x5d: {  	s11 =	sshrl.u32 s8, $0x3;
	[sflag:s23] =	ssyncset.done $0x0  }
0x5e: {  	s12 =	sadd.s32 s5, s11;
	[sflag:s23] =	ssyncadd.s32 $0xFFFFC000  }
0x5f: {  	[tilespmem:s3], [sflag:$0x2] =	stream.linear.gather [hbm4b:s12+s3], $0x800, $0x38;
	[tilespmem:$0x16380] =	vst v63  }
0x60: {  	s11 =	sadd.s32 s6, s11  }
0x61: {  	[tilespmem:s24], [sflag:$0x2] =	stream.linear.gather [hbm4b:s11+s3], $0x800, $0x38;
	[tilespmem:$0x16380] =	vst v63  }
0x62: {  	_ =	swait.ge [sflag:s29], $0x4000  }
0x63: {  	[sflag:s29] =	ssyncset.done $0x0  }
0x64: {  	[sflag:s29] =	ssyncadd.s32 $0xFFFFC000  }
0x65: {  	_ =	swait.ge [sflag:s30], $0x800  }
0x66: {  	[sflag:s30] =	ssyncset.done $0x0  }
0x67: {  	[sflag:s30] =	ssyncadd.s32 $0xFFFFF800  }
0x68: {  	_ =	swait.ge [sflag:s30], $0x800  }
0x69: {  	[sflag:s30] =	ssyncset.done $0x0  }
0x6a: {  	[sflag:s30] =	ssyncadd.s32 $0xFFFFF800  }
0x6b: {  	[tilespmem:s26], [sflag:$0x1] =	stream.indirect.gather [hbm4b:s4+s25], $0x8, s3, s25, $0xb8;
	[tilespmem:$0x16380] =	vst v63  }
0x6c: {  	_ = 	snop  }
0x6d: {  	[spmem:s2] =	stream.indirect.scatter.add.f32 [tilespmem:s31], [sflag:$0x3], $0x8, s28, s25, $0xb8;
	[tilespmem:$0x16380] =	vst v63  }
.Ltmp0:
0x6e: {  	_ =	swait.ge [sflag:s23], $0x4000;
	(pc) =	sbr.rel @p0 .LBB2_2-.Ltmp0, $4  }
0x6f: {  	[sflag:s23] =	ssyncset.done $0x0  }
0x70: {  	s11 =	sadd.s32 s10, s22;
	[sflag:s23] =	ssyncadd.s32 $0xFFFFC000  }
0x71: {  	[tilespmem:s25], [sflag:$0x2] =	stream.linear.gather [hbm4b:s11+s3], $0x800, $0x38;
	[tilespmem:$0x16380] =	vst v63  }
0x72: {  	s8 =	sadd.s32 $0x1000, s8;
	s10 =	sadd.s32 s10, s21  }
0x73: {  	[tilespmem:s28], [sflag:$0x2] =	stream.linear.gather [hbm4b:s10+s3], $0x800, $0x38;
	[tilespmem:$0x16380] =	vst v63  }
0x74: {  	_ =	swait.ge [sflag:s29], $0x4000  }
0x75: {  	[sflag:s29] =	ssyncset.done $0x0  }
0x76: {  	[sflag:s29] =	ssyncadd.s32 $0xFFFFC000  }
0x77: {  	_ =	swait.ge [sflag:s30], $0x800  }
0x78: {  	[sflag:s30] =	ssyncset.done $0x0  }
0x79: {  	[sflag:s30] =	ssyncadd.s32 $0xFFFFF800  }
0x7a: {  	_ =	swait.ge [sflag:s30], $0x800  }
0x7b: {  	[sflag:s30] =	ssyncset.done $0x0  }
0x7c: {  	[sflag:s30] =	ssyncadd.s32 $0xFFFFF800  }
0x7d: {  	[tilespmem:s31], [sflag:$0x1] =	stream.indirect.gather [hbm4b:s4+s25], $0x8, s25, s25, $0xb8;
	[tilespmem:$0x16380] =	vst v63  }
0x7e: {  	_ = 	snop  }
0x7f: {  	[spmem:s2] =	stream.indirect.scatter.add.f32 [tilespmem:s26], [sflag:$0x3], $0x8, s24, s25, $0xb8;
	[tilespmem:$0x16380] =	vst v63  }
0x80: {  	_ =	swait.ge [sflag:s23], $0x4000  }
0x81: {  	[sflag:s23] =	ssyncset.done $0x0  }
0x82: {  	[sflag:s23] =	ssyncadd.s32 $0xFFFFC000  }
0x83: {  	[tilespmem:s3], [sflag:$0x2] =	stream.linear.gather [hbm4b:s18+s3], $0x800, $0x38;
	[tilespmem:$0x16380] =	vst v63  }
0x84: {  	_ = 	snop  }
0x85: {  	[tilespmem:s24], [sflag:$0x2] =	stream.linear.gather [hbm4b:s19+s3], $0x800, $0x38;
	[tilespmem:$0x16380] =	vst v63  }
0x86: {  	_ =	swait.ge [sflag:s29], $0x4000  }
0x87: {  	[sflag:s29] =	ssyncset.done $0x0  }
0x88: {  	[sflag:s29] =	ssyncadd.s32 $0xFFFFC000  }
0x89: {  	_ =	swait.ge [sflag:s30], $0x800  }
0x8a: {  	[sflag:s30] =	ssyncset.done $0x0  }
0x8b: {  	[sflag:s30] =	ssyncadd.s32 $0xFFFFF800  }
0x8c: {  	_ =	swait.ge [sflag:s30], $0x800  }
0x8d: {  	[sflag:s30] =	ssyncset.done $0x0  }
0x8e: {  	[sflag:s30] =	ssyncadd.s32 $0xFFFFF800  }
0x8f: {  	[tilespmem:s26], [sflag:$0x1] =	stream.indirect.gather [hbm4b:s4+s25], $0x8, s3, s25, $0xb8;
	[tilespmem:$0x16380] =	vst v63  }
0x90: {  	_ = 	snop  }
0x91: {  	[spmem:s2] =	stream.indirect.scatter.add.f32 [tilespmem:s31], [sflag:$0x3], $0x8, s28, s25, $0xb8;
	[tilespmem:$0x16380] =	vst v63  }
0x92: {  	_ =	swait.ge [sflag:s23], $0x4000  }
0x93: {  	[sflag:s23] =	ssyncset.done $0x0  }
0x94: {  	[sflag:s23] =	ssyncadd.s32 $0xFFFFC000  }
0x95: {  	[tilespmem:s25], [sflag:$0x2] =	stream.linear.gather [hbm4b:s16+s3], $0x800, $0x38;
	[tilespmem:$0x16380] =	vst v63  }
0x96: {  	_ = 	snop  }
0x97: {  	[tilespmem:s28], [sflag:$0x2] =	stream.linear.gather [hbm4b:s17+s3], $0x800, $0x38;
	[tilespmem:$0x16380] =	vst v63  }
0x98: {  	_ =	swait.ge [sflag:s29], $0x4000  }
0x99: {  	[sflag:s29] =	ssyncset.done $0x0  }
0x9a: {  	[sflag:s29] =	ssyncadd.s32 $0xFFFFC000  }
0x9b: {  	_ =	swait.ge [sflag:s30], $0x800  }
0x9c: {  	[sflag:s30] =	ssyncset.done $0x0  }
0x9d: {  	[sflag:s30] =	ssyncadd.s32 $0xFFFFF800  }
0x9e: {  	_ =	swait.ge [sflag:s30], $0x800  }
0x9f: {  	[sflag:s30] =	ssyncset.done $0x0  }
0xa0: {  	[sflag:s30] =	ssyncadd.s32 $0xFFFFF800  }
0xa1: {  	[tilespmem:s31], [sflag:$0x1] =	stream.indirect.gather [hbm4b:s4+s25], $0x8, s25, s25, $0xb8;
	[tilespmem:$0x16380] =	vst v63  }
0xa2: {  	_ = 	snop  }
0xa3: {  	[spmem:s2] =	stream.indirect.scatter.add.f32 [tilespmem:s26], [sflag:$0x3], $0x8, s24, s25, $0xb8;
	[tilespmem:$0x16380] =	vst v63  }
0xa4: {  	_ =	swait.ge [sflag:s23], $0x4000  }
0xa5: {  	[sflag:s23] =	ssyncset.done $0x0  }
0xa6: {  	[sflag:s23] =	ssyncadd.s32 $0xFFFFC000  }
0xa7: {  	[tilespmem:s3], [sflag:$0x2] =	stream.linear.gather [hbm4b:s16+s3], $0x800, $0x38;
	[tilespmem:$0x16380] =	vst v63  }
0xa8: {  	_ = 	snop  }
0xa9: {  	[tilespmem:s24], [sflag:$0x2] =	stream.linear.gather [hbm4b:s17+s3], $0x800, $0x38;
	[tilespmem:$0x16380] =	vst v63  }
0xaa: {  	_ =	swait.ge [sflag:s29], $0x4000  }
0xab: {  	[sflag:s29] =	ssyncset.done $0x0  }
0xac: {  	[sflag:s29] =	ssyncadd.s32 $0xFFFFC000  }
0xad: {  	_ =	swait.ge [sflag:s30], $0x800  }
0xae: {  	[sflag:s30] =	ssyncset.done $0x0  }
0xaf: {  	[sflag:s30] =	ssyncadd.s32 $0xFFFFF800  }
0xb0: {  	_ =	swait.ge [sflag:s30], $0x800  }
0xb1: {  	[sflag:s30] =	ssyncset.done $0x0  }
0xb2: {  	[sflag:s30] =	ssyncadd.s32 $0xFFFFF800  }
0xb3: {  	[tilespmem:s26], [sflag:$0x1] =	stream.indirect.gather [hbm4b:s4+s25], $0x8, s3, s25, $0xb8;
	[tilespmem:$0x16380] =	vst v63  }
0xb4: {  	_ = 	snop  }
0xb5: {  	[spmem:s2] =	stream.indirect.scatter.add.f32 [tilespmem:s31], [sflag:$0x3], $0x8, s28, s25, $0xb8;
	[tilespmem:$0x16380] =	vst v63  }
0xb6: {  	_ =	swait.ge [sflag:s23], $0x4000  }
0xb7: {  	[sflag:s23] =	ssyncset.done $0x0  }
0xb8: {  	[sflag:s23] =	ssyncadd.s32 $0xFFFFC000  }
0xb9: {  	[tilespmem:s25], [sflag:$0x2] =	stream.linear.gather [hbm4b:s16+s3], $0x800, $0x38;
	[tilespmem:$0x16380] =	vst v63  }
0xba: {  	_ = 	snop  }
0xbb: {  	[tilespmem:s28], [sflag:$0x2] =	stream.linear.gather [hbm4b:s17+s3], $0x800, $0x38;
	[tilespmem:$0x16380] =	vst v63  }
0xbc: {  	_ =	swait.ge [sflag:s29], $0x4000  }
0xbd: {  	[sflag:s29] =	ssyncset.done $0x0  }
0xbe: {  	[sflag:s29] =	ssyncadd.s32 $0xFFFFC000  }
0xbf: {  	_ =	swait.ge [sflag:s30], $0x800  }
0xc0: {  	[sflag:s30] =	ssyncset.done $0x0  }
0xc1: {  	[sflag:s30] =	ssyncadd.s32 $0xFFFFF800  }
0xc2: {  	_ =	swait.ge [sflag:s30], $0x800  }
0xc3: {  	s0 =	sadd.s32 $0x1, s0;
	[sflag:s30] =	ssyncset.done $0x0  }
0xc4: {  	p0 =	sne.s32 s0, s15;
	[sflag:s30] =	ssyncadd.s32 $0xFFFFF800  }
.Ltmp1:
0xc5: {  	[bflag:$0x0] =	sbarrier.arrive $0xFFFF;
	(pc) =	sbr.rel @p0 .LBB2_1-.Ltmp1, $4  }
0xc6: {  	[hbm:s14], [sflag:s9] =	dma.local [spmem:s1], $0x1870  }
0xc7: {  	_ =	swait.ge [sflag:s23], $0x1870  }
0xc8: {  	[sflag:s23] =	ssyncset.done $0x0  }
0xc9: {  	[sflag:s23] =	ssyncadd.s32 $0xFFFFE790  }
0xca: {  	_ =	sfence.sel $0x180000  }
0xcb: {  	[bflag:$0x0] =	sbarrier.arrive $0xFFFF  }
0xcc: {  	_ =	strace $0x9000004A  }
0xcd: {  	s0 =	stileid.u32;
	[bflag:$0x2] =	sbarrier.arrive $0xFFFF  }
0xce: {  	p0 =	sne.s32 s0, $0x0;
	s0 =	rddreg [dreg:$0x2]  }
0xcf: {  	s0 =	sadd.s32 @!p0 $0x100000, s0  }
0xd0: {  	[sflag:s0] =	ssyncadd.tile.s32 @!p0 $0x1;
	_ =	shalt  }
.Lfunc_end2:
_tile_overlayer_lowered:
.L_overlay_start_2:
0xd1: {  	(tag) =	ssettag $0x2  }
0xd2: {  	s0 =	rddreg [dreg:$0x0];
	s2 =	stileid.u32  }
0xd3: {  	s1 =	rddreg [dreg:$0x1];
	p0 =	sne.s32 s2, $0x0  }
0xd4: {  	s3 =	rddreg [dreg:$0x2];
	[bflag:$0x3] =	sbarrier.arrive $0xFFFF;
	s2 =	simm.s32 @!p0 $0x1C03  }
0xd5: {  	[timem:s3], [sflag:s2] =	dma.local @!p0 [hbm:s0], s1  }
0xd6: {  	s0 =	simm.s32 @!p0 $0x3  }
0xd7: {  	_ =	swait.ge @!p0 [sflag:s0], s1  }
0xd8: {  	s1 =	ssub.s32 @!p0 $0x0, s1;
	[sflag:s0] =	ssyncset.done @!p0 $0x0  }
0xd9: {  	[sflag:s0] =	ssyncadd.s32 @!p0 s1  }
0xda: {  	[bflag:$0x3] =	sbarrier.arrive $0xFFFF  }
0xdb: {  	_ =	shalt  }

// kernel: kernel.14.cloned.1.call-start
scs
__scs_entry_jumppad:
0x0: {  	(pc) =	sbr.rel $0x88, $3  }
0x1: {  	(tag) =	ssettag $0x0;
	lr =	simm.s32 $0x1  }
0x2: {  	[smem:$0x3F94] =	sst lr;
	_ =	strace $0xD0000000  }
0x3: {  	_ = 	snop  }
0x4: {  	_ = 	snop  }
0x5: {  	_ = 	snop  }
0x6: {  	_ = 	snop  }
0x7: {  	_ = 	snop  }
__scs_overlays_trampoline_lowered:
0x8: {  	[smem:$0x3FA3] =	sst s0  }
0x9: {  	[smem:$0x3FA4] =	sst s1  }
0xa: {  	[smem:$0x3FA5] =	sst s2  }
0xb: {  	[smem:$0x3FA6] =	sst s3  }
0xc: {  	[smem:$0x3FA7] =	sst s4  }
0xd: {  	[smem:$0x3FA8] =	sst s5  }
0xe: {  	[smem:$0x3FA9] =	sst s6  }
0xf: {  	[smem:$0x3FAA] =	sst s7  }
0x10: {  	[smem:$0x3FAB] =	sst s8  }
0x11: {  	[smem:$0x3FAC] =	sst s9;
	s0 =	simm.s32 @!p0 $0x0  }
0x12: {  	s1 =	sld [smem:$0x3F92];
	s0 =	simm.s32 @p0 $0x1  }
0x13: {  	[smem:$0x3FAD] =	sst s0;
	s0 =	simm.s32 @!p1 $0x0  }
0x14: {  	s2 =	sld [smem:$0x3F91];
	s0 =	simm.s32 @p1 $0x1  }
0x15: {  	[smem:$0x3FAE] =	sst s0;
	s0 =	simm.s32 @!p2 $0x0  }
0x16: {  	s3 =	sld [smem:$0x3FDB];
	s0 =	simm.s32 @p2 $0x1  }
0x17: {  	s4 =	simm.s32 $0x1BF5;
	[smem:$0x3FB0] =	sst s0  }
0x18: {  	s0 =	sld [smem:$0x3F93];
	_ =	swait.ge [sflag:s4], $0x0  }
0x19: {  	s7 =	sld [smem:$0x3F94]  }
0x1a: {  	s8 =	sadd.s32 $0xFFFFE003, lr  }
0x1b: {  	s9 =	sadd.s32 $0xFFFFFEF7, lr;
	s5 =	simm.s32 $0xFFFFFFFF;
	p2 =	slt.u32 s8, $0xFFFFF086  }
0x1c: {  	p1 =	slt.u32 s9, $0xF7A;
	s5 =	simm.s32 @!p2 $0x0  }
0x1d: {  	s5 =	simm.s32 @p1 $0x1;
	p0 =	seq.s32 s7, s2  }
0x1e: {  	s7 =	smul.u32 @!p0 $0xF7A, s2;
	p2 =	seq.s32 @!p0 s5, $0x0  }
0x1f: {  	s9 =	smul.u32 $0xF7A, s1;
	s8 =	simm.s32 @!p0 $0x1BF5;
	p2 =	por !p2, p0  }
0x20: {  	[sflag:s8] =	ssyncset.s32 @!p0 $0xFFFFF086;
	s6 =	sadd.s32 @!p0 s3, s7;
	s7 =	simm.s32 @!p0 $0x108  }
0x21: {  	s3 =	sadd.s32 s3, s9;
	s6 =	sadd.s32 @!p0 $0x88, s6;
	s7 =	simm.s32 @p2 $0x1082  }
0x22: {  	[simem:s7], [sflag:s8] =	dma.local @!p0 [hbm:s6], $0xF7A  }
0x23: {  	s9 =	sor.u32 $0xD0000000, s2;
	s6 =	simm.s32 $0x108;
	_ =	swait.ge @!p0 [sflag:s8], $0x0  }
0x24: {  	s3 =	sadd.s32 $0x88, s3;
	s6 =	simm.s32 @!p1 $0x1082;
	[sflag:s4] =	ssyncset.s32 $0xFFFFF086  }
0x25: {  	[simem:s6], [sflag:s4] =	dma.local [hbm:s3], $0xF7A  }
0x26: {  	[smem:$0x3F94] =	sst s1;
	(tag) =	ssettag s2;
	_ =	strace s9  }
0x27: {  	s1 =	sld [smem:$0x3FA4]  }
0x28: {  	s2 =	sld [smem:$0x3FA5]  }
0x29: {  	s4 =	sld [smem:$0x3FA7]  }
0x2a: {  	p0 =	seq.s32 s5, $0x0;
	s5 =	sld [smem:$0x3FA8]  }
0x2b: {  	s6 =	sld [smem:$0x3FA9]  }
0x2c: {  	s7 =	sld [smem:$0x3FAA]  }
0x2d: {  	s3 =	simm.s32 $0x108;
	s8 =	sld [smem:$0x3FAB]  }
0x2e: {  	s3 =	simm.s32 @!p0 $0x1082;
	s9 =	sld [smem:$0x3FAC]  }
0x2f: {  	lr =	sadd.s32 s0, s3;
	s0 =	sld [smem:$0x3FA3]  }
0x30: {  	s3 =	sld [smem:$0x3FA6]  }
0x31: {  	[smem:$0x3FAF] =	sst s10  }
0x32: {  	s10 =	sld [smem:$0x3FAD];
	_ =	sdelay $0x3  }
0x33: {  	p0 =	seq.s32 s10, $0x1;
	s10 =	sld [smem:$0x3FAF];
	_ =	sdelay $0x3  }
0x34: {  	[smem:$0x3FAF] =	sst s10  }
0x35: {  	s10 =	sld [smem:$0x3FAE];
	_ =	sdelay $0x3  }
0x36: {  	p1 =	seq.s32 s10, $0x1;
	s10 =	sld [smem:$0x3FAF];
	_ =	sdelay $0x3  }
0x37: {  	[smem:$0x3FAF] =	sst s10  }
0x38: {  	s10 =	sld [smem:$0x3FB0]  }
0x39: {  	_ = 	snop;
	(pc) =	sbr.ind lr, $3  }
0x3a: {  	_ = 	snop  }
0x3b: {  	_ = 	snop  }
0x3c: {  	p2 =	seq.s32 s10, $0x1;
	s10 =	sld [smem:$0x3FAF]  }
0x3d: {  	_ =	shalt  }
0x3e: {  	_ =	shalt  }
0x3f: {  	_ =	shalt  }
0x40: {  	_ =	shalt  }
0x41: {  	_ =	shalt  }
0x42: {  	_ =	shalt  }
0x43: {  	_ =	shalt  }
0x44: {  	_ =	shalt  }
0x45: {  	_ =	shalt  }
0x46: {  	_ =	shalt  }
0x47: {  	_ =	shalt  }
0x48: {  	_ =	shalt  }
0x49: {  	_ =	shalt  }
0x4a: {  	_ =	shalt  }
0x4b: {  	_ =	shalt  }
0x4c: {  	_ =	shalt  }
0x4d: {  	_ =	shalt  }
0x4e: {  	_ =	shalt  }
0x4f: {  	_ =	shalt  }
0x50: {  	_ =	shalt  }
0x51: {  	_ =	shalt  }
0x52: {  	_ =	shalt  }
0x53: {  	_ =	shalt  }
0x54: {  	_ =	shalt  }
0x55: {  	_ =	shalt  }
0x56: {  	_ =	shalt  }
0x57: {  	_ =	shalt  }
0x58: {  	_ =	shalt  }
0x59: {  	_ =	shalt  }
0x5a: {  	_ =	shalt  }
0x5b: {  	_ =	shalt  }
0x5c: {  	_ =	shalt  }
0x5d: {  	_ =	shalt  }
0x5e: {  	_ =	shalt  }
0x5f: {  	_ =	shalt  }
0x60: {  	_ =	shalt  }
0x61: {  	_ =	shalt  }
0x62: {  	_ =	shalt  }
0x63: {  	_ =	shalt  }
0x64: {  	_ =	shalt  }
0x65: {  	_ =	shalt  }
0x66: {  	_ =	shalt  }
0x67: {  	_ =	shalt  }
0x68: {  	_ =	shalt  }
0x69: {  	_ =	shalt  }
0x6a: {  	_ =	shalt  }
0x6b: {  	_ =	shalt  }
0x6c: {  	_ =	shalt  }
0x6d: {  	_ =	shalt  }
0x6e: {  	_ =	shalt  }
0x6f: {  	_ =	shalt  }
0x70: {  	_ =	shalt  }
0x71: {  	_ =	shalt  }
0x72: {  	_ =	shalt  }
0x73: {  	_ =	shalt  }
0x74: {  	_ =	shalt  }
0x75: {  	_ =	shalt  }
0x76: {  	_ =	shalt  }
0x77: {  	_ =	shalt  }
0x78: {  	_ =	shalt  }
0x79: {  	_ =	shalt  }
0x7a: {  	_ =	shalt  }
0x7b: {  	_ =	shalt  }
0x7c: {  	_ =	shalt  }
0x7d: {  	_ =	shalt  }
0x7e: {  	_ =	shalt  }
0x7f: {  	_ =	shalt  }
0x80: {  	_ =	shalt  }
0x81: {  	_ =	shalt  }
0x82: {  	_ =	shalt  }
0x83: {  	_ =	shalt  }
0x84: {  	_ =	shalt  }
0x85: {  	_ =	shalt  }
0x86: {  	_ =	shalt  }
0x87: {  	_ =	shalt  }
.Lfunc_end0:
.L_simem_size_0:
called_computation.2_lowered:
.L_overlay_start_0:
0x88: {  	s2 =	sld [smem:$0x3FD9]  }
0x89: {  	s3 =	sld [smem:$0x3FFE];
	_ =	sdelay $0x1  }
0x8a: {  	s1 =	srdreg.scid  }
0x8b: {  	s0 =	sand.u32 $0x1, s1  }
0x8c: {  	s16 =	sshll.u32 s0, $0xA;
	s2 =	sadd.s32 s3, s2  }
0x8d: {  	s2 =	sadd.s32 s2, s16  }
0x8e: {  	[smem:$0x3FBB] =	sst s2  }
0x8f: {  	_ = 	snop  }
0x90: {  	(tm) =	ssettm $0x1  }
0x91: {  	s17 =	sld [smem:$0x3FFB];
	_ =	sdelay $0x3  }
0x92: {  	_ =	strace s17  }
0x93: {  	s2 =	sld [smem:$0x3FFC];
	_ =	sdelay $0x3  }
0x94: {  	_ =	strace s2  }
0x95: {  	s2 =	sld [smem:$0x3FFD];
	_ =	sdelay $0x3  }
0x96: {  	_ =	strace s2  }
0x97: {  	_ =	strace $0x8FFFFFFF  }
0x98: {  	s18 =	sld [smem:$0x3FDB];
	_ =	sdelay $0x1  }
0x99: {  	s19 =	simm.s32 $_scs_section_size  }
0x9a: {  	s4 =	simm.s32 $_size__tile_overlayer_lowered;
	s5 =	simm.s32 $_tile_overlayer_lowered  }
0x9b: {  	s22 =	simm.s32 $0x1BFF;
	s21 =	sshll.u32 s5, $0x1;
	s2 =	sadd.s32 s19, s18  }
0x9c: {  	s6 =	simm.s32 $0x0;
	s20 =	sshll.u32 s4, $0x1;
	s4 =	sadd.s32 s21, s2  }
0x9d: {  	[timem:s6], [sflag:s22] =	dma.local [hbm:s4], s20  }
0x9e: {  	_ =	swait.ge [sflag:s22], s20  }
0x9f: {  	s3 =	ssub.s32 $0x0, s20;
	[sflag:s22] =	ssyncset.done $0x0  }
0xa0: {  	[sflag:s22] =	ssyncadd.s32 s3;
	_ =	sdelay $0x1  }
0xa1: {  	s23 =	simm.s32 $0x1B8B  }
0xa2: {  	_ =	swait.ge [sflag:s23], $0x1  }
0xa3: {  	[sflag:s23] =	ssyncset.done $0x0  }
0xa4: {  	s25 =	simm.s32 $0x1B8E;
	s24 =	sld [smem:$0x3FFE];
	[sflag:s23] =	ssyncadd.s32 $0xFFFFFFFF  }
0xa5: {  	s26 =	simm.s32 $execute0_lowered;
	[smem:$0x3FD2] =	sst s25  }
0xa6: {  	s4 =	sshll.u32 s26, $0x1;
	_ =	strace $0x8000004C;
	[dreg:$0x1] =	wrdreg $0xFFFFFFFF  }
0xa7: {  	s28 =	simm.s32 $_size_execute0_lowered;
	s2 =	sadd.s32 s2, s4;
	[dreg:$0x0] =	wrdreg $0x0  }
0xa8: {  	s4 =	sshll.u32 s28, $0x1;
	[dreg:$0x2] =	wrdreg s2  }
0xa9: {  	[dreg:$0x3] =	wrdreg s4  }
0xaa: {  	[dreg:$0x4] =	wrdreg $0xC0  }
0xab: {  	_ =	task [dreg:s6], $0x5FFFF  }
0xac: {  	[dreg:$0x1] =	wrdreg $0xFFFFFFFF  }
0xad: {  	[dreg:$0x0] =	wrdreg $0x60  }
0xae: {  	[dreg:$0x2] =	wrdreg s24  }
0xaf: {  	[dreg:$0x3] =	wrdreg $0xA0000  }
0xb0: {  	[dreg:$0x4] =	wrdreg $0x9  }
0xb1: {  	_ =	task.clear_ibuf [dreg:s6], $0x5FFFF;
	_ =	strace $0x9000004C  }
0xb2: {  	s29 =	simm.s32 $0x9;
	_ =	strace $0x8000004E  }
0xb3: {  	_ =	swait.ge [sflag:s29], $0x1  }
0xb4: {  	[sflag:s29] =	ssyncadd.s32 $0xFFFFFFFF  }
0xb5: {  	_ =	strace $0x9000004E  }
0xb6: {  	_ =	sfence  }
0xb7: {  	s30 =	sld [smem:$0x0];
	_ =	sdelay $0x2  }
0xb8: {  	s31 =	sshll.u32 s1, $0xD;
	s1 =	sshrl.u32 s1, $0x2  }
0xb9: {  	s3 =	sand.u32 $0x4000, s31;
	s1 =	sadd.s32 s1, s30  }
0xba: {  	s0 =	sor.u32 s3, s0;
	s1 =	sshll.u32 s1, $0x11  }
0xbb: {  	s0 =	sor.u32 s1, s0  }
0xbc: {  	s0 =	sadd.s32 $0x8F2B, s0  }
0xbd: {  	[sflag:s0] =	ssyncadd.remote.s32 $0x1  }
0xbe: {  	_ =	sfence.sel $0xFFFF  }
0xbf: {  	[dreg:$0x0] =	wrdreg $0xFFFFFFFF;
	(pc) =	sbr.abs _section_cstart, $3  }
0xc0: {  	[dreg:$0x1] =	wrdreg $0xFFFFFFFF  }
0xc1: {  	_ =	task.clear_ibuf [dreg:s6], $0x2FFFF;
	_ =	strace $0x9FFFFFFF  }
0xc2: {  	(tm) =	ssettm $0x7FFFFFFF  }
0xc3: {  	_ =	shalt  }
tec
execute0_lowered:
.L_overlay_start_1:
0x0: {  	(tag) =	ssettag $0x1  }
0x1: {  	s0 =	rddreg [dreg:$0x0]  }
0x2: {  	s2 =	rddreg [dreg:$0x1];
	s3 =	simm.s32 $0x0;
	s12 =	stileid.u32  }
0x3: {  	s1 =	srdreg.scid;
	s28 =	simm.s32 $0x1800;
	s29 =	simm.s32 $0x1  }
0x4: {  	s30 =	simm.s32 $0x2;
	s31 =	simm.s32 $0x6000;
	[smem:$0x7FF] =	sst s3  }
0x5: {  	s7 =	smul.u32 $0xC380, s12;
	s1 =	sand.u32 $0x1, s1;
	s4 =	sadd.s32 $0x3A00, s0  }
0x6: {  	s5 =	sadd.s32 $0x1C200, s0;
	s6 =	sadd.s32 $0x311400, s0;
	s10 =	sshll.u32 s12, $0x1  }
0x7: {  	s18 =	sshll.u32 s12, $0x6;
	_ =	strace $0x8000004D;
	s8 =	smul.u32 $0xC3800, s1  }
0x8: {  	s11 =	ssub.s32 $0x2, s1;
	s10 =	sor.u32 s1, s10;
	s1 =	smul.u32 $0x31000, s1  }
0x9: {  	s9 =	sshrl.u32 s7, $0x3;
	s17 =	sshrl.u32 s11, $0x1;
	s10 =	smul.u32 $0x31000, s10  }
0xa: {  	s9 =	sadd.s32 s9, s0;
	s8 =	sadd.s32 s7, s8;
	s7 =	sadd.s32 s7, s2  }
0xb: {  	s8 =	sshrl.u32 s8, $0x3;
	[dreg:$0x3] =	wrdreg s7;
	s9 =	sadd.s32 $0xE0200, s9  }
0xc: {  	s19 =	sshrl.u32 s10, $0x3;
	s0 =	sadd.s32 s8, s0;
	s8 =	ssub.s32 s11, s17  }
0xd: {  	[dreg:$0x4] =	wrdreg s9;
	s9 =	sor.u32 $0x1C03, s18;
	s10 =	sadd.s32 s5, s19  }
0xe: {  	s20 =	sor.u32 $0x100, s19;
	s17 =	smul.u32 $0x62000, s12;
	s21 =	sadd.s32 s6, s19  }
0xf: {  	s23 =	sadd.s32 $0x6100, s19;
	s24 =	sadd.s32 $0x6000, s19;
	[dreg:$0x5] =	wrdreg s10  }
0x10: {  	[dreg:$0x6] =	wrdreg s21;
	s22 =	sadd.s32 s5, s20;
	s13 =	sadd.s32 s6, s20  }
0x11: {  	s14 =	sadd.s32 $0xF8A00, s0;
	s15 =	smax.u32 s8, $0x1;
	s16 =	sadd.s32 s5, s23  }
0x12: {  	s18 =	sadd.s32 s5, s24;
	s19 =	sadd.s32 s6, s24;
	s24 =	simm.s32 $0x1000  }
0x13: {  	s0 =	simm.s32 $0x0;
	[dreg:$0x7] =	wrdreg s22;
	s1 =	sadd.s32 s1, s17  }
0x14: {  	s17 =	sadd.s32 s6, s23;
	s23 =	simm.s32 $0x3;
	s25 =	sadd.s32 $0x1800, s1  }
0x15: {  	s20 =	sadd.s32 $0x1000, s1;
	s26 =	sshrl.u32 s25, $0x3;
	s25 =	simm.s32 $0x800  }
0x16: {  	s21 =	sadd.s32 s26, s6;
	s22 =	sadd.s32 s26, s5;
	s26 =	simm.s32 $0x2000  }
.LBB2_1:
0x17: {  	s1 =	rddreg [dreg:$0x3]  }
0x18: {  	s7 =	rddreg [dreg:$0x4];
	s1 =	sshrl.u32 s1, $0x3  }
0x19: {  	[spmem:s1], [sflag:s9] =	dma.local [hbm:s7], $0x1870  }
0x1a: {  	_ =	swait.ge [sflag:s23], $0x1870  }
0x1b: {  	[sflag:s23] =	ssyncset.done $0x0  }
0x1c: {  	[sflag:s23] =	ssyncadd.s32 $0xFFFFE790  }
0x1d: {  	[bflag:$0x0] =	sbarrier.arrive $0xFFFF  }
0x1e: {  	s12 =	rddreg [dreg:$0x5]  }
0x1f: {  	[tilespmem:s3], [sflag:$0x3] =	stream.linear.gather [hbm4b:s12+s3], $0x800, $0x38;
	[tilespmem:$0x16380] =	vst v63  }
0x20: {  	_ =	swait.ge [sflag:s23], $0x800  }
0x21: {  	[sflag:s23] =	ssyncset.done $0x0  }
0x22: {  	s8 =	rddreg [dreg:$0x6];
	[sflag:s23] =	ssyncadd.s32 $0xFFFFF800  }
0x23: {  	[tilespmem:s24], [sflag:$0x3] =	stream.linear.gather [hbm4b:s8+s3], $0x800, $0x38;
	[tilespmem:$0x16380] =	vst v63  }
0x24: {  	_ =	swait.ge [sflag:s23], $0x800  }
0x25: {  	[sflag:s23] =	ssyncset.done $0x0  }
0x26: {  	[sflag:s23] =	ssyncadd.s32 $0xFFFFF800  }
0x27: {  	[tilespmem:s26], [sflag:$0x1] =	stream.indirect.gather [hbm4b:s4+s25], $0x8, s3, s25, $0xb8;
	[tilespmem:$0x16380] =	vst v63  }
0x28: {  	s10 =	rddreg [dreg:$0x7]  }
0x29: {  	[tilespmem:s25], [sflag:$0x2] =	stream.linear.gather [hbm4b:s10+s3], $0x800, $0x38;
	[tilespmem:$0x16380] =	vst v63  }
0x2a: {  	_ = 	snop  }
0x2b: {  	[tilespmem:s28], [sflag:$0x2] =	stream.linear.gather [hbm4b:s13+s3], $0x800, $0x38;
	[tilespmem:$0x16380] =	vst v63  }
0x2c: {  	_ =	swait.ge [sflag:s29], $0x4000  }
0x2d: {  	[sflag:s29] =	ssyncset.done $0x0  }
0x2e: {  	[sflag:s29] =	ssyncadd.s32 $0xFFFFC000  }
0x2f: {  	_ =	swait.ge [sflag:s30], $0x800  }
0x30: {  	[sflag:s30] =	ssyncset.done $0x0  }
0x31: {  	[sflag:s30] =	ssyncadd.s32 $0xFFFFF800  }
0x32: {  	_ =	swait.ge [sflag:s30], $0x800  }
0x33: {  	[sflag:s30] =	ssyncset.done $0x0  }
0x34: {  	[sflag:s30] =	ssyncadd.s32 $0xFFFFF800  }
0x35: {  	[tilespmem:s31], [sflag:$0x1] =	stream.indirect.gather [hbm4b:s4+s25], $0x8, s25, s25, $0xb8;
	[tilespmem:$0x16380] =	vst v63  }
0x36: {  	_ = 	snop  }
0x37: {  	[spmem:s2] =	stream.indirect.scatter.add.f32 [tilespmem:s26], [sflag:$0x3], $0x8, s24, s25, $0xb8;
	[tilespmem:$0x16380] =	vst v63  }
0x38: {  	_ =	swait.ge [sflag:s23], $0x4000  }
0x39: {  	s11 =	sshrl.u32 s20, $0x3;
	[sflag:s23] =	ssyncset.done $0x0  }
0x3a: {  	s8 =	sadd.s32 s5, s11;
	[sflag:s23] =	ssyncadd.s32 $0xFFFFC000  }
0x3b: {  	[tilespmem:s3], [sflag:$0x2] =	stream.linear.gather [hbm4b:s8+s3], $0x800, $0x38;
	[tilespmem:$0x16380] =	vst v63  }
0x3c: {  	s7 =	sadd.s32 s6, s11  }
0x3d: {  	[tilespmem:s24], [sflag:$0x2] =	stream.linear.gather [hbm4b:s7+s3], $0x800, $0x38;
	[tilespmem:$0x16380] =	vst v63  }
0x3e: {  	_ =	swait.ge [sflag:s29], $0x4000  }
0x3f: {  	[sflag:s29] =	ssyncset.done $0x0  }
0x40: {  	[sflag:s29] =	ssyncadd.s32 $0xFFFFC000  }
0x41: {  	_ =	swait.ge [sflag:s30], $0x800  }
0x42: {  	[sflag:s30] =	ssyncset.done $0x0  }
0x43: {  	[sflag:s30] =	ssyncadd.s32 $0xFFFFF800  }
0x44: {  	_ =	swait.ge [sflag:s30], $0x800  }
0x45: {  	[sflag:s30] =	ssyncset.done $0x0  }
0x46: {  	[sflag:s30] =	ssyncadd.s32 $0xFFFFF800  }
0x47: {  	[tilespmem:s26], [sflag:$0x1] =	stream.indirect.gather [hbm4b:s4+s25], $0x8, s3, s25, $0xb8;
	[tilespmem:$0x16380] =	vst v63  }
0x48: {  	_ = 	snop  }
0x49: {  	[spmem:s2] =	stream.indirect.scatter.add.f32 [tilespmem:s31], [sflag:$0x3], $0x8, s28, s25, $0xb8;
	[tilespmem:$0x16380] =	vst v63  }
0x4a: {  	_ =	swait.ge [sflag:s23], $0x4000  }
0x4b: {  	s12 =	sadd.s32 $0x0, s22;
	s10 =	sadd.s32 $0x0, s21;
	[sflag:s23] =	ssyncset.done $0x0  }
0x4c: {  	s8 =	sadd.s32 $0x1000, s20;
	s7 =	simm.s32 $0x200;
	[sflag:s23] =	ssyncadd.s32 $0xFFFFC000  }
0x4d: {  	[tilespmem:s25], [sflag:$0x2] =	stream.linear.gather [hbm4b:s12+s3], $0x800, $0x38;
	[tilespmem:$0x16380] =	vst v63  }
.LBB2_2:
0x4e: {  	[tilespmem:s28], [sflag:$0x2] =	stream.linear.gather [hbm4b:s10+s3], $0x800, $0x38;
	[tilespmem:$0x16380] =	vst v63  }
0x4f: {  	s10 =	smov.u32 s7  }
0x50: {  	p0 =	sne.s32 s7, $0x5C00;
	s7 =	sadd.s32 $0x200, s7;
	_ =	swait.ge [sflag:s29], $0x4000  }
0x51: {  	[sflag:s29] =	ssyncset.done $0x0  }
0x52: {  	[sflag:s29] =	ssyncadd.s32 $0xFFFFC000  }
0x53: {  	_ =	swait.ge [sflag:s30], $0x800  }
0x54: {  	[sflag:s30] =	ssyncset.done $0x0  }
0x55: {  	[sflag:s30] =	ssyncadd.s32 $0xFFFFF800  }
0x56: {  	_ =	swait.ge [sflag:s30], $0x800  }
0x57: {  	[sflag:s30] =	ssyncset.done $0x0  }
0x58: {  	[sflag:s30] =	ssyncadd.s32 $0xFFFFF800  }
0x59: {  	[tilespmem:s31], [sflag:$0x1] =	stream.indirect.gather [hbm4b:s4+s25], $0x8, s25, s25, $0xb8;
	[tilespmem:$0x16380] =	vst v63  }
0x5a: {  	_ = 	snop  }
0x5b: {  	[spmem:s2] =	stream.indirect.scatter.add.f32 [tilespmem:s26], [sflag:$0x3], $0x8, s24, s25, $0xb8;
	[tilespmem:$0x16380] =	vst v63  }
0x5c: {  	_ =	swait.ge [sflag:s23], $0x4000  }
0x5d: {  	s11 =	sshrl.u32 s8, $0x3;
	[sflag:s23] =	ssyncset.done $0x0  }
0x5e: {  	s12 =	sadd.s32 s5, s11;
	[sflag:s23] =	ssyncadd.s32 $0xFFFFC000  }
0x5f: {  	[tilespmem:s3], [sflag:$0x2] =	stream.linear.gather [hbm4b:s12+s3], $0x800, $0x38;
	[tilespmem:$0x16380] =	vst v63  }
0x60: {  	s11 =	sadd.s32 s6, s11  }
0x61: {  	[tilespmem:s24], [sflag:$0x2] =	stream.linear.gather [hbm4b:s11+s3], $0x800, $0x38;
	[tilespmem:$0x16380] =	vst v63  }
0x62: {  	_ =	swait.ge [sflag:s29], $0x4000  }
0x63: {  	[sflag:s29] =	ssyncset.done $0x0  }
0x64: {  	[sflag:s29] =	ssyncadd.s32 $0xFFFFC000  }
0x65: {  	_ =	swait.ge [sflag:s30], $0x800  }
0x66: {  	[sflag:s30] =	ssyncset.done $0x0  }
0x67: {  	[sflag:s30] =	ssyncadd.s32 $0xFFFFF800  }
0x68: {  	_ =	swait.ge [sflag:s30], $0x800  }
0x69: {  	[sflag:s30] =	ssyncset.done $0x0  }
0x6a: {  	[sflag:s30] =	ssyncadd.s32 $0xFFFFF800  }
0x6b: {  	[tilespmem:s26], [sflag:$0x1] =	stream.indirect.gather [hbm4b:s4+s25], $0x8, s3, s25, $0xb8;
	[tilespmem:$0x16380] =	vst v63  }
0x6c: {  	_ = 	snop  }
0x6d: {  	[spmem:s2] =	stream.indirect.scatter.add.f32 [tilespmem:s31], [sflag:$0x3], $0x8, s28, s25, $0xb8;
	[tilespmem:$0x16380] =	vst v63  }
.Ltmp0:
0x6e: {  	_ =	swait.ge [sflag:s23], $0x4000;
	(pc) =	sbr.rel @p0 .LBB2_2-.Ltmp0, $4  }
0x6f: {  	[sflag:s23] =	ssyncset.done $0x0  }
0x70: {  	s11 =	sadd.s32 s10, s22;
	[sflag:s23] =	ssyncadd.s32 $0xFFFFC000  }
0x71: {  	[tilespmem:s25], [sflag:$0x2] =	stream.linear.gather [hbm4b:s11+s3], $0x800, $0x38;
	[tilespmem:$0x16380] =	vst v63  }
0x72: {  	s8 =	sadd.s32 $0x1000, s8;
	s10 =	sadd.s32 s10, s21  }
0x73: {  	[tilespmem:s28], [sflag:$0x2] =	stream.linear.gather [hbm4b:s10+s3], $0x800, $0x38;
	[tilespmem:$0x16380] =	vst v63  }
0x74: {  	_ =	swait.ge [sflag:s29], $0x4000  }
0x75: {  	[sflag:s29] =	ssyncset.done $0x0  }
0x76: {  	[sflag:s29] =	ssyncadd.s32 $0xFFFFC000  }
0x77: {  	_ =	swait.ge [sflag:s30], $0x800  }
0x78: {  	[sflag:s30] =	ssyncset.done $0x0  }
0x79: {  	[sflag:s30] =	ssyncadd.s32 $0xFFFFF800  }
0x7a: {  	_ =	swait.ge [sflag:s30], $0x800  }
0x7b: {  	[sflag:s30] =	ssyncset.done $0x0  }
0x7c: {  	[sflag:s30] =	ssyncadd.s32 $0xFFFFF800  }
0x7d: {  	[tilespmem:s31], [sflag:$0x1] =	stream.indirect.gather [hbm4b:s4+s25], $0x8, s25, s25, $0xb8;
	[tilespmem:$0x16380] =	vst v63  }
0x7e: {  	_ = 	snop  }
0x7f: {  	[spmem:s2] =	stream.indirect.scatter.add.f32 [tilespmem:s26], [sflag:$0x3], $0x8, s24, s25, $0xb8;
	[tilespmem:$0x16380] =	vst v63  }
0x80: {  	_ =	swait.ge [sflag:s23], $0x4000  }
0x81: {  	[sflag:s23] =	ssyncset.done $0x0  }
0x82: {  	[sflag:s23] =	ssyncadd.s32 $0xFFFFC000  }
0x83: {  	[tilespmem:s3], [sflag:$0x2] =	stream.linear.gather [hbm4b:s18+s3], $0x800, $0x38;
	[tilespmem:$0x16380] =	vst v63  }
0x84: {  	_ = 	snop  }
0x85: {  	[tilespmem:s24], [sflag:$0x2] =	stream.linear.gather [hbm4b:s19+s3], $0x800, $0x38;
	[tilespmem:$0x16380] =	vst v63  }
0x86: {  	_ =	swait.ge [sflag:s29], $0x4000  }
0x87: {  	[sflag:s29] =	ssyncset.done $0x0  }
0x88: {  	[sflag:s29] =	ssyncadd.s32 $0xFFFFC000  }
0x89: {  	_ =	swait.ge [sflag:s30], $0x800  }
0x8a: {  	[sflag:s30] =	ssyncset.done $0x0  }
0x8b: {  	[sflag:s30] =	ssyncadd.s32 $0xFFFFF800  }
0x8c: {  	_ =	swait.ge [sflag:s30], $0x800  }
0x8d: {  	[sflag:s30] =	ssyncset.done $0x0  }
0x8e: {  	[sflag:s30] =	ssyncadd.s32 $0xFFFFF800  }
0x8f: {  	[tilespmem:s26], [sflag:$0x1] =	stream.indirect.gather [hbm4b:s4+s25], $0x8, s3, s25, $0xb8;
	[tilespmem:$0x16380] =	vst v63  }
0x90: {  	_ = 	snop  }
0x91: {  	[spmem:s2] =	stream.indirect.scatter.add.f32 [tilespmem:s31], [sflag:$0x3], $0x8, s28, s25, $0xb8;
	[tilespmem:$0x16380] =	vst v63  }
0x92: {  	_ =	swait.ge [sflag:s23], $0x4000  }
0x93: {  	[sflag:s23] =	ssyncset.done $0x0  }
0x94: {  	[sflag:s23] =	ssyncadd.s32 $0xFFFFC000  }
0x95: {  	[tilespmem:s25], [sflag:$0x2] =	stream.linear.gather [hbm4b:s16+s3], $0x800, $0x38;
	[tilespmem:$0x16380] =	vst v63  }
0x96: {  	_ = 	snop  }
0x97: {  	[tilespmem:s28], [sflag:$0x2] =	stream.linear.gather [hbm4b:s17+s3], $0x800, $0x38;
	[tilespmem:$0x16380] =	vst v63  }
0x98: {  	_ =	swait.ge [sflag:s29], $0x4000  }
0x99: {  	[sflag:s29] =	ssyncset.done $0x0  }
0x9a: {  	[sflag:s29] =	ssyncadd.s32 $0xFFFFC000  }
0x9b: {  	_ =	swait.ge [sflag:s30], $0x800  }
0x9c: {  	[sflag:s30] =	ssyncset.done $0x0  }
0x9d: {  	[sflag:s30] =	ssyncadd.s32 $0xFFFFF800  }
0x9e: {  	_ =	swait.ge [sflag:s30], $0x800  }
0x9f: {  	[sflag:s30] =	ssyncset.done $0x0  }
0xa0: {  	[sflag:s30] =	ssyncadd.s32 $0xFFFFF800  }
0xa1: {  	[tilespmem:s31], [sflag:$0x1] =	stream.indirect.gather [hbm4b:s4+s25], $0x8, s25, s25, $0xb8;
	[tilespmem:$0x16380] =	vst v63  }
0xa2: {  	_ = 	snop  }
0xa3: {  	[spmem:s2] =	stream.indirect.scatter.add.f32 [tilespmem:s26], [sflag:$0x3], $0x8, s24, s25, $0xb8;
	[tilespmem:$0x16380] =	vst v63  }
0xa4: {  	_ =	swait.ge [sflag:s23], $0x4000  }
0xa5: {  	[sflag:s23] =	ssyncset.done $0x0  }
0xa6: {  	[sflag:s23] =	ssyncadd.s32 $0xFFFFC000  }
0xa7: {  	[tilespmem:s3], [sflag:$0x2] =	stream.linear.gather [hbm4b:s16+s3], $0x800, $0x38;
	[tilespmem:$0x16380] =	vst v63  }
0xa8: {  	_ = 	snop  }
0xa9: {  	[tilespmem:s24], [sflag:$0x2] =	stream.linear.gather [hbm4b:s17+s3], $0x800, $0x38;
	[tilespmem:$0x16380] =	vst v63  }
0xaa: {  	_ =	swait.ge [sflag:s29], $0x4000  }
0xab: {  	[sflag:s29] =	ssyncset.done $0x0  }
0xac: {  	[sflag:s29] =	ssyncadd.s32 $0xFFFFC000  }
0xad: {  	_ =	swait.ge [sflag:s30], $0x800  }
0xae: {  	[sflag:s30] =	ssyncset.done $0x0  }
0xaf: {  	[sflag:s30] =	ssyncadd.s32 $0xFFFFF800  }
0xb0: {  	_ =	swait.ge [sflag:s30], $0x800  }
0xb1: {  	[sflag:s30] =	ssyncset.done $0x0  }
0xb2: {  	[sflag:s30] =	ssyncadd.s32 $0xFFFFF800  }
0xb3: {  	[tilespmem:s26], [sflag:$0x1] =	stream.indirect.gather [hbm4b:s4+s25], $0x8, s3, s25, $0xb8;
	[tilespmem:$0x16380] =	vst v63  }
0xb4: {  	_ = 	snop  }
0xb5: {  	[spmem:s2] =	stream.indirect.scatter.add.f32 [tilespmem:s31], [sflag:$0x3], $0x8, s28, s25, $0xb8;
	[tilespmem:$0x16380] =	vst v63  }
0xb6: {  	_ =	swait.ge [sflag:s23], $0x4000  }
0xb7: {  	[sflag:s23] =	ssyncset.done $0x0  }
0xb8: {  	[sflag:s23] =	ssyncadd.s32 $0xFFFFC000  }
0xb9: {  	[tilespmem:s25], [sflag:$0x2] =	stream.linear.gather [hbm4b:s16+s3], $0x800, $0x38;
	[tilespmem:$0x16380] =	vst v63  }
0xba: {  	_ = 	snop  }
0xbb: {  	[tilespmem:s28], [sflag:$0x2] =	stream.linear.gather [hbm4b:s17+s3], $0x800, $0x38;
	[tilespmem:$0x16380] =	vst v63  }
0xbc: {  	_ =	swait.ge [sflag:s29], $0x4000  }
0xbd: {  	[sflag:s29] =	ssyncset.done $0x0  }
0xbe: {  	[sflag:s29] =	ssyncadd.s32 $0xFFFFC000  }
0xbf: {  	_ =	swait.ge [sflag:s30], $0x800  }
0xc0: {  	[sflag:s30] =	ssyncset.done $0x0  }
0xc1: {  	[sflag:s30] =	ssyncadd.s32 $0xFFFFF800  }
0xc2: {  	_ =	swait.ge [sflag:s30], $0x800  }
0xc3: {  	s0 =	sadd.s32 $0x1, s0;
	[sflag:s30] =	ssyncset.done $0x0  }
0xc4: {  	p0 =	sne.s32 s0, s15;
	[sflag:s30] =	ssyncadd.s32 $0xFFFFF800  }
.Ltmp1:
0xc5: {  	[bflag:$0x0] =	sbarrier.arrive $0xFFFF;
	(pc) =	sbr.rel @p0 .LBB2_1-.Ltmp1, $4  }
0xc6: {  	[hbm:s14], [sflag:s9] =	dma.local [spmem:s1], $0x1870  }
0xc7: {  	_ =	swait.ge [sflag:s23], $0x1870  }
0xc8: {  	[sflag:s23] =	ssyncset.done $0x0  }
0xc9: {  	[sflag:s23] =	ssyncadd.s32 $0xFFFFE790  }
0xca: {  	_ =	sfence.sel $0x180000  }
0xcb: {  	[bflag:$0x0] =	sbarrier.arrive $0xFFFF  }
0xcc: {  	_ =	strace $0x9000004D  }
0xcd: {  	s0 =	stileid.u32;
	[bflag:$0x2] =	sbarrier.arrive $0xFFFF  }
0xce: {  	p0 =	sne.s32 s0, $0x0;
	s0 =	rddreg [dreg:$0x2]  }
0xcf: {  	s0 =	sadd.s32 @!p0 $0x100000, s0  }
0xd0: {  	[sflag:s0] =	ssyncadd.tile.s32 @!p0 $0x1;
	_ =	shalt  }
.Lfunc_end2:
_tile_overlayer_lowered:
.L_overlay_start_2:
0xd1: {  	(tag) =	ssettag $0x2  }
0xd2: {  	s0 =	rddreg [dreg:$0x0];
	s2 =	stileid.u32  }
0xd3: {  	s1 =	rddreg [dreg:$0x1];
	p0 =	sne.s32 s2, $0x0  }
0xd4: {  	s3 =	rddreg [dreg:$0x2];
	[bflag:$0x3] =	sbarrier.arrive $0xFFFF;
	s2 =	simm.s32 @!p0 $0x1C03  }
0xd5: {  	[timem:s3], [sflag:s2] =	dma.local @!p0 [hbm:s0], s1  }
0xd6: {  	s0 =	simm.s32 @!p0 $0x3  }
0xd7: {  	_ =	swait.ge @!p0 [sflag:s0], s1  }
0xd8: {  	s1 =	ssub.s32 @!p0 $0x0, s1;
	[sflag:s0] =	ssyncset.done @!p0 $0x0  }
0xd9: {  	[sflag:s0] =	ssyncadd.s32 @!p0 s1  }
0xda: {  	[bflag:$0x3] =	sbarrier.arrive $0xFFFF  }
0xdb: {  	_ =	shalt  }

// kernel: kernel.8.cloned.1.call-start
scs
__scs_entry_jumppad:
0x0: {  	(pc) =	sbr.rel $0x88, $3  }
0x1: {  	(tag) =	ssettag $0x0;
	lr =	simm.s32 $0x1  }
0x2: {  	[smem:$0x3F94] =	sst lr;
	_ =	strace $0xD0000000  }
0x3: {  	_ = 	snop  }
0x4: {  	_ = 	snop  }
0x5: {  	_ = 	snop  }
0x6: {  	_ = 	snop  }
0x7: {  	_ = 	snop  }
__scs_overlays_trampoline_lowered:
0x8: {  	[smem:$0x3FA3] =	sst s0  }
0x9: {  	[smem:$0x3FA4] =	sst s1  }
0xa: {  	[smem:$0x3FA5] =	sst s2  }
0xb: {  	[smem:$0x3FA6] =	sst s3  }
0xc: {  	[smem:$0x3FA7] =	sst s4  }
0xd: {  	[smem:$0x3FA8] =	sst s5  }
0xe: {  	[smem:$0x3FA9] =	sst s6  }
0xf: {  	[smem:$0x3FAA] =	sst s7  }
0x10: {  	[smem:$0x3FAB] =	sst s8  }
0x11: {  	[smem:$0x3FAC] =	sst s9;
	s0 =	simm.s32 @!p0 $0x0  }
0x12: {  	s1 =	sld [smem:$0x3F92];
	s0 =	simm.s32 @p0 $0x1  }
0x13: {  	[smem:$0x3FAD] =	sst s0;
	s0 =	simm.s32 @!p1 $0x0  }
0x14: {  	s2 =	sld [smem:$0x3F91];
	s0 =	simm.s32 @p1 $0x1  }
0x15: {  	[smem:$0x3FAE] =	sst s0;
	s0 =	simm.s32 @!p2 $0x0  }
0x16: {  	s3 =	sld [smem:$0x3FDB];
	s0 =	simm.s32 @p2 $0x1  }
0x17: {  	s4 =	simm.s32 $0x1BF5;
	[smem:$0x3FB0] =	sst s0  }
0x18: {  	s0 =	sld [smem:$0x3F93];
	_ =	swait.ge [sflag:s4], $0x0  }
0x19: {  	s7 =	sld [smem:$0x3F94]  }
0x1a: {  	s8 =	sadd.s32 $0xFFFFE003, lr  }
0x1b: {  	s9 =	sadd.s32 $0xFFFFFEF7, lr;
	s5 =	simm.s32 $0xFFFFFFFF;
	p2 =	slt.u32 s8, $0xFFFFF086  }
0x1c: {  	p1 =	slt.u32 s9, $0xF7A;
	s5 =	simm.s32 @!p2 $0x0  }
0x1d: {  	s5 =	simm.s32 @p1 $0x1;
	p0 =	seq.s32 s7, s2  }
0x1e: {  	s7 =	smul.u32 @!p0 $0xF7A, s2;
	p2 =	seq.s32 @!p0 s5, $0x0  }
0x1f: {  	s9 =	smul.u32 $0xF7A, s1;
	s8 =	simm.s32 @!p0 $0x1BF5;
	p2 =	por !p2, p0  }
0x20: {  	[sflag:s8] =	ssyncset.s32 @!p0 $0xFFFFF086;
	s6 =	sadd.s32 @!p0 s3, s7;
	s7 =	simm.s32 @!p0 $0x108  }
0x21: {  	s3 =	sadd.s32 s3, s9;
	s6 =	sadd.s32 @!p0 $0x88, s6;
	s7 =	simm.s32 @p2 $0x1082  }
0x22: {  	[simem:s7], [sflag:s8] =	dma.local @!p0 [hbm:s6], $0xF7A  }
0x23: {  	s9 =	sor.u32 $0xD0000000, s2;
	s6 =	simm.s32 $0x108;
	_ =	swait.ge @!p0 [sflag:s8], $0x0  }
0x24: {  	s3 =	sadd.s32 $0x88, s3;
	s6 =	simm.s32 @!p1 $0x1082;
	[sflag:s4] =	ssyncset.s32 $0xFFFFF086  }
0x25: {  	[simem:s6], [sflag:s4] =	dma.local [hbm:s3], $0xF7A  }
0x26: {  	[smem:$0x3F94] =	sst s1;
	(tag) =	ssettag s2;
	_ =	strace s9  }
0x27: {  	s1 =	sld [smem:$0x3FA4]  }
0x28: {  	s2 =	sld [smem:$0x3FA5]  }
0x29: {  	s4 =	sld [smem:$0x3FA7]  }
0x2a: {  	p0 =	seq.s32 s5, $0x0;
	s5 =	sld [smem:$0x3FA8]  }
0x2b: {  	s6 =	sld [smem:$0x3FA9]  }
0x2c: {  	s7 =	sld [smem:$0x3FAA]  }
0x2d: {  	s3 =	simm.s32 $0x108;
	s8 =	sld [smem:$0x3FAB]  }
0x2e: {  	s3 =	simm.s32 @!p0 $0x1082;
	s9 =	sld [smem:$0x3FAC]  }
0x2f: {  	lr =	sadd.s32 s0, s3;
	s0 =	sld [smem:$0x3FA3]  }
0x30: {  	s3 =	sld [smem:$0x3FA6]  }
0x31: {  	[smem:$0x3FAF] =	sst s10  }
0x32: {  	s10 =	sld [smem:$0x3FAD];
	_ =	sdelay $0x3  }
0x33: {  	p0 =	seq.s32 s10, $0x1;
	s10 =	sld [smem:$0x3FAF];
	_ =	sdelay $0x3  }
0x34: {  	[smem:$0x3FAF] =	sst s10  }
0x35: {  	s10 =	sld [smem:$0x3FAE];
	_ =	sdelay $0x3  }
0x36: {  	p1 =	seq.s32 s10, $0x1;
	s10 =	sld [smem:$0x3FAF];
	_ =	sdelay $0x3  }
0x37: {  	[smem:$0x3FAF] =	sst s10  }
0x38: {  	s10 =	sld [smem:$0x3FB0]  }
0x39: {  	_ = 	snop;
	(pc) =	sbr.ind lr, $3  }
0x3a: {  	_ = 	snop  }
0x3b: {  	_ = 	snop  }
0x3c: {  	p2 =	seq.s32 s10, $0x1;
	s10 =	sld [smem:$0x3FAF]  }
0x3d: {  	_ =	shalt  }
0x3e: {  	_ =	shalt  }
0x3f: {  	_ =	shalt  }
0x40: {  	_ =	shalt  }
0x41: {  	_ =	shalt  }
0x42: {  	_ =	shalt  }
0x43: {  	_ =	shalt  }
0x44: {  	_ =	shalt  }
0x45: {  	_ =	shalt  }
0x46: {  	_ =	shalt  }
0x47: {  	_ =	shalt  }
0x48: {  	_ =	shalt  }
0x49: {  	_ =	shalt  }
0x4a: {  	_ =	shalt  }
0x4b: {  	_ =	shalt  }
0x4c: {  	_ =	shalt  }
0x4d: {  	_ =	shalt  }
0x4e: {  	_ =	shalt  }
0x4f: {  	_ =	shalt  }
0x50: {  	_ =	shalt  }
0x51: {  	_ =	shalt  }
0x52: {  	_ =	shalt  }
0x53: {  	_ =	shalt  }
0x54: {  	_ =	shalt  }
0x55: {  	_ =	shalt  }
0x56: {  	_ =	shalt  }
0x57: {  	_ =	shalt  }
0x58: {  	_ =	shalt  }
0x59: {  	_ =	shalt  }
0x5a: {  	_ =	shalt  }
0x5b: {  	_ =	shalt  }
0x5c: {  	_ =	shalt  }
0x5d: {  	_ =	shalt  }
0x5e: {  	_ =	shalt  }
0x5f: {  	_ =	shalt  }
0x60: {  	_ =	shalt  }
0x61: {  	_ =	shalt  }
0x62: {  	_ =	shalt  }
0x63: {  	_ =	shalt  }
0x64: {  	_ =	shalt  }
0x65: {  	_ =	shalt  }
0x66: {  	_ =	shalt  }
0x67: {  	_ =	shalt  }
0x68: {  	_ =	shalt  }
0x69: {  	_ =	shalt  }
0x6a: {  	_ =	shalt  }
0x6b: {  	_ =	shalt  }
0x6c: {  	_ =	shalt  }
0x6d: {  	_ =	shalt  }
0x6e: {  	_ =	shalt  }
0x6f: {  	_ =	shalt  }
0x70: {  	_ =	shalt  }
0x71: {  	_ =	shalt  }
0x72: {  	_ =	shalt  }
0x73: {  	_ =	shalt  }
0x74: {  	_ =	shalt  }
0x75: {  	_ =	shalt  }
0x76: {  	_ =	shalt  }
0x77: {  	_ =	shalt  }
0x78: {  	_ =	shalt  }
0x79: {  	_ =	shalt  }
0x7a: {  	_ =	shalt  }
0x7b: {  	_ =	shalt  }
0x7c: {  	_ =	shalt  }
0x7d: {  	_ =	shalt  }
0x7e: {  	_ =	shalt  }
0x7f: {  	_ =	shalt  }
0x80: {  	_ =	shalt  }
0x81: {  	_ =	shalt  }
0x82: {  	_ =	shalt  }
0x83: {  	_ =	shalt  }
0x84: {  	_ =	shalt  }
0x85: {  	_ =	shalt  }
0x86: {  	_ =	shalt  }
0x87: {  	_ =	shalt  }
.Lfunc_end0:
.L_simem_size_0:
called_computation_lowered:
.L_overlay_start_0:
0x88: {  	s2 =	sld [smem:$0x3FD9]  }
0x89: {  	s3 =	sld [smem:$0x3FFE];
	_ =	sdelay $0x1  }
0x8a: {  	s1 =	srdreg.scid  }
0x8b: {  	s0 =	sand.u32 $0x1, s1  }
0x8c: {  	s16 =	sshll.u32 s0, $0xA;
	s2 =	sadd.s32 s3, s2  }
0x8d: {  	s2 =	sadd.s32 s2, s16  }
0x8e: {  	[smem:$0x3FBB] =	sst s2  }
0x8f: {  	_ = 	snop  }
0x90: {  	(tm) =	ssettm $0x1  }
0x91: {  	s17 =	sld [smem:$0x3FFB];
	_ =	sdelay $0x3  }
0x92: {  	_ =	strace s17  }
0x93: {  	s2 =	sld [smem:$0x3FFC];
	_ =	sdelay $0x3  }
0x94: {  	_ =	strace s2  }
0x95: {  	s2 =	sld [smem:$0x3FFD];
	_ =	sdelay $0x3  }
0x96: {  	_ =	strace s2  }
0x97: {  	_ =	strace $0x8FFFFFFF  }
0x98: {  	s18 =	sld [smem:$0x3FDB];
	_ =	sdelay $0x1  }
0x99: {  	s19 =	simm.s32 $_scs_section_size  }
0x9a: {  	s4 =	simm.s32 $_size__tile_overlayer_lowered;
	s5 =	simm.s32 $_tile_overlayer_lowered  }
0x9b: {  	s22 =	simm.s32 $0x1BFF;
	s21 =	sshll.u32 s5, $0x1;
	s2 =	sadd.s32 s19, s18  }
0x9c: {  	s6 =	simm.s32 $0x0;
	s20 =	sshll.u32 s4, $0x1;
	s4 =	sadd.s32 s21, s2  }
0x9d: {  	[timem:s6], [sflag:s22] =	dma.local [hbm:s4], s20  }
0x9e: {  	_ =	swait.ge [sflag:s22], s20  }
0x9f: {  	s3 =	ssub.s32 $0x0, s20;
	[sflag:s22] =	ssyncset.done $0x0  }
0xa0: {  	[sflag:s22] =	ssyncadd.s32 s3;
	_ =	sdelay $0x1  }
0xa1: {  	s23 =	simm.s32 $0x1B8B  }
0xa2: {  	_ =	swait.ge [sflag:s23], $0x1  }
0xa3: {  	[sflag:s23] =	ssyncset.done $0x0  }
0xa4: {  	s25 =	simm.s32 $0x1B8E;
	s24 =	sld [smem:$0x3FFE];
	[sflag:s23] =	ssyncadd.s32 $0xFFFFFFFF  }
0xa5: {  	s26 =	simm.s32 $execute0_lowered;
	[smem:$0x3FD2] =	sst s25  }
0xa6: {  	s4 =	sshll.u32 s26, $0x1;
	_ =	strace $0x80000046;
	[dreg:$0x1] =	wrdreg $0xFFFFFFFF  }
0xa7: {  	s28 =	simm.s32 $_size_execute0_lowered;
	s2 =	sadd.s32 s2, s4;
	[dreg:$0x0] =	wrdreg $0x0  }
0xa8: {  	s4 =	sshll.u32 s28, $0x1;
	[dreg:$0x2] =	wrdreg s2  }
0xa9: {  	[dreg:$0x3] =	wrdreg s4  }
0xaa: {  	[dreg:$0x4] =	wrdreg $0xC0  }
0xab: {  	_ =	task [dreg:s6], $0x5FFFF  }
0xac: {  	[dreg:$0x1] =	wrdreg $0xFFFFFFFF  }
0xad: {  	[dreg:$0x0] =	wrdreg $0x60  }
0xae: {  	[dreg:$0x2] =	wrdreg s24  }
0xaf: {  	[dreg:$0x3] =	wrdreg $0xA0000  }
0xb0: {  	[dreg:$0x4] =	wrdreg $0x9  }
0xb1: {  	_ =	task.clear_ibuf [dreg:s6], $0x5FFFF;
	_ =	strace $0x90000046  }
0xb2: {  	s29 =	simm.s32 $0x9;
	_ =	strace $0x80000048  }
0xb3: {  	_ =	swait.ge [sflag:s29], $0x1  }
0xb4: {  	[sflag:s29] =	ssyncadd.s32 $0xFFFFFFFF  }
0xb5: {  	_ =	strace $0x90000048  }
0xb6: {  	_ =	sfence  }
0xb7: {  	s30 =	sld [smem:$0x0];
	_ =	sdelay $0x2  }
0xb8: {  	s31 =	sshll.u32 s1, $0xD;
	s1 =	sshrl.u32 s1, $0x2  }
0xb9: {  	s3 =	sand.u32 $0x4000, s31;
	s1 =	sadd.s32 s1, s30  }
0xba: {  	s0 =	sor.u32 s3, s0;
	s1 =	sshll.u32 s1, $0x11  }
0xbb: {  	s0 =	sor.u32 s1, s0  }
0xbc: {  	s0 =	sadd.s32 $0x8F2B, s0  }
0xbd: {  	[sflag:s0] =	ssyncadd.remote.s32 $0x1  }
0xbe: {  	_ =	sfence.sel $0xFFFF  }
0xbf: {  	[dreg:$0x0] =	wrdreg $0xFFFFFFFF;
	(pc) =	sbr.abs _section_cstart, $3  }
0xc0: {  	[dreg:$0x1] =	wrdreg $0xFFFFFFFF  }
0xc1: {  	_ =	task.clear_ibuf [dreg:s6], $0x2FFFF;
	_ =	strace $0x9FFFFFFF  }
0xc2: {  	(tm) =	ssettm $0x7FFFFFFF  }
0xc3: {  	_ =	shalt  }
tec
execute0_lowered:
.L_overlay_start_1:
0x0: {  	(tag) =	ssettag $0x1  }
0x1: {  	s0 =	rddreg [dreg:$0x0]  }
0x2: {  	s2 =	rddreg [dreg:$0x1];
	s3 =	simm.s32 $0x0;
	s12 =	stileid.u32  }
0x3: {  	s1 =	srdreg.scid;
	s28 =	simm.s32 $0x1800;
	s29 =	simm.s32 $0x1  }
0x4: {  	s30 =	simm.s32 $0x2;
	s31 =	simm.s32 $0x6000;
	[smem:$0x7FF] =	sst s3  }
0x5: {  	s7 =	smul.u32 $0xC380, s12;
	s1 =	sand.u32 $0x1, s1;
	s4 =	sadd.s32 $0x3A00, s0  }
0x6: {  	s5 =	sadd.s32 $0x1C200, s0;
	s6 =	sadd.s32 $0x311400, s0;
	s10 =	sshll.u32 s12, $0x1  }
0x7: {  	s18 =	sshll.u32 s12, $0x6;
	_ =	strace $0x80000047;
	s8 =	smul.u32 $0xC3800, s1  }
0x8: {  	s11 =	ssub.s32 $0x2, s1;
	s10 =	sor.u32 s1, s10;
	s1 =	smul.u32 $0x31000, s1  }
0x9: {  	s9 =	sshrl.u32 s7, $0x3;
	s17 =	sshrl.u32 s11, $0x1;
	s10 =	smul.u32 $0x31000, s10  }
0xa: {  	s9 =	sadd.s32 s9, s0;
	s8 =	sadd.s32 s7, s8;
	s7 =	sadd.s32 s7, s2  }
0xb: {  	s8 =	sshrl.u32 s8, $0x3;
	[dreg:$0x3] =	wrdreg s7;
	s9 =	sadd.s32 $0xE0200, s9  }
0xc: {  	s19 =	sshrl.u32 s10, $0x3;
	s0 =	sadd.s32 s8, s0;
	s8 =	ssub.s32 s11, s17  }
0xd: {  	[dreg:$0x4] =	wrdreg s9;
	s9 =	sor.u32 $0x1C03, s18;
	s10 =	sadd.s32 s5, s19  }
0xe: {  	s20 =	sor.u32 $0x100, s19;
	s17 =	smul.u32 $0x62000, s12;
	s21 =	sadd.s32 s6, s19  }
0xf: {  	s23 =	sadd.s32 $0x6100, s19;
	s24 =	sadd.s32 $0x6000, s19;
	[dreg:$0x5] =	wrdreg s10  }
0x10: {  	[dreg:$0x6] =	wrdreg s21;
	s22 =	sadd.s32 s5, s20;
	s13 =	sadd.s32 s6, s20  }
0x11: {  	s14 =	sadd.s32 $0xF8A00, s0;
	s15 =	smax.u32 s8, $0x1;
	s16 =	sadd.s32 s5, s23  }
0x12: {  	s18 =	sadd.s32 s5, s24;
	s19 =	sadd.s32 s6, s24;
	s24 =	simm.s32 $0x1000  }
0x13: {  	s0 =	simm.s32 $0x0;
	[dreg:$0x7] =	wrdreg s22;
	s1 =	sadd.s32 s1, s17  }
0x14: {  	s17 =	sadd.s32 s6, s23;
	s23 =	simm.s32 $0x3;
	s25 =	sadd.s32 $0x1800, s1  }
0x15: {  	s20 =	sadd.s32 $0x1000, s1;
	s26 =	sshrl.u32 s25, $0x3;
	s25 =	simm.s32 $0x800  }
0x16: {  	s21 =	sadd.s32 s26, s6;
	s22 =	sadd.s32 s26, s5;
	s26 =	simm.s32 $0x2000  }
.LBB2_1:
0x17: {  	s1 =	rddreg [dreg:$0x3]  }
0x18: {  	s7 =	rddreg [dreg:$0x4];
	s1 =	sshrl.u32 s1, $0x3  }
0x19: {  	[spmem:s1], [sflag:s9] =	dma.local [hbm:s7], $0x1870  }
0x1a: {  	_ =	swait.ge [sflag:s23], $0x1870  }
0x1b: {  	[sflag:s23] =	ssyncset.done $0x0  }
0x1c: {  	[sflag:s23] =	ssyncadd.s32 $0xFFFFE790  }
0x1d: {  	[bflag:$0x0] =	sbarrier.arrive $0xFFFF  }
0x1e: {  	s12 =	rddreg [dreg:$0x5]  }
0x1f: {  	[tilespmem:s3], [sflag:$0x3] =	stream.linear.gather [hbm4b:s12+s3], $0x800, $0x38;
	[tilespmem:$0x16380] =	vst v63  }
0x20: {  	_ =	swait.ge [sflag:s23], $0x800  }
0x21: {  	[sflag:s23] =	ssyncset.done $0x0  }
0x22: {  	s8 =	rddreg [dreg:$0x6];
	[sflag:s23] =	ssyncadd.s32 $0xFFFFF800  }
0x23: {  	[tilespmem:s24], [sflag:$0x3] =	stream.linear.gather [hbm4b:s8+s3], $0x800, $0x38;
	[tilespmem:$0x16380] =	vst v63  }
0x24: {  	_ =	swait.ge [sflag:s23], $0x800  }
0x25: {  	[sflag:s23] =	ssyncset.done $0x0  }
0x26: {  	[sflag:s23] =	ssyncadd.s32 $0xFFFFF800  }
0x27: {  	[tilespmem:s26], [sflag:$0x1] =	stream.indirect.gather [hbm4b:s4+s25], $0x8, s3, s25, $0xb8;
	[tilespmem:$0x16380] =	vst v63  }
0x28: {  	s10 =	rddreg [dreg:$0x7]  }
0x29: {  	[tilespmem:s25], [sflag:$0x2] =	stream.linear.gather [hbm4b:s10+s3], $0x800, $0x38;
	[tilespmem:$0x16380] =	vst v63  }
0x2a: {  	_ = 	snop  }
0x2b: {  	[tilespmem:s28], [sflag:$0x2] =	stream.linear.gather [hbm4b:s13+s3], $0x800, $0x38;
	[tilespmem:$0x16380] =	vst v63  }
0x2c: {  	_ =	swait.ge [sflag:s29], $0x4000  }
0x2d: {  	[sflag:s29] =	ssyncset.done $0x0  }
0x2e: {  	[sflag:s29] =	ssyncadd.s32 $0xFFFFC000  }
0x2f: {  	_ =	swait.ge [sflag:s30], $0x800  }
0x30: {  	[sflag:s30] =	ssyncset.done $0x0  }
0x31: {  	[sflag:s30] =	ssyncadd.s32 $0xFFFFF800  }
0x32: {  	_ =	swait.ge [sflag:s30], $0x800  }
0x33: {  	[sflag:s30] =	ssyncset.done $0x0  }
0x34: {  	[sflag:s30] =	ssyncadd.s32 $0xFFFFF800  }
0x35: {  	[tilespmem:s31], [sflag:$0x1] =	stream.indirect.gather [hbm4b:s4+s25], $0x8, s25, s25, $0xb8;
	[tilespmem:$0x16380] =	vst v63  }
0x36: {  	_ = 	snop  }
0x37: {  	[spmem:s2] =	stream.indirect.scatter.add.f32 [tilespmem:s26], [sflag:$0x3], $0x8, s24, s25, $0xb8;
	[tilespmem:$0x16380] =	vst v63  }
0x38: {  	_ =	swait.ge [sflag:s23], $0x4000  }
0x39: {  	s11 =	sshrl.u32 s20, $0x3;
	[sflag:s23] =	ssyncset.done $0x0  }
0x3a: {  	s8 =	sadd.s32 s5, s11;
	[sflag:s23] =	ssyncadd.s32 $0xFFFFC000  }
0x3b: {  	[tilespmem:s3], [sflag:$0x2] =	stream.linear.gather [hbm4b:s8+s3], $0x800, $0x38;
	[tilespmem:$0x16380] =	vst v63  }
0x3c: {  	s7 =	sadd.s32 s6, s11  }
0x3d: {  	[tilespmem:s24], [sflag:$0x2] =	stream.linear.gather [hbm4b:s7+s3], $0x800, $0x38;
	[tilespmem:$0x16380] =	vst v63  }
0x3e: {  	_ =	swait.ge [sflag:s29], $0x4000  }
0x3f: {  	[sflag:s29] =	ssyncset.done $0x0  }
0x40: {  	[sflag:s29] =	ssyncadd.s32 $0xFFFFC000  }
0x41: {  	_ =	swait.ge [sflag:s30], $0x800  }
0x42: {  	[sflag:s30] =	ssyncset.done $0x0  }
0x43: {  	[sflag:s30] =	ssyncadd.s32 $0xFFFFF800  }
0x44: {  	_ =	swait.ge [sflag:s30], $0x800  }
0x45: {  	[sflag:s30] =	ssyncset.done $0x0  }
0x46: {  	[sflag:s30] =	ssyncadd.s32 $0xFFFFF800  }
0x47: {  	[tilespmem:s26], [sflag:$0x1] =	stream.indirect.gather [hbm4b:s4+s25], $0x8, s3, s25, $0xb8;
	[tilespmem:$0x16380] =	vst v63  }
0x48: {  	_ = 	snop  }
0x49: {  	[spmem:s2] =	stream.indirect.scatter.add.f32 [tilespmem:s31], [sflag:$0x3], $0x8, s28, s25, $0xb8;
	[tilespmem:$0x16380] =	vst v63  }
0x4a: {  	_ =	swait.ge [sflag:s23], $0x4000  }
0x4b: {  	s12 =	sadd.s32 $0x0, s22;
	s10 =	sadd.s32 $0x0, s21;
	[sflag:s23] =	ssyncset.done $0x0  }
0x4c: {  	s8 =	sadd.s32 $0x1000, s20;
	s7 =	simm.s32 $0x200;
	[sflag:s23] =	ssyncadd.s32 $0xFFFFC000  }
0x4d: {  	[tilespmem:s25], [sflag:$0x2] =	stream.linear.gather [hbm4b:s12+s3], $0x800, $0x38;
	[tilespmem:$0x16380] =	vst v63  }
.LBB2_2:
0x4e: {  	[tilespmem:s28], [sflag:$0x2] =	stream.linear.gather [hbm4b:s10+s3], $0x800, $0x38;
	[tilespmem:$0x16380] =	vst v63  }
0x4f: {  	s10 =	smov.u32 s7  }
0x50: {  	p0 =	sne.s32 s7, $0x5C00;
	s7 =	sadd.s32 $0x200, s7;
	_ =	swait.ge [sflag:s29], $0x4000  }
0x51: {  	[sflag:s29] =	ssyncset.done $0x0  }
0x52: {  	[sflag:s29] =	ssyncadd.s32 $0xFFFFC000  }
0x53: {  	_ =	swait.ge [sflag:s30], $0x800  }
0x54: {  	[sflag:s30] =	ssyncset.done $0x0  }
0x55: {  	[sflag:s30] =	ssyncadd.s32 $0xFFFFF800  }
0x56: {  	_ =	swait.ge [sflag:s30], $0x800  }
0x57: {  	[sflag:s30] =	ssyncset.done $0x0  }
0x58: {  	[sflag:s30] =	ssyncadd.s32 $0xFFFFF800  }
0x59: {  	[tilespmem:s31], [sflag:$0x1] =	stream.indirect.gather [hbm4b:s4+s25], $0x8, s25, s25, $0xb8;
	[tilespmem:$0x16380] =	vst v63  }
0x5a: {  	_ = 	snop  }
0x5b: {  	[spmem:s2] =	stream.indirect.scatter.add.f32 [tilespmem:s26], [sflag:$0x3], $0x8, s24, s25, $0xb8;
	[tilespmem:$0x16380] =	vst v63  }
0x5c: {  	_ =	swait.ge [sflag:s23], $0x4000  }
0x5d: {  	s11 =	sshrl.u32 s8, $0x3;
	[sflag:s23] =	ssyncset.done $0x0  }
0x5e: {  	s12 =	sadd.s32 s5, s11;
	[sflag:s23] =	ssyncadd.s32 $0xFFFFC000  }
0x5f: {  	[tilespmem:s3], [sflag:$0x2] =	stream.linear.gather [hbm4b:s12+s3], $0x800, $0x38;
	[tilespmem:$0x16380] =	vst v63  }
0x60: {  	s11 =	sadd.s32 s6, s11  }
0x61: {  	[tilespmem:s24], [sflag:$0x2] =	stream.linear.gather [hbm4b:s11+s3], $0x800, $0x38;
	[tilespmem:$0x16380] =	vst v63  }
0x62: {  	_ =	swait.ge [sflag:s29], $0x4000  }
0x63: {  	[sflag:s29] =	ssyncset.done $0x0  }
0x64: {  	[sflag:s29] =	ssyncadd.s32 $0xFFFFC000  }
0x65: {  	_ =	swait.ge [sflag:s30], $0x800  }
0x66: {  	[sflag:s30] =	ssyncset.done $0x0  }
0x67: {  	[sflag:s30] =	ssyncadd.s32 $0xFFFFF800  }
0x68: {  	_ =	swait.ge [sflag:s30], $0x800  }
0x69: {  	[sflag:s30] =	ssyncset.done $0x0  }
0x6a: {  	[sflag:s30] =	ssyncadd.s32 $0xFFFFF800  }
0x6b: {  	[tilespmem:s26], [sflag:$0x1] =	stream.indirect.gather [hbm4b:s4+s25], $0x8, s3, s25, $0xb8;
	[tilespmem:$0x16380] =	vst v63  }
0x6c: {  	_ = 	snop  }
0x6d: {  	[spmem:s2] =	stream.indirect.scatter.add.f32 [tilespmem:s31], [sflag:$0x3], $0x8, s28, s25, $0xb8;
	[tilespmem:$0x16380] =	vst v63  }
.Ltmp0:
0x6e: {  	_ =	swait.ge [sflag:s23], $0x4000;
	(pc) =	sbr.rel @p0 .LBB2_2-.Ltmp0, $4  }
0x6f: {  	[sflag:s23] =	ssyncset.done $0x0  }
0x70: {  	s11 =	sadd.s32 s10, s22;
	[sflag:s23] =	ssyncadd.s32 $0xFFFFC000  }
0x71: {  	[tilespmem:s25], [sflag:$0x2] =	stream.linear.gather [hbm4b:s11+s3], $0x800, $0x38;
	[tilespmem:$0x16380] =	vst v63  }
0x72: {  	s8 =	sadd.s32 $0x1000, s8;
	s10 =	sadd.s32 s10, s21  }
0x73: {  	[tilespmem:s28], [sflag:$0x2] =	stream.linear.gather [hbm4b:s10+s3], $0x800, $0x38;
	[tilespmem:$0x16380] =	vst v63  }
0x74: {  	_ =	swait.ge [sflag:s29], $0x4000  }
0x75: {  	[sflag:s29] =	ssyncset.done $0x0  }
0x76: {  	[sflag:s29] =	ssyncadd.s32 $0xFFFFC000  }
0x77: {  	_ =	swait.ge [sflag:s30], $0x800  }
0x78: {  	[sflag:s30] =	ssyncset.done $0x0  }
0x79: {  	[sflag:s30] =	ssyncadd.s32 $0xFFFFF800  }
0x7a: {  	_ =	swait.ge [sflag:s30], $0x800  }
0x7b: {  	[sflag:s30] =	ssyncset.done $0x0  }
0x7c: {  	[sflag:s30] =	ssyncadd.s32 $0xFFFFF800  }
0x7d: {  	[tilespmem:s31], [sflag:$0x1] =	stream.indirect.gather [hbm4b:s4+s25], $0x8, s25, s25, $0xb8;
	[tilespmem:$0x16380] =	vst v63  }
0x7e: {  	_ = 	snop  }
0x7f: {  	[spmem:s2] =	stream.indirect.scatter.add.f32 [tilespmem:s26], [sflag:$0x3], $0x8, s24, s25, $0xb8;
	[tilespmem:$0x16380] =	vst v63  }
0x80: {  	_ =	swait.ge [sflag:s23], $0x4000  }
0x81: {  	[sflag:s23] =	ssyncset.done $0x0  }
0x82: {  	[sflag:s23] =	ssyncadd.s32 $0xFFFFC000  }
0x83: {  	[tilespmem:s3], [sflag:$0x2] =	stream.linear.gather [hbm4b:s18+s3], $0x800, $0x38;
	[tilespmem:$0x16380] =	vst v63  }
0x84: {  	_ = 	snop  }
0x85: {  	[tilespmem:s24], [sflag:$0x2] =	stream.linear.gather [hbm4b:s19+s3], $0x800, $0x38;
	[tilespmem:$0x16380] =	vst v63  }
0x86: {  	_ =	swait.ge [sflag:s29], $0x4000  }
0x87: {  	[sflag:s29] =	ssyncset.done $0x0  }
0x88: {  	[sflag:s29] =	ssyncadd.s32 $0xFFFFC000  }
0x89: {  	_ =	swait.ge [sflag:s30], $0x800  }
0x8a: {  	[sflag:s30] =	ssyncset.done $0x0  }
0x8b: {  	[sflag:s30] =	ssyncadd.s32 $0xFFFFF800  }
0x8c: {  	_ =	swait.ge [sflag:s30], $0x800  }
0x8d: {  	[sflag:s30] =	ssyncset.done $0x0  }
0x8e: {  	[sflag:s30] =	ssyncadd.s32 $0xFFFFF800  }
0x8f: {  	[tilespmem:s26], [sflag:$0x1] =	stream.indirect.gather [hbm4b:s4+s25], $0x8, s3, s25, $0xb8;
	[tilespmem:$0x16380] =	vst v63  }
0x90: {  	_ = 	snop  }
0x91: {  	[spmem:s2] =	stream.indirect.scatter.add.f32 [tilespmem:s31], [sflag:$0x3], $0x8, s28, s25, $0xb8;
	[tilespmem:$0x16380] =	vst v63  }
0x92: {  	_ =	swait.ge [sflag:s23], $0x4000  }
0x93: {  	[sflag:s23] =	ssyncset.done $0x0  }
0x94: {  	[sflag:s23] =	ssyncadd.s32 $0xFFFFC000  }
0x95: {  	[tilespmem:s25], [sflag:$0x2] =	stream.linear.gather [hbm4b:s16+s3], $0x800, $0x38;
	[tilespmem:$0x16380] =	vst v63  }
0x96: {  	_ = 	snop  }
0x97: {  	[tilespmem:s28], [sflag:$0x2] =	stream.linear.gather [hbm4b:s17+s3], $0x800, $0x38;
	[tilespmem:$0x16380] =	vst v63  }
0x98: {  	_ =	swait.ge [sflag:s29], $0x4000  }
0x99: {  	[sflag:s29] =	ssyncset.done $0x0  }
0x9a: {  	[sflag:s29] =	ssyncadd.s32 $0xFFFFC000  }
0x9b: {  	_ =	swait.ge [sflag:s30], $0x800  }
0x9c: {  	[sflag:s30] =	ssyncset.done $0x0  }
0x9d: {  	[sflag:s30] =	ssyncadd.s32 $0xFFFFF800  }
0x9e: {  	_ =	swait.ge [sflag:s30], $0x800  }
0x9f: {  	[sflag:s30] =	ssyncset.done $0x0  }
0xa0: {  	[sflag:s30] =	ssyncadd.s32 $0xFFFFF800  }
0xa1: {  	[tilespmem:s31], [sflag:$0x1] =	stream.indirect.gather [hbm4b:s4+s25], $0x8, s25, s25, $0xb8;
	[tilespmem:$0x16380] =	vst v63  }
0xa2: {  	_ = 	snop  }
0xa3: {  	[spmem:s2] =	stream.indirect.scatter.add.f32 [tilespmem:s26], [sflag:$0x3], $0x8, s24, s25, $0xb8;
	[tilespmem:$0x16380] =	vst v63  }
0xa4: {  	_ =	swait.ge [sflag:s23], $0x4000  }
0xa5: {  	[sflag:s23] =	ssyncset.done $0x0  }
0xa6: {  	[sflag:s23] =	ssyncadd.s32 $0xFFFFC000  }
0xa7: {  	[tilespmem:s3], [sflag:$0x2] =	stream.linear.gather [hbm4b:s16+s3], $0x800, $0x38;
	[tilespmem:$0x16380] =	vst v63  }
0xa8: {  	_ = 	snop  }
0xa9: {  	[tilespmem:s24], [sflag:$0x2] =	stream.linear.gather [hbm4b:s17+s3], $0x800, $0x38;
	[tilespmem:$0x16380] =	vst v63  }
0xaa: {  	_ =	swait.ge [sflag:s29], $0x4000  }
0xab: {  	[sflag:s29] =	ssyncset.done $0x0  }
0xac: {  	[sflag:s29] =	ssyncadd.s32 $0xFFFFC000  }
0xad: {  	_ =	swait.ge [sflag:s30], $0x800  }
0xae: {  	[sflag:s30] =	ssyncset.done $0x0  }
0xaf: {  	[sflag:s30] =	ssyncadd.s32 $0xFFFFF800  }
0xb0: {  	_ =	swait.ge [sflag:s30], $0x800  }
0xb1: {  	[sflag:s30] =	ssyncset.done $0x0  }
0xb2: {  	[sflag:s30] =	ssyncadd.s32 $0xFFFFF800  }
0xb3: {  	[tilespmem:s26], [sflag:$0x1] =	stream.indirect.gather [hbm4b:s4+s25], $0x8, s3, s25, $0xb8;
	[tilespmem:$0x16380] =	vst v63  }
0xb4: {  	_ = 	snop  }
0xb5: {  	[spmem:s2] =	stream.indirect.scatter.add.f32 [tilespmem:s31], [sflag:$0x3], $0x8, s28, s25, $0xb8;
	[tilespmem:$0x16380] =	vst v63  }
0xb6: {  	_ =	swait.ge [sflag:s23], $0x4000  }
0xb7: {  	[sflag:s23] =	ssyncset.done $0x0  }
0xb8: {  	[sflag:s23] =	ssyncadd.s32 $0xFFFFC000  }
0xb9: {  	[tilespmem:s25], [sflag:$0x2] =	stream.linear.gather [hbm4b:s16+s3], $0x800, $0x38;
	[tilespmem:$0x16380] =	vst v63  }
0xba: {  	_ = 	snop  }
0xbb: {  	[tilespmem:s28], [sflag:$0x2] =	stream.linear.gather [hbm4b:s17+s3], $0x800, $0x38;
	[tilespmem:$0x16380] =	vst v63  }
0xbc: {  	_ =	swait.ge [sflag:s29], $0x4000  }
0xbd: {  	[sflag:s29] =	ssyncset.done $0x0  }
0xbe: {  	[sflag:s29] =	ssyncadd.s32 $0xFFFFC000  }
0xbf: {  	_ =	swait.ge [sflag:s30], $0x800  }
0xc0: {  	[sflag:s30] =	ssyncset.done $0x0  }
0xc1: {  	[sflag:s30] =	ssyncadd.s32 $0xFFFFF800  }
0xc2: {  	_ =	swait.ge [sflag:s30], $0x800  }
0xc3: {  	s0 =	sadd.s32 $0x1, s0;
	[sflag:s30] =	ssyncset.done $0x0  }
0xc4: {  	p0 =	sne.s32 s0, s15;
	[sflag:s30] =	ssyncadd.s32 $0xFFFFF800  }
.Ltmp1:
0xc5: {  	[bflag:$0x0] =	sbarrier.arrive $0xFFFF;
	(pc) =	sbr.rel @p0 .LBB2_1-.Ltmp1, $4  }
0xc6: {  	[hbm:s14], [sflag:s9] =	dma.local [spmem:s1], $0x1870  }
0xc7: {  	_ =	swait.ge [sflag:s23], $0x1870  }
0xc8: {  	[sflag:s23] =	ssyncset.done $0x0  }
0xc9: {  	[sflag:s23] =	ssyncadd.s32 $0xFFFFE790  }
0xca: {  	_ =	sfence.sel $0x180000  }
0xcb: {  	[bflag:$0x0] =	sbarrier.arrive $0xFFFF  }
0xcc: {  	_ =	strace $0x90000047  }
0xcd: {  	s0 =	stileid.u32;
	[bflag:$0x2] =	sbarrier.arrive $0xFFFF  }
0xce: {  	p0 =	sne.s32 s0, $0x0;
	s0 =	rddreg [dreg:$0x2]  }
0xcf: {  	s0 =	sadd.s32 @!p0 $0x100000, s0  }
0xd0: {  	[sflag:s0] =	ssyncadd.tile.s32 @!p0 $0x1;
	_ =	shalt  }
.Lfunc_end2:
_tile_overlayer_lowered:
.L_overlay_start_2:
0xd1: {  	(tag) =	ssettag $0x2  }
0xd2: {  	s0 =	rddreg [dreg:$0x0];
	s2 =	stileid.u32  }
0xd3: {  	s1 =	rddreg [dreg:$0x1];
	p0 =	sne.s32 s2, $0x0  }
0xd4: {  	s3 =	rddreg [dreg:$0x2];
	[bflag:$0x3] =	sbarrier.arrive $0xFFFF;
	s2 =	simm.s32 @!p0 $0x1C03  }
0xd5: {  	[timem:s3], [sflag:s2] =	dma.local @!p0 [hbm:s0], s1  }
0xd6: {  	s0 =	simm.s32 @!p0 $0x3  }
0xd7: {  	_ =	swait.ge @!p0 [sflag:s0], s1  }
0xd8: {  	s1 =	ssub.s32 @!p0 $0x0, s1;
	[sflag:s0] =	ssyncset.done @!p0 $0x0  }
0xd9: {  	[sflag:s0] =	ssyncadd.s32 @!p0 s1  }
0xda: {  	[bflag:$0x3] =	sbarrier.arrive $0xFFFF  }
0xdb: {  	_ =	shalt  }

</sc_bundles>
